<compile_context>
chip_gen: v7x
topology: tpu7x:2x2x1
jax: 0.10.2.dev20260603
libtpu: 0.0.44.dev20260713+nightly
codegen_flags: <defaults>
</compile_context>

<pallas_src>
import functools

import jax
import jax.numpy as jnp
from jax import lax
from jax.experimental import pallas as pl
from jax.experimental.pallas import tpu as pltpu
from jax.experimental.pallas import tpu_sc as plsc

N_NODES = 10000
N_EDGES = 320000
D_IN = 128
D_HID = 128
N_CLASSES = 40

NC = 2
NS = 16
LANES = 16
NW = NC * NS
FPW = D_HID // NW
CH = 3200
NCH = N_EDGES // CH
GR = CH // LANES

_SC_MESH = plsc.VectorSubcoreMesh(
    core_axis_name="c", subcore_axis_name="s", num_cores=NC, num_subcores=NS)


UNROLL = 4


@functools.partial(
    pl.kernel,
    out_type=jax.ShapeDtypeStruct((D_HID * N_NODES,), jnp.float32),
    mesh=_SC_MESH,
    compiler_params=pltpu.CompilerParams(needs_layout_passes=False),
    scratch_types=[
        pltpu.VMEM((FPW * N_NODES,), jnp.float32),
        pltpu.VMEM((FPW * N_NODES,), jnp.float32),
        pltpu.VMEM((2, CH), jnp.int32),
        pltpu.VMEM((2, CH), jnp.int32),
        pltpu.VMEM((2, CH), jnp.float32),
        pltpu.SemaphoreType.DMA,
        pltpu.SemaphoreType.DMA,
    ],
)
def _spmm_sc(tab_hbm, row_hbm, col_hbm, val_hbm, out_hbm,
             tab_v, acc_v, rowb, colb, valb, sem0, sem1):
    c = lax.axis_index("c")
    s = lax.axis_index("s")
    wid = s * NC + c
    e0 = wid * (FPW * N_NODES)
    sems = (sem0, sem1)

    def _copies(ci, b):
        off = ci * CH
        return (
            pltpu.make_async_copy(row_hbm.at[pl.ds(off, CH)], rowb.at[b], sems[b]),
            pltpu.make_async_copy(col_hbm.at[pl.ds(off, CH)], colb.at[b], sems[b]),
            pltpu.make_async_copy(val_hbm.at[pl.ds(off, CH)], valb.at[b], sems[b]),
        )

    for cp in _copies(0, 0):
        cp.start()

    pltpu.sync_copy(tab_hbm.at[pl.ds(e0, FPW * N_NODES)], tab_v)

    zero = jnp.zeros((LANES,), jnp.float32)

    @plsc.parallel_loop(0, FPW * N_NODES // LANES, unroll=8)
    def _zbody(i):
        acc_v[pl.ds(i * LANES, LANES)] = zero

    def _process(b):
        @plsc.parallel_loop(0, GR, unroll=UNROLL)
        def _gbody(g):
            sl = pl.ds(g * LANES, LANES)
            row = rowb[b, sl]
            col = colb[b, sl]
            val = valb[b, sl]
            for d in range(FPW):
                gidx = col if d == 0 else col + (d * N_NODES)
                sidx = row if d == 0 else row + (d * N_NODES)
                gathered = plsc.load_gather(tab_v, [gidx])
                plsc.store_scatter(acc_v, [sidx], gathered * val)

    def _pair(i, carry):
        for b in range(2):
            ci = i * 2 + b

            @pl.when(ci + 1 < NCH)
            def _():
                for cp in _copies(ci + 1, 1 - b):
                    cp.start()

            for cp in _copies(ci, b):
                cp.wait()
            _process(b)
        return carry

    lax.fori_loop(0, NCH // 2, _pair, 0)

    pltpu.sync_copy(acc_v, out_hbm.at[pl.ds(e0, FPW * N_NODES)])


def _mm1_body(x_ref, w_ref, o_ref):
    o_ref[...] = lax.dot_general(
        w_ref[...], x_ref[...], (((0,), (1,)), ((), ())),
        preferred_element_type=jnp.float32)


def _dense1(x, W):
    return pl.pallas_call(
        _mm1_body,
        out_shape=jax.ShapeDtypeStruct((D_HID, N_NODES), jnp.float32),
    )(x, W)


def _mm2_body(p_ref, b_ref, w_ref, o_ref):
    h = jnp.maximum(p_ref[...] + b_ref[...], 0.0)
    o_ref[...] = lax.dot_general(
        w_ref[...], h, (((0,), (0,)), ((), ())),
        preferred_element_type=jnp.float32)


def _dense2(p, b, W):
    return pl.pallas_call(
        _mm2_body,
        out_shape=jax.ShapeDtypeStruct((D_HID, N_NODES), jnp.float32),
    )(p, b, W)


def _mm3_body(p_ref, b_ref, w_ref, cb_ref, o_ref):
    h2 = p_ref[...] + b_ref[...]
    logits = lax.dot_general(
        h2, w_ref[...], (((0,), (0,)), ((), ())),
        preferred_element_type=jnp.float32) + cb_ref[...]
    m = jnp.max(logits, axis=-1, keepdims=True)
    lse = jnp.log(jnp.sum(jnp.exp(logits - m), axis=-1, keepdims=True)) + m
    o_ref[...] = logits - lse


def _dense3(p, b, W, cb):
    return pl.pallas_call(
        _mm3_body,
        out_shape=jax.ShapeDtypeStruct((N_NODES, N_CLASSES), jnp.float32),
    )(p, b, W, cb)


def kernel(x, edge_index, adj_values, gc1_W, gc1_b, gc2_W, gc2_b, cls_W, cls_b):
    row = edge_index[0].astype(jnp.int32)
    col = edge_index[1].astype(jnp.int32)
    val = adj_values.astype(jnp.float32)
    b1 = gc1_b.reshape(D_HID, 1)
    b2 = gc2_b.reshape(D_HID, 1)
    cb = cls_b.reshape(1, N_CLASSES)

    s1T = _dense1(x, gc1_W)
    p1 = _spmm_sc(s1T.reshape(-1), row, col, val).reshape(D_HID, N_NODES)
    s2T = _dense2(p1, b1, gc2_W)
    p2 = _spmm_sc(s2T.reshape(-1), row, col, val).reshape(D_HID, N_NODES)
    return _dense3(p2, b2, cls_W, cb)

# --- scband reference (transcript-rebuilt; emitter-appended) ---
"""Pipeline reference for scband-node-classifier-6047313953622 (READ-ONLY COPY).

The authoritative reference and input builder live on the scoring server;
editing this copy changes nothing except your own understanding.
"""

import jax, jax.numpy as jnp
import numpy as np

N_NODES = 10000
N_EDGES = 320000
D_IN = 128
D_HID = 128
N_CLASSES = 40


def setup_inputs(seed: int = 0) -> dict:
    key = jax.random.key(seed)
    ks = jax.random.split(key, 10)
    x = jax.random.normal(ks[0], (N_NODES, D_IN), dtype=jnp.float32)
    edge_index = jax.random.randint(ks[1], (2, N_EDGES), 0, N_NODES, dtype=jnp.int32).astype(jnp.int64)
    adj_values = jax.random.uniform(ks[2], (N_EDGES,), dtype=jnp.float32)
    # GCN layer 1 (GraphConvolution: input_dim -> hidden_dim)
    gc1_W = jax.random.normal(ks[3], (D_IN, D_HID), dtype=jnp.float32) * (1.0 / np.sqrt(D_IN))
    gc1_b = jnp.zeros((D_HID,), dtype=jnp.float32)
    # GCN layer 2 (GraphConvolution: hidden_dim -> hidden_dim)
    gc2_W = jax.random.normal(ks[4], (D_HID, D_HID), dtype=jnp.float32) * (1.0 / np.sqrt(D_HID))
    gc2_b = jnp.zeros((D_HID,), dtype=jnp.float32)
    # node classifier linear: hidden_dim -> n_classes
    cls_W = jax.random.normal(ks[5], (D_HID, N_CLASSES), dtype=jnp.float32) * (1.0 / np.sqrt(D_HID))
    cls_b = jnp.zeros((N_CLASSES,), dtype=jnp.float32)
    return {"x": x, "edge_index": edge_index, "adj_values": adj_values,
            "gc1_W": gc1_W, "gc1_b": gc1_b, "gc2_W": gc2_W, "gc2_b": gc2_b,
            "cls_W": cls_W, "cls_b": cls_b}


def _spmm(edge_index, adj_values, dense):
    # sparse @ dense: out[i] = sum_{(i,j) in E} A[i,j] * dense[j]
    row = edge_index[0]
    col = edge_index[1]
    gathered = jnp.take(dense, col, axis=0) * adj_values[:, None]
    return jax.ops.segment_sum(gathered, row, num_segments=N_NODES)


def reference(x, edge_index, adj_values, gc1_W, gc1_b, gc2_W, gc2_b, cls_W, cls_b):
    # GCN forward (eval mode -> dropout is identity)
    s1 = x @ gc1_W
    h = jax.nn.relu(_spmm(edge_index, adj_values, s1) + gc1_b)
    s2 = h @ gc2_W
    h2 = _spmm(edge_index, adj_values, s2) + gc2_b
    # node classifier + log softmax (classify=True path)
    logits = h2 @ cls_W + cls_b
    return jax.nn.log_softmax(logits, axis=-1)

if __name__ == "__main__":
    import jax
    _d = setup_inputs()
    print(jax.jit(kernel)(*tuple(_d.values())))

</pallas_src>

<mosaic_0001>
#map = affine_map<(d0, d1) -> (0)>
module attributes {stable_mosaic.version = 14 : i64} {
  func.func @_spmm_sc(%arg0: i32, %arg1: i32, %arg2: memref<1280000xf32, #tpu.memory_space<hbm>>, %arg3: memref<320000xi32, #tpu.memory_space<hbm>>, %arg4: memref<320000xi32, #tpu.memory_space<hbm>>, %arg5: memref<320000xf32, #tpu.memory_space<hbm>>, %arg6: memref<1280000xf32, #tpu.memory_space<hbm>>, %arg7: memref<40000xf32, #tpu.memory_space<vmem>>, %arg8: memref<40000xf32, #tpu.memory_space<vmem>>, %arg9: memref<2x3200xi32, #tpu.memory_space<vmem>>, %arg10: memref<2x3200xi32, #tpu.memory_space<vmem>>, %arg11: memref<2x3200xf32, #tpu.memory_space<vmem>>, %arg12: memref<!tpu.dma_semaphore, #tpu.memory_space<semaphore_mem>>, %arg13: memref<!tpu.dma_semaphore, #tpu.memory_space<semaphore_mem>>) attributes {dimension_semantics = [#tpu.dimension_semantics<core_parallel>, #tpu.dimension_semantics<subcore_parallel>], iteration_bounds = array<i64: 2, 16>, scalar_prefetch = 0 : i64, scratch_operands = 7 : i64, tpu.core_type = #tpu.core_type<sc_vector_subcore>, window_params = [{transform_indices = #map}, {transform_indices = #map}, {transform_indices = #map}, {transform_indices = #map}, {transform_indices = #map}]} {
    %mul3A = arith.constant 2 : i32
    %mul3A_0 = arith.muli %arg1, %mul3A : i32
    %add3A = arith.addi %mul3A_0, %arg0 : i32
    %mul3A_1 = arith.constant 40000 : i32
    %mul3A_2 = arith.muli %add3A, %mul3A_1 : i32
    %dma_start3A = arith.constant 0 : i32
    %dma_start3A_3 = arith.constant 0 : i32
    %dma_start3A_4 = tpu.memref_slice %arg9[%dma_start3A, %dma_start3A_3] : memref<2x3200xi32, #tpu.memory_space<vmem>> -> memref<1x3200xi32, #tpu.memory_space<vmem>>
    %dma_start3A_5 = tpu.memref_squeeze %dma_start3A_4 : memref<1x3200xi32, #tpu.memory_space<vmem>> -> memref<3200xi32, #tpu.memory_space<vmem>>
    %dma_start3A_6 = arith.constant 0 : i32
    %dma_start3A_7 = tpu.memref_slice %arg3[%dma_start3A_6] : memref<320000xi32, #tpu.memory_space<hbm>> -> memref<3200xi32, #tpu.memory_space<hbm>>
    %dma_start3A_8 = arith.constant 0 : i32
    %dma_start3A_9 = tpu.memref_slice %arg9[%dma_start3A, %dma_start3A_8] : memref<2x3200xi32, #tpu.memory_space<vmem>> -> memref<1x3200xi32, #tpu.memory_space<vmem>>
    %dma_start3A_10 = tpu.memref_squeeze %dma_start3A_9 : memref<1x3200xi32, #tpu.memory_space<vmem>> -> memref<3200xi32, #tpu.memory_space<vmem>>
    %dma_start3A_11 = arith.constant 0 : i32
    %dma_start3A_12 = tpu.memref_slice %arg3[%dma_start3A_11] : memref<320000xi32, #tpu.memory_space<hbm>> -> memref<3200xi32, #tpu.memory_space<hbm>>
    tpu.enqueue_dma source(%dma_start3A_12 : memref<3200xi32, #tpu.memory_space<hbm>>) target(%dma_start3A_10 : memref<3200xi32, #tpu.memory_space<vmem>>) target_semaphore(%arg12 : memref<!tpu.dma_semaphore, #tpu.memory_space<semaphore_mem>>)
    %dma_start3A_13 = arith.constant 0 : i32
    %dma_start3A_14 = arith.constant 0 : i32
    %dma_start3A_15 = tpu.memref_slice %arg10[%dma_start3A_13, %dma_start3A_14] : memref<2x3200xi32, #tpu.memory_space<vmem>> -> memref<1x3200xi32, #tpu.memory_space<vmem>>
    %dma_start3A_16 = tpu.memref_squeeze %dma_start3A_15 : memref<1x3200xi32, #tpu.memory_space<vmem>> -> memref<3200xi32, #tpu.memory_space<vmem>>
    %dma_start3A_17 = arith.constant 0 : i32
    %dma_start3A_18 = tpu.memref_slice %arg4[%dma_start3A_17] : memref<320000xi32, #tpu.memory_space<hbm>> -> memref<3200xi32, #tpu.memory_space<hbm>>
    %dma_start3A_19 = arith.constant 0 : i32
    %dma_start3A_20 = tpu.memref_slice %arg10[%dma_start3A_13, %dma_start3A_19] : memref<2x3200xi32, #tpu.memory_space<vmem>> -> memref<1x3200xi32, #tpu.memory_space<vmem>>
    %dma_start3A_21 = tpu.memref_squeeze %dma_start3A_20 : memref<1x3200xi32, #tpu.memory_space<vmem>> -> memref<3200xi32, #tpu.memory_space<vmem>>
    %dma_start3A_22 = arith.constant 0 : i32
    %dma_start3A_23 = tpu.memref_slice %arg4[%dma_start3A_22] : memref<320000xi32, #tpu.memory_space<hbm>> -> memref<3200xi32, #tpu.memory_space<hbm>>
    tpu.enqueue_dma source(%dma_start3A_23 : memref<3200xi32, #tpu.memory_space<hbm>>) target(%dma_start3A_21 : memref<3200xi32, #tpu.memory_space<vmem>>) target_semaphore(%arg12 : memref<!tpu.dma_semaphore, #tpu.memory_space<semaphore_mem>>)
    %dma_start3A_24 = arith.constant 0 : i32
    %dma_start3A_25 = arith.constant 0 : i32
    %dma_start3A_26 = tpu.memref_slice %arg11[%dma_start3A_24, %dma_start3A_25] : memref<2x3200xf32, #tpu.memory_space<vmem>> -> memref<1x3200xf32, #tpu.memory_space<vmem>>
    %dma_start3A_27 = tpu.memref_squeeze %dma_start3A_26 : memref<1x3200xf32, #tpu.memory_space<vmem>> -> memref<3200xf32, #tpu.memory_space<vmem>>
    %dma_start3A_28 = arith.constant 0 : i32
    %dma_start3A_29 = tpu.memref_slice %arg5[%dma_start3A_28] : memref<320000xf32, #tpu.memory_space<hbm>> -> memref<3200xf32, #tpu.memory_space<hbm>>
    %dma_start3A_30 = arith.constant 0 : i32
    %dma_start3A_31 = tpu.memref_slice %arg11[%dma_start3A_24, %dma_start3A_30] : memref<2x3200xf32, #tpu.memory_space<vmem>> -> memref<1x3200xf32, #tpu.memory_space<vmem>>
    %dma_start3A_32 = tpu.memref_squeeze %dma_start3A_31 : memref<1x3200xf32, #tpu.memory_space<vmem>> -> memref<3200xf32, #tpu.memory_space<vmem>>
    %dma_start3A_33 = arith.constant 0 : i32
    %dma_start3A_34 = tpu.memref_slice %arg5[%dma_start3A_33] : memref<320000xf32, #tpu.memory_space<hbm>> -> memref<3200xf32, #tpu.memory_space<hbm>>
    tpu.enqueue_dma source(%dma_start3A_34 : memref<3200xf32, #tpu.memory_space<hbm>>) target(%dma_start3A_32 : memref<3200xf32, #tpu.memory_space<vmem>>) target_semaphore(%arg12 : memref<!tpu.dma_semaphore, #tpu.memory_space<semaphore_mem>>)
    "tpu.region"() ({
      %run_scoped3A = tpu.sem_alloc : memref<!tpu.dma_semaphore, #tpu.memory_space<semaphore_mem>>
      %dma_start3A_43 = tpu.memref_slice %arg2[%mul3A_2] : memref<1280000xf32, #tpu.memory_space<hbm>> -> memref<40000xf32, #tpu.memory_space<hbm>>
      %dma_start3A_44 = tpu.memref_slice %arg2[%mul3A_2] : memref<1280000xf32, #tpu.memory_space<hbm>> -> memref<40000xf32, #tpu.memory_space<hbm>>
      tpu.enqueue_dma source(%dma_start3A_44 : memref<40000xf32, #tpu.memory_space<hbm>>) target(%arg7 : memref<40000xf32, #tpu.memory_space<vmem>>) target_semaphore(%run_scoped3A : memref<!tpu.dma_semaphore, #tpu.memory_space<semaphore_mem>>)
      %dma_wait3A = tpu.memref_slice %arg2[%mul3A_2] : memref<1280000xf32, #tpu.memory_space<hbm>> -> memref<40000xf32, #tpu.memory_space<hbm>>
      %dma_wait3A_45 = tpu.memref_slice %arg2[%mul3A_2] : memref<1280000xf32, #tpu.memory_space<hbm>> -> memref<40000xf32, #tpu.memory_space<hbm>>
      tpu.wait_dma2 semaphore(%run_scoped3A : memref<!tpu.dma_semaphore, #tpu.memory_space<semaphore_mem>>) src(%dma_wait3A_45 : memref<40000xf32, #tpu.memory_space<hbm>>) dst(%arg7 : memref<40000xf32, #tpu.memory_space<vmem>>)
      tpu.yield
    }) : () -> ()
    %broadcast_in_dim3A = arith.constant 0.000000e+00 : f32
    %broadcast_in_dim3A_35 = vector.broadcast %broadcast_in_dim3A : f32 to vector<16xf32>
    %parallel_loop3A = arith.constant 0 : i32
    %parallel_loop3A_36 = arith.constant 2500 : i32
    %parallel_loop3A_37 = arith.constant 1 : i32
    scf.for %parallel_loop3A_43 = %parallel_loop3A to %parallel_loop3A_36 step %parallel_loop3A_37  : i32 {
      %parallel_loop3A_44 = arith.constant 16 : i32
      %parallel_loop3A_45 = arith.muli %parallel_loop3A_43, %parallel_loop3A_44 : i32
      %parallel_loop3A_46 = arith.index_cast %parallel_loop3A_45 : i32 to index
      %parallel_loop3A_47 = tpu.vector_load %arg8[%parallel_loop3A_46] {strides = array<i32>} : memref<40000xf32, #tpu.memory_space<vmem>>, vector<16xf32>,
      tpu.vector_store %arg8[%parallel_loop3A_46], %broadcast_in_dim3A_35 {strides = array<i32>} : memref<40000xf32, #tpu.memory_space<vmem>>, vector<16xf32>,
    } {sc.loop_unroll_factor = 8 : i64, sc.parallel_access}
    %scan3A = arith.constant 0 : i32
    %scan3A_38 = arith.constant 0 : i32
    %scan3A_39 = arith.constant 50 : i32
    %scan3A_40 = arith.addi %scan3A_38, %scan3A_39 : i32
    %scan3A_41 = arith.constant 1 : i32
    scf.for %scan3A_43 = %scan3A_38 to %scan3A_40 step %scan3A_41  : i32 {
      %mul3A_44 = arith.constant 2 : i32
      %mul3A_45 = arith.muli %scan3A_43, %mul3A_44 : i32
      %add3A_46 = arith.constant 0 : i32
      %add3A_47 = arith.addi %mul3A_45, %add3A_46 : i32
      %add3A_48 = arith.constant 1 : i32
      %add3A_49 = arith.addi %add3A_47, %add3A_48 : i32
      %lt3A = arith.constant 100 : i32
      %lt3A_50 = arith.cmpi slt, %add3A_49, %lt3A : i32
      %convert_element_type3A = arith.extui %lt3A_50 : i1 to i32
      %cond3A = arith.constant 0 : i32
      %cond3A_51 = arith.cmpi ne, %convert_element_type3A, %cond3A : i32
      scf.if %cond3A_51 {
        %add3A_126 = arith.constant 1 : i32
        %add3A_127 = arith.addi %add3A_47, %add3A_126 : i32
        %mul3A_128 = arith.constant 3200 : i32
        %mul3A_129 = arith.muli %add3A_127, %mul3A_128 : i32
        %dma_start3A_130 = arith.constant 1 : i32
        %dma_start3A_131 = arith.constant 0 : i32
        %dma_start3A_132 = tpu.memref_slice %arg9[%dma_start3A_130, %dma_start3A_131] : memref<2x3200xi32, #tpu.memory_space<vmem>> -> memref<1x3200xi32, #tpu.memory_space<vmem>>
        %dma_start3A_133 = tpu.memref_squeeze %dma_start3A_132 : memref<1x3200xi32, #tpu.memory_space<vmem>> -> memref<3200xi32, #tpu.memory_space<vmem>>
        %dma_start3A_134 = tpu.memref_slice %arg3[%mul3A_129] : memref<320000xi32, #tpu.memory_space<hbm>> -> memref<3200xi32, #tpu.memory_space<hbm>>
        %dma_start3A_135 = arith.constant 0 : i32
        %dma_start3A_136 = tpu.memref_slice %arg9[%dma_start3A_130, %dma_start3A_135] : memref<2x3200xi32, #tpu.memory_space<vmem>> -> memref<1x3200xi32, #tpu.memory_space<vmem>>
        %dma_start3A_137 = tpu.memref_squeeze %dma_start3A_136 : memref<1x3200xi32, #tpu.memory_space<vmem>> -> memref<3200xi32, #tpu.memory_space<vmem>>
        %dma_start3A_138 = tpu.memref_slice %arg3[%mul3A_129] : memref<320000xi32, #tpu.memory_space<hbm>> -> memref<3200xi32, #tpu.memory_space<hbm>>
        tpu.enqueue_dma source(%dma_start3A_138 : memref<3200xi32, #tpu.memory_space<hbm>>) target(%dma_start3A_137 : memref<3200xi32, #tpu.memory_space<vmem>>) target_semaphore(%arg13 : memref<!tpu.dma_semaphore, #tpu.memory_space<semaphore_mem>>)
        %dma_start3A_139 = arith.constant 1 : i32
        %dma_start3A_140 = arith.constant 0 : i32
        %dma_start3A_141 = tpu.memref_slice %arg10[%dma_start3A_139, %dma_start3A_140] : memref<2x3200xi32, #tpu.memory_space<vmem>> -> memref<1x3200xi32, #tpu.memory_space<vmem>>
        %dma_start3A_142 = tpu.memref_squeeze %dma_start3A_141 : memref<1x3200xi32, #tpu.memory_space<vmem>> -> memref<3200xi32, #tpu.memory_space<vmem>>
        %dma_start3A_143 = tpu.memref_slice %arg4[%mul3A_129] : memref<320000xi32, #tpu.memory_space<hbm>> -> memref<3200xi32, #tpu.memory_space<hbm>>
        %dma_start3A_144 = arith.constant 0 : i32
        %dma_start3A_145 = tpu.memref_slice %arg10[%dma_start3A_139, %dma_start3A_144] : memref<2x3200xi32, #tpu.memory_space<vmem>> -> memref<1x3200xi32, #tpu.memory_space<vmem>>
        %dma_start3A_146 = tpu.memref_squeeze %dma_start3A_145 : memref<1x3200xi32, #tpu.memory_space<vmem>> -> memref<3200xi32, #tpu.memory_space<vmem>>
        %dma_start3A_147 = tpu.memref_slice %arg4[%mul3A_129] : memref<320000xi32, #tpu.memory_space<hbm>> -> memref<3200xi32, #tpu.memory_space<hbm>>
        tpu.enqueue_dma source(%dma_start3A_147 : memref<3200xi32, #tpu.memory_space<hbm>>) target(%dma_start3A_146 : memref<3200xi32, #tpu.memory_space<vmem>>) target_semaphore(%arg13 : memref<!tpu.dma_semaphore, #tpu.memory_space<semaphore_mem>>)
        %dma_start3A_148 = arith.constant 1 : i32
        %dma_start3A_149 = arith.constant 0 : i32
        %dma_start3A_150 = tpu.memref_slice %arg11[%dma_start3A_148, %dma_start3A_149] : memref<2x3200xf32, #tpu.memory_space<vmem>> -> memref<1x3200xf32, #tpu.memory_space<vmem>>
        %dma_start3A_151 = tpu.memref_squeeze %dma_start3A_150 : memref<1x3200xf32, #tpu.memory_space<vmem>> -> memref<3200xf32, #tpu.memory_space<vmem>>
        %dma_start3A_152 = tpu.memref_slice %arg5[%mul3A_129] : memref<320000xf32, #tpu.memory_space<hbm>> -> memref<3200xf32, #tpu.memory_space<hbm>>
        %dma_start3A_153 = arith.constant 0 : i32
        %dma_start3A_154 = tpu.memref_slice %arg11[%dma_start3A_148, %dma_start3A_153] : memref<2x3200xf32, #tpu.memory_space<vmem>> -> memref<1x3200xf32, #tpu.memory_space<vmem>>
        %dma_start3A_155 = tpu.memref_squeeze %dma_start3A_154 : memref<1x3200xf32, #tpu.memory_space<vmem>> -> memref<3200xf32, #tpu.memory_space<vmem>>
        %dma_start3A_156 = tpu.memref_slice %arg5[%mul3A_129] : memref<320000xf32, #tpu.memory_space<hbm>> -> memref<3200xf32, #tpu.memory_space<hbm>>
        tpu.enqueue_dma source(%dma_start3A_156 : memref<3200xf32, #tpu.memory_space<hbm>>) target(%dma_start3A_155 : memref<3200xf32, #tpu.memory_space<vmem>>) target_semaphore(%arg13 : memref<!tpu.dma_semaphore, #tpu.memory_space<semaphore_mem>>)
      } else {
      }
      %mul3A_52 = arith.constant 3200 : i32
      %mul3A_53 = arith.muli %add3A_47, %mul3A_52 : i32
      %dma_wait3A = arith.constant 0 : i32
      %dma_wait3A_54 = arith.constant 0 : i32
      %dma_wait3A_55 = tpu.memref_slice %arg9[%dma_wait3A, %dma_wait3A_54] : memref<2x3200xi32, #tpu.memory_space<vmem>> -> memref<1x3200xi32, #tpu.memory_space<vmem>>
      %dma_wait3A_56 = tpu.memref_squeeze %dma_wait3A_55 : memref<1x3200xi32, #tpu.memory_space<vmem>> -> memref<3200xi32, #tpu.memory_space<vmem>>
      %dma_wait3A_57 = tpu.memref_slice %arg3[%mul3A_53] : memref<320000xi32, #tpu.memory_space<hbm>> -> memref<3200xi32, #tpu.memory_space<hbm>>
      %dma_wait3A_58 = arith.constant 0 : i32
      %dma_wait3A_59 = tpu.memref_slice %arg9[%dma_wait3A, %dma_wait3A_58] : memref<2x3200xi32, #tpu.memory_space<vmem>> -> memref<1x3200xi32, #tpu.memory_space<vmem>>
      %dma_wait3A_60 = tpu.memref_squeeze %dma_wait3A_59 : memref<1x3200xi32, #tpu.memory_space<vmem>> -> memref<3200xi32, #tpu.memory_space<vmem>>
      %dma_wait3A_61 = tpu.memref_slice %arg3[%mul3A_53] : memref<320000xi32, #tpu.memory_space<hbm>> -> memref<3200xi32, #tpu.memory_space<hbm>>
      tpu.wait_dma2 semaphore(%arg12 : memref<!tpu.dma_semaphore, #tpu.memory_space<semaphore_mem>>) src(%dma_wait3A_61 : memref<3200xi32, #tpu.memory_space<hbm>>) dst(%dma_wait3A_60 : memref<3200xi32, #tpu.memory_space<vmem>>)
      %dma_wait3A_62 = arith.constant 0 : i32
      %dma_wait3A_63 = arith.constant 0 : i32
      %dma_wait3A_64 = tpu.memref_slice %arg10[%dma_wait3A_62, %dma_wait3A_63] : memref<2x3200xi32, #tpu.memory_space<vmem>> -> memref<1x3200xi32, #tpu.memory_space<vmem>>
      %dma_wait3A_65 = tpu.memref_squeeze %dma_wait3A_64 : memref<1x3200xi32, #tpu.memory_space<vmem>> -> memref<3200xi32, #tpu.memory_space<vmem>>
      %dma_wait3A_66 = tpu.memref_slice %arg4[%mul3A_53] : memref<320000xi32, #tpu.memory_space<hbm>> -> memref<3200xi32, #tpu.memory_space<hbm>>
      %dma_wait3A_67 = arith.constant 0 : i32
      %dma_wait3A_68 = tpu.memref_slice %arg10[%dma_wait3A_62, %dma_wait3A_67] : memref<2x3200xi32, #tpu.memory_space<vmem>> -> memref<1x3200xi32, #tpu.memory_space<vmem>>
      %dma_wait3A_69 = tpu.memref_squeeze %dma_wait3A_68 : memref<1x3200xi32, #tpu.memory_space<vmem>> -> memref<3200xi32, #tpu.memory_space<vmem>>
      %dma_wait3A_70 = tpu.memref_slice %arg4[%mul3A_53] : memref<320000xi32, #tpu.memory_space<hbm>> -> memref<3200xi32, #tpu.memory_space<hbm>>
      tpu.wait_dma2 semaphore(%arg12 : memref<!tpu.dma_semaphore, #tpu.memory_space<semaphore_mem>>) src(%dma_wait3A_70 : memref<3200xi32, #tpu.memory_space<hbm>>) dst(%dma_wait3A_69 : memref<3200xi32, #tpu.memory_space<vmem>>)
      %dma_wait3A_71 = arith.constant 0 : i32
      %dma_wait3A_72 = arith.constant 0 : i32
      %dma_wait3A_73 = tpu.memref_slice %arg11[%dma_wait3A_71, %dma_wait3A_72] : memref<2x3200xf32, #tpu.memory_space<vmem>> -> memref<1x3200xf32, #tpu.memory_space<vmem>>
      %dma_wait3A_74 = tpu.memref_squeeze %dma_wait3A_73 : memref<1x3200xf32, #tpu.memory_space<vmem>> -> memref<3200xf32, #tpu.memory_space<vmem>>
      %dma_wait3A_75 = tpu.memref_slice %arg5[%mul3A_53] : memref<320000xf32, #tpu.memory_space<hbm>> -> memref<3200xf32, #tpu.memory_space<hbm>>
      %dma_wait3A_76 = arith.constant 0 : i32
      %dma_wait3A_77 = tpu.memref_slice %arg11[%dma_wait3A_71, %dma_wait3A_76] : memref<2x3200xf32, #tpu.memory_space<vmem>> -> memref<1x3200xf32, #tpu.memory_space<vmem>>
      %dma_wait3A_78 = tpu.memref_squeeze %dma_wait3A_77 : memref<1x3200xf32, #tpu.memory_space<vmem>> -> memref<3200xf32, #tpu.memory_space<vmem>>
      %dma_wait3A_79 = tpu.memref_slice %arg5[%mul3A_53] : memref<320000xf32, #tpu.memory_space<hbm>> -> memref<3200xf32, #tpu.memory_space<hbm>>
      tpu.wait_dma2 semaphore(%arg12 : memref<!tpu.dma_semaphore, #tpu.memory_space<semaphore_mem>>) src(%dma_wait3A_79 : memref<3200xf32, #tpu.memory_space<hbm>>) dst(%dma_wait3A_78 : memref<3200xf32, #tpu.memory_space<vmem>>)
      %parallel_loop3A_80 = arith.constant 0 : i32
      %parallel_loop3A_81 = arith.constant 200 : i32
      %parallel_loop3A_82 = arith.constant 1 : i32
      scf.for %parallel_loop3A_126 = %parallel_loop3A_80 to %parallel_loop3A_81 step %parallel_loop3A_82  : i32 {
        %parallel_loop3A_127 = arith.constant 16 : i32
        %parallel_loop3A_128 = arith.muli %parallel_loop3A_126, %parallel_loop3A_127 : i32
        %parallel_loop3A_129 = arith.constant 0 : i32
        %parallel_loop3A_130 = arith.index_cast %parallel_loop3A_129 : i32 to index
        %parallel_loop3A_131 = arith.index_cast %parallel_loop3A_128 : i32 to index
        %parallel_loop3A_132 = tpu.vector_load %arg9[%parallel_loop3A_130, %parallel_loop3A_131] {strides = array<i32>} : memref<2x3200xi32, #tpu.memory_space<vmem>>, vector<16xi32>,
        %parallel_loop3A_133 = arith.constant 0 : i32
        %parallel_loop3A_134 = arith.index_cast %parallel_loop3A_133 : i32 to index
        %parallel_loop3A_135 = arith.index_cast %parallel_loop3A_128 : i32 to index
        %parallel_loop3A_136 = tpu.vector_load %arg10[%parallel_loop3A_134, %parallel_loop3A_135] {strides = array<i32>} : memref<2x3200xi32, #tpu.memory_space<vmem>>, vector<16xi32>,
        %parallel_loop3A_137 = arith.constant 0 : i32
        %parallel_loop3A_138 = arith.index_cast %parallel_loop3A_137 : i32 to index
        %parallel_loop3A_139 = arith.index_cast %parallel_loop3A_128 : i32 to index
        %parallel_loop3A_140 = tpu.vector_load %arg11[%parallel_loop3A_138, %parallel_loop3A_139] {strides = array<i32>} : memref<2x3200xf32, #tpu.memory_space<vmem>>, vector<16xf32>,
        %parallel_loop3A_141 = tpu.vector_load_idx %arg7[%parallel_loop3A_136] : memref<40000xf32, #tpu.memory_space<vmem>>[vector<16xi32>], vector<16xf32>,
        %parallel_loop3A_142 = arith.mulf %parallel_loop3A_141, %parallel_loop3A_140 : vector<16xf32>
        tpu.vector_store_idx %arg8[%parallel_loop3A_132], %parallel_loop3A_142 : memref<40000xf32, #tpu.memory_space<vmem>>[vector<16xi32>], vector<16xf32>,
        %parallel_loop3A_143 = arith.constant 10000 : i32
        %parallel_loop3A_144 = vector.broadcast %parallel_loop3A_143 : i32 to vector<16xi32>
        %parallel_loop3A_145 = arith.addi %parallel_loop3A_136, %parallel_loop3A_144 : vector<16xi32>
        %parallel_loop3A_146 = arith.constant 10000 : i32
        %parallel_loop3A_147 = vector.broadcast %parallel_loop3A_146 : i32 to vector<16xi32>
        %parallel_loop3A_148 = arith.addi %parallel_loop3A_132, %parallel_loop3A_147 : vector<16xi32>
        %parallel_loop3A_149 = tpu.vector_load_idx %arg7[%parallel_loop3A_145] : memref<40000xf32, #tpu.memory_space<vmem>>[vector<16xi32>], vector<16xf32>,
        %parallel_loop3A_150 = arith.mulf %parallel_loop3A_149, %parallel_loop3A_140 : vector<16xf32>
        tpu.vector_store_idx %arg8[%parallel_loop3A_148], %parallel_loop3A_150 : memref<40000xf32, #tpu.memory_space<vmem>>[vector<16xi32>], vector<16xf32>,
        %parallel_loop3A_151 = arith.constant 20000 : i32
        %parallel_loop3A_152 = vector.broadcast %parallel_loop3A_151 : i32 to vector<16xi32>
        %parallel_loop3A_153 = arith.addi %parallel_loop3A_136, %parallel_loop3A_152 : vector<16xi32>
        %parallel_loop3A_154 = arith.constant 20000 : i32
        %parallel_loop3A_155 = vector.broadcast %parallel_loop3A_154 : i32 to vector<16xi32>
        %parallel_loop3A_156 = arith.addi %parallel_loop3A_132, %parallel_loop3A_155 : vector<16xi32>
        %parallel_loop3A_157 = tpu.vector_load_idx %arg7[%parallel_loop3A_153] : memref<40000xf32, #tpu.memory_space<vmem>>[vector<16xi32>], vector<16xf32>,
        %parallel_loop3A_158 = arith.mulf %parallel_loop3A_157, %parallel_loop3A_140 : vector<16xf32>
        tpu.vector_store_idx %arg8[%parallel_loop3A_156], %parallel_loop3A_158 : memref<40000xf32, #tpu.memory_space<vmem>>[vector<16xi32>], vector<16xf32>,
        %parallel_loop3A_159 = arith.constant 30000 : i32
        %parallel_loop3A_160 = vector.broadcast %parallel_loop3A_159 : i32 to vector<16xi32>
        %parallel_loop3A_161 = arith.addi %parallel_loop3A_136, %parallel_loop3A_160 : vector<16xi32>
        %parallel_loop3A_162 = arith.constant 30000 : i32
        %parallel_loop3A_163 = vector.broadcast %parallel_loop3A_162 : i32 to vector<16xi32>
        %parallel_loop3A_164 = arith.addi %parallel_loop3A_132, %parallel_loop3A_163 : vector<16xi32>
        %parallel_loop3A_165 = tpu.vector_load_idx %arg7[%parallel_loop3A_161] : memref<40000xf32, #tpu.memory_space<vmem>>[vector<16xi32>], vector<16xf32>,
        %parallel_loop3A_166 = arith.mulf %parallel_loop3A_165, %parallel_loop3A_140 : vector<16xf32>
        tpu.vector_store_idx %arg8[%parallel_loop3A_164], %parallel_loop3A_166 : memref<40000xf32, #tpu.memory_space<vmem>>[vector<16xi32>], vector<16xf32>,
      } {sc.loop_unroll_factor = 4 : i64, sc.parallel_access}
      %mul3A_83 = arith.constant 2 : i32
      %mul3A_84 = arith.muli %scan3A_43, %mul3A_83 : i32
      %add3A_85 = arith.constant 1 : i32
      %add3A_86 = arith.addi %mul3A_84, %add3A_85 : i32
      %add3A_87 = arith.constant 1 : i32
      %add3A_88 = arith.addi %add3A_86, %add3A_87 : i32
      %lt3A_89 = arith.constant 100 : i32
      %lt3A_90 = arith.cmpi slt, %add3A_88, %lt3A_89 : i32
      %convert_element_type3A_91 = arith.extui %lt3A_90 : i1 to i32
      %cond3A_92 = arith.constant 0 : i32
      %cond3A_93 = arith.cmpi ne, %convert_element_type3A_91, %cond3A_92 : i32
      scf.if %cond3A_93 {
        %add3A_126 = arith.constant 1 : i32
        %add3A_127 = arith.addi %add3A_86, %add3A_126 : i32
        %mul3A_128 = arith.constant 3200 : i32
        %mul3A_129 = arith.muli %add3A_127, %mul3A_128 : i32
        %dma_start3A_130 = arith.constant 0 : i32
        %dma_start3A_131 = arith.constant 0 : i32
        %dma_start3A_132 = tpu.memref_slice %arg9[%dma_start3A_130, %dma_start3A_131] : memref<2x3200xi32, #tpu.memory_space<vmem>> -> memref<1x3200xi32, #tpu.memory_space<vmem>>
        %dma_start3A_133 = tpu.memref_squeeze %dma_start3A_132 : memref<1x3200xi32, #tpu.memory_space<vmem>> -> memref<3200xi32, #tpu.memory_space<vmem>>
        %dma_start3A_134 = tpu.memref_slice %arg3[%mul3A_129] : memref<320000xi32, #tpu.memory_space<hbm>> -> memref<3200xi32, #tpu.memory_space<hbm>>
        %dma_start3A_135 = arith.constant 0 : i32
        %dma_start3A_136 = tpu.memref_slice %arg9[%dma_start3A_130, %dma_start3A_135] : memref<2x3200xi32, #tpu.memory_space<vmem>> -> memref<1x3200xi32, #tpu.memory_space<vmem>>
        %dma_start3A_137 = tpu.memref_squeeze %dma_start3A_136 : memref<1x3200xi32, #tpu.memory_space<vmem>> -> memref<3200xi32, #tpu.memory_space<vmem>>
        %dma_start3A_138 = tpu.memref_slice %arg3[%mul3A_129] : memref<320000xi32, #tpu.memory_space<hbm>> -> memref<3200xi32, #tpu.memory_space<hbm>>
        tpu.enqueue_dma source(%dma_start3A_138 : memref<3200xi32, #tpu.memory_space<hbm>>) target(%dma_start3A_137 : memref<3200xi32, #tpu.memory_space<vmem>>) target_semaphore(%arg12 : memref<!tpu.dma_semaphore, #tpu.memory_space<semaphore_mem>>)
        %dma_start3A_139 = arith.constant 0 : i32
        %dma_start3A_140 = arith.constant 0 : i32
        %dma_start3A_141 = tpu.memref_slice %arg10[%dma_start3A_139, %dma_start3A_140] : memref<2x3200xi32, #tpu.memory_space<vmem>> -> memref<1x3200xi32, #tpu.memory_space<vmem>>
        %dma_start3A_142 = tpu.memref_squeeze %dma_start3A_141 : memref<1x3200xi32, #tpu.memory_space<vmem>> -> memref<3200xi32, #tpu.memory_space<vmem>>
        %dma_start3A_143 = tpu.memref_slice %arg4[%mul3A_129] : memref<320000xi32, #tpu.memory_space<hbm>> -> memref<3200xi32, #tpu.memory_space<hbm>>
        %dma_start3A_144 = arith.constant 0 : i32
        %dma_start3A_145 = tpu.memref_slice %arg10[%dma_start3A_139, %dma_start3A_144] : memref<2x3200xi32, #tpu.memory_space<vmem>> -> memref<1x3200xi32, #tpu.memory_space<vmem>>
        %dma_start3A_146 = tpu.memref_squeeze %dma_start3A_145 : memref<1x3200xi32, #tpu.memory_space<vmem>> -> memref<3200xi32, #tpu.memory_space<vmem>>
        %dma_start3A_147 = tpu.memref_slice %arg4[%mul3A_129] : memref<320000xi32, #tpu.memory_space<hbm>> -> memref<3200xi32, #tpu.memory_space<hbm>>
        tpu.enqueue_dma source(%dma_start3A_147 : memref<3200xi32, #tpu.memory_space<hbm>>) target(%dma_start3A_146 : memref<3200xi32, #tpu.memory_space<vmem>>) target_semaphore(%arg12 : memref<!tpu.dma_semaphore, #tpu.memory_space<semaphore_mem>>)
        %dma_start3A_148 = arith.constant 0 : i32
        %dma_start3A_149 = arith.constant 0 : i32
        %dma_start3A_150 = tpu.memref_slice %arg11[%dma_start3A_148, %dma_start3A_149] : memref<2x3200xf32, #tpu.memory_space<vmem>> -> memref<1x3200xf32, #tpu.memory_space<vmem>>
        %dma_start3A_151 = tpu.memref_squeeze %dma_start3A_150 : memref<1x3200xf32, #tpu.memory_space<vmem>> -> memref<3200xf32, #tpu.memory_space<vmem>>
        %dma_start3A_152 = tpu.memref_slice %arg5[%mul3A_129] : memref<320000xf32, #tpu.memory_space<hbm>> -> memref<3200xf32, #tpu.memory_space<hbm>>
        %dma_start3A_153 = arith.constant 0 : i32
        %dma_start3A_154 = tpu.memref_slice %arg11[%dma_start3A_148, %dma_start3A_153] : memref<2x3200xf32, #tpu.memory_space<vmem>> -> memref<1x3200xf32, #tpu.memory_space<vmem>>
        %dma_start3A_155 = tpu.memref_squeeze %dma_start3A_154 : memref<1x3200xf32, #tpu.memory_space<vmem>> -> memref<3200xf32, #tpu.memory_space<vmem>>
        %dma_start3A_156 = tpu.memref_slice %arg5[%mul3A_129] : memref<320000xf32, #tpu.memory_space<hbm>> -> memref<3200xf32, #tpu.memory_space<hbm>>
        tpu.enqueue_dma source(%dma_start3A_156 : memref<3200xf32, #tpu.memory_space<hbm>>) target(%dma_start3A_155 : memref<3200xf32, #tpu.memory_space<vmem>>) target_semaphore(%arg12 : memref<!tpu.dma_semaphore, #tpu.memory_space<semaphore_mem>>)
      } else {
      }
      %mul3A_94 = arith.constant 3200 : i32
      %mul3A_95 = arith.muli %add3A_86, %mul3A_94 : i32
      %dma_wait3A_96 = arith.constant 1 : i32
      %dma_wait3A_97 = arith.constant 0 : i32
      %dma_wait3A_98 = tpu.memref_slice %arg9[%dma_wait3A_96, %dma_wait3A_97] : memref<2x3200xi32, #tpu.memory_space<vmem>> -> memref<1x3200xi32, #tpu.memory_space<vmem>>
      %dma_wait3A_99 = tpu.memref_squeeze %dma_wait3A_98 : memref<1x3200xi32, #tpu.memory_space<vmem>> -> memref<3200xi32, #tpu.memory_space<vmem>>
      %dma_wait3A_100 = tpu.memref_slice %arg3[%mul3A_95] : memref<320000xi32, #tpu.memory_space<hbm>> -> memref<3200xi32, #tpu.memory_space<hbm>>
      %dma_wait3A_101 = arith.constant 0 : i32
      %dma_wait3A_102 = tpu.memref_slice %arg9[%dma_wait3A_96, %dma_wait3A_101] : memref<2x3200xi32, #tpu.memory_space<vmem>> -> memref<1x3200xi32, #tpu.memory_space<vmem>>
      %dma_wait3A_103 = tpu.memref_squeeze %dma_wait3A_102 : memref<1x3200xi32, #tpu.memory_space<vmem>> -> memref<3200xi32, #tpu.memory_space<vmem>>
      %dma_wait3A_104 = tpu.memref_slice %arg3[%mul3A_95] : memref<320000xi32, #tpu.memory_space<hbm>> -> memref<3200xi32, #tpu.memory_space<hbm>>
      tpu.wait_dma2 semaphore(%arg13 : memref<!tpu.dma_semaphore, #tpu.memory_space<semaphore_mem>>) src(%dma_wait3A_104 : memref<3200xi32, #tpu.memory_space<hbm>>) dst(%dma_wait3A_103 : memref<3200xi32, #tpu.memory_space<vmem>>)
      %dma_wait3A_105 = arith.constant 1 : i32
      %dma_wait3A_106 = arith.constant 0 : i32
      %dma_wait3A_107 = tpu.memref_slice %arg10[%dma_wait3A_105, %dma_wait3A_106] : memref<2x3200xi32, #tpu.memory_space<vmem>> -> memref<1x3200xi32, #tpu.memory_space<vmem>>
      %dma_wait3A_108 = tpu.memref_squeeze %dma_wait3A_107 : memref<1x3200xi32, #tpu.memory_space<vmem>> -> memref<3200xi32, #tpu.memory_space<vmem>>
      %dma_wait3A_109 = tpu.memref_slice %arg4[%mul3A_95] : memref<320000xi32, #tpu.memory_space<hbm>> -> memref<3200xi32, #tpu.memory_space<hbm>>
      %dma_wait3A_110 = arith.constant 0 : i32
      %dma_wait3A_111 = tpu.memref_slice %arg10[%dma_wait3A_105, %dma_wait3A_110] : memref<2x3200xi32, #tpu.memory_space<vmem>> -> memref<1x3200xi32, #tpu.memory_space<vmem>>
      %dma_wait3A_112 = tpu.memref_squeeze %dma_wait3A_111 : memref<1x3200xi32, #tpu.memory_space<vmem>> -> memref<3200xi32, #tpu.memory_space<vmem>>
      %dma_wait3A_113 = tpu.memref_slice %arg4[%mul3A_95] : memref<320000xi32, #tpu.memory_space<hbm>> -> memref<3200xi32, #tpu.memory_space<hbm>>
      tpu.wait_dma2 semaphore(%arg13 : memref<!tpu.dma_semaphore, #tpu.memory_space<semaphore_mem>>) src(%dma_wait3A_113 : memref<3200xi32, #tpu.memory_space<hbm>>) dst(%dma_wait3A_112 : memref<3200xi32, #tpu.memory_space<vmem>>)
      %dma_wait3A_114 = arith.constant 1 : i32
      %dma_wait3A_115 = arith.constant 0 : i32
      %dma_wait3A_116 = tpu.memref_slice %arg11[%dma_wait3A_114, %dma_wait3A_115] : memref<2x3200xf32, #tpu.memory_space<vmem>> -> memref<1x3200xf32, #tpu.memory_space<vmem>>
      %dma_wait3A_117 = tpu.memref_squeeze %dma_wait3A_116 : memref<1x3200xf32, #tpu.memory_space<vmem>> -> memref<3200xf32, #tpu.memory_space<vmem>>
      %dma_wait3A_118 = tpu.memref_slice %arg5[%mul3A_95] : memref<320000xf32, #tpu.memory_space<hbm>> -> memref<3200xf32, #tpu.memory_space<hbm>>
      %dma_wait3A_119 = arith.constant 0 : i32
      %dma_wait3A_120 = tpu.memref_slice %arg11[%dma_wait3A_114, %dma_wait3A_119] : memref<2x3200xf32, #tpu.memory_space<vmem>> -> memref<1x3200xf32, #tpu.memory_space<vmem>>
      %dma_wait3A_121 = tpu.memref_squeeze %dma_wait3A_120 : memref<1x3200xf32, #tpu.memory_space<vmem>> -> memref<3200xf32, #tpu.memory_space<vmem>>
      %dma_wait3A_122 = tpu.memref_slice %arg5[%mul3A_95] : memref<320000xf32, #tpu.memory_space<hbm>> -> memref<3200xf32, #tpu.memory_space<hbm>>
      tpu.wait_dma2 semaphore(%arg13 : memref<!tpu.dma_semaphore, #tpu.memory_space<semaphore_mem>>) src(%dma_wait3A_122 : memref<3200xf32, #tpu.memory_space<hbm>>) dst(%dma_wait3A_121 : memref<3200xf32, #tpu.memory_space<vmem>>)
      %parallel_loop3A_123 = arith.constant 0 : i32
      %parallel_loop3A_124 = arith.constant 200 : i32
      %parallel_loop3A_125 = arith.constant 1 : i32
      scf.for %parallel_loop3A_126 = %parallel_loop3A_123 to %parallel_loop3A_124 step %parallel_loop3A_125  : i32 {
        %parallel_loop3A_127 = arith.constant 16 : i32
        %parallel_loop3A_128 = arith.muli %parallel_loop3A_126, %parallel_loop3A_127 : i32
        %parallel_loop3A_129 = arith.constant 1 : i32
        %parallel_loop3A_130 = arith.index_cast %parallel_loop3A_129 : i32 to index
        %parallel_loop3A_131 = arith.index_cast %parallel_loop3A_128 : i32 to index
        %parallel_loop3A_132 = tpu.vector_load %arg9[%parallel_loop3A_130, %parallel_loop3A_131] {strides = array<i32>} : memref<2x3200xi32, #tpu.memory_space<vmem>>, vector<16xi32>,
        %parallel_loop3A_133 = arith.constant 1 : i32
        %parallel_loop3A_134 = arith.index_cast %parallel_loop3A_133 : i32 to index
        %parallel_loop3A_135 = arith.index_cast %parallel_loop3A_128 : i32 to index
        %parallel_loop3A_136 = tpu.vector_load %arg10[%parallel_loop3A_134, %parallel_loop3A_135] {strides = array<i32>} : memref<2x3200xi32, #tpu.memory_space<vmem>>, vector<16xi32>,
        %parallel_loop3A_137 = arith.constant 1 : i32
        %parallel_loop3A_138 = arith.index_cast %parallel_loop3A_137 : i32 to index
        %parallel_loop3A_139 = arith.index_cast %parallel_loop3A_128 : i32 to index
        %parallel_loop3A_140 = tpu.vector_load %arg11[%parallel_loop3A_138, %parallel_loop3A_139] {strides = array<i32>} : memref<2x3200xf32, #tpu.memory_space<vmem>>, vector<16xf32>,
        %parallel_loop3A_141 = tpu.vector_load_idx %arg7[%parallel_loop3A_136] : memref<40000xf32, #tpu.memory_space<vmem>>[vector<16xi32>], vector<16xf32>,
        %parallel_loop3A_142 = arith.mulf %parallel_loop3A_141, %parallel_loop3A_140 : vector<16xf32>
        tpu.vector_store_idx %arg8[%parallel_loop3A_132], %parallel_loop3A_142 : memref<40000xf32, #tpu.memory_space<vmem>>[vector<16xi32>], vector<16xf32>,
        %parallel_loop3A_143 = arith.constant 10000 : i32
        %parallel_loop3A_144 = vector.broadcast %parallel_loop3A_143 : i32 to vector<16xi32>
        %parallel_loop3A_145 = arith.addi %parallel_loop3A_136, %parallel_loop3A_144 : vector<16xi32>
        %parallel_loop3A_146 = arith.constant 10000 : i32
        %parallel_loop3A_147 = vector.broadcast %parallel_loop3A_146 : i32 to vector<16xi32>
        %parallel_loop3A_148 = arith.addi %parallel_loop3A_132, %parallel_loop3A_147 : vector<16xi32>
        %parallel_loop3A_149 = tpu.vector_load_idx %arg7[%parallel_loop3A_145] : memref<40000xf32, #tpu.memory_space<vmem>>[vector<16xi32>], vector<16xf32>,
        %parallel_loop3A_150 = arith.mulf %parallel_loop3A_149, %parallel_loop3A_140 : vector<16xf32>
        tpu.vector_store_idx %arg8[%parallel_loop3A_148], %parallel_loop3A_150 : memref<40000xf32, #tpu.memory_space<vmem>>[vector<16xi32>], vector<16xf32>,
        %parallel_loop3A_151 = arith.constant 20000 : i32
        %parallel_loop3A_152 = vector.broadcast %parallel_loop3A_151 : i32 to vector<16xi32>
        %parallel_loop3A_153 = arith.addi %parallel_loop3A_136, %parallel_loop3A_152 : vector<16xi32>
        %parallel_loop3A_154 = arith.constant 20000 : i32
        %parallel_loop3A_155 = vector.broadcast %parallel_loop3A_154 : i32 to vector<16xi32>
        %parallel_loop3A_156 = arith.addi %parallel_loop3A_132, %parallel_loop3A_155 : vector<16xi32>
        %parallel_loop3A_157 = tpu.vector_load_idx %arg7[%parallel_loop3A_153] : memref<40000xf32, #tpu.memory_space<vmem>>[vector<16xi32>], vector<16xf32>,
        %parallel_loop3A_158 = arith.mulf %parallel_loop3A_157, %parallel_loop3A_140 : vector<16xf32>
        tpu.vector_store_idx %arg8[%parallel_loop3A_156], %parallel_loop3A_158 : memref<40000xf32, #tpu.memory_space<vmem>>[vector<16xi32>], vector<16xf32>,
        %parallel_loop3A_159 = arith.constant 30000 : i32
        %parallel_loop3A_160 = vector.broadcast %parallel_loop3A_159 : i32 to vector<16xi32>
        %parallel_loop3A_161 = arith.addi %parallel_loop3A_136, %parallel_loop3A_160 : vector<16xi32>
        %parallel_loop3A_162 = arith.constant 30000 : i32
        %parallel_loop3A_163 = vector.broadcast %parallel_loop3A_162 : i32 to vector<16xi32>
        %parallel_loop3A_164 = arith.addi %parallel_loop3A_132, %parallel_loop3A_163 : vector<16xi32>
        %parallel_loop3A_165 = tpu.vector_load_idx %arg7[%parallel_loop3A_161] : memref<40000xf32, #tpu.memory_space<vmem>>[vector<16xi32>], vector<16xf32>,
        %parallel_loop3A_166 = arith.mulf %parallel_loop3A_165, %parallel_loop3A_140 : vector<16xf32>
        tpu.vector_store_idx %arg8[%parallel_loop3A_164], %parallel_loop3A_166 : memref<40000xf32, #tpu.memory_space<vmem>>[vector<16xi32>], vector<16xf32>,
      } {sc.loop_unroll_factor = 4 : i64, sc.parallel_access}
    }
    %scan3A_42 = arith.constant 50 : i32
    "tpu.region"() ({
      %run_scoped3A = tpu.sem_alloc : memref<!tpu.dma_semaphore, #tpu.memory_space<semaphore_mem>>
      %dma_start3A_43 = tpu.memref_slice %arg6[%mul3A_2] : memref<1280000xf32, #tpu.memory_space<hbm>> -> memref<40000xf32, #tpu.memory_space<hbm>>
      %dma_start3A_44 = tpu.memref_slice %arg6[%mul3A_2] : memref<1280000xf32, #tpu.memory_space<hbm>> -> memref<40000xf32, #tpu.memory_space<hbm>>
      tpu.enqueue_dma source(%arg8 : memref<40000xf32, #tpu.memory_space<vmem>>) target(%dma_start3A_44 : memref<40000xf32, #tpu.memory_space<hbm>>) target_semaphore(%run_scoped3A : memref<!tpu.dma_semaphore, #tpu.memory_space<semaphore_mem>>)
      %dma_wait3A = tpu.memref_slice %arg6[%mul3A_2] : memref<1280000xf32, #tpu.memory_space<hbm>> -> memref<40000xf32, #tpu.memory_space<hbm>>
      %dma_wait3A_45 = tpu.memref_slice %arg6[%mul3A_2] : memref<1280000xf32, #tpu.memory_space<hbm>> -> memref<40000xf32, #tpu.memory_space<hbm>>
      tpu.wait_dma2 semaphore(%run_scoped3A : memref<!tpu.dma_semaphore, #tpu.memory_space<semaphore_mem>>) src(%arg8 : memref<40000xf32, #tpu.memory_space<vmem>>) dst(%dma_wait3A_45 : memref<40000xf32, #tpu.memory_space<hbm>>)
      tpu.yield
    }) : () -> ()
    return
  }
}

#map = affine_map<(d0, d1) -> (0)>
module attributes {stable_mosaic.version = 14 : i64} {
  func.func @_spmm_sc(%arg0: i32, %arg1: i32, %arg2: memref<1280000xf32, #tpu.memory_space<hbm>>, %arg3: memref<320000xi32, #tpu.memory_space<hbm>>, %arg4: memref<320000xi32, #tpu.memory_space<hbm>>, %arg5: memref<320000xf32, #tpu.memory_space<hbm>>, %arg6: memref<1280000xf32, #tpu.memory_space<hbm>>, %arg7: memref<40000xf32, #tpu.memory_space<vmem>>, %arg8: memref<40000xf32, #tpu.memory_space<vmem>>, %arg9: memref<2x3200xi32, #tpu.memory_space<vmem>>, %arg10: memref<2x3200xi32, #tpu.memory_space<vmem>>, %arg11: memref<2x3200xf32, #tpu.memory_space<vmem>>, %arg12: memref<!tpu.dma_semaphore, #tpu.memory_space<semaphore_mem>>, %arg13: memref<!tpu.dma_semaphore, #tpu.memory_space<semaphore_mem>>) attributes {dimension_semantics = [#tpu.dimension_semantics<core_parallel>, #tpu.dimension_semantics<subcore_parallel>], iteration_bounds = array<i64: 2, 16>, scalar_prefetch = 0 : i64, scratch_operands = 7 : i64, tpu.core_type = #tpu.core_type<sc_vector_subcore>, window_params = [{transform_indices = #map}, {transform_indices = #map}, {transform_indices = #map}, {transform_indices = #map}, {transform_indices = #map}]} {
    %mul3A = arith.constant 2 : i32
    %mul3A_0 = arith.muli %arg1, %mul3A : i32
    %add3A = arith.addi %mul3A_0, %arg0 : i32
    %mul3A_1 = arith.constant 40000 : i32
    %mul3A_2 = arith.muli %add3A, %mul3A_1 : i32
    %dma_start3A = arith.constant 0 : i32
    %dma_start3A_3 = arith.constant 0 : i32
    %dma_start3A_4 = tpu.memref_slice %arg9[%dma_start3A, %dma_start3A_3] : memref<2x3200xi32, #tpu.memory_space<vmem>> -> memref<1x3200xi32, #tpu.memory_space<vmem>>
    %dma_start3A_5 = tpu.memref_squeeze %dma_start3A_4 : memref<1x3200xi32, #tpu.memory_space<vmem>> -> memref<3200xi32, #tpu.memory_space<vmem>>
    %dma_start3A_6 = arith.constant 0 : i32
    %dma_start3A_7 = tpu.memref_slice %arg3[%dma_start3A_6] : memref<320000xi32, #tpu.memory_space<hbm>> -> memref<3200xi32, #tpu.memory_space<hbm>>
    %dma_start3A_8 = arith.constant 0 : i32
    %dma_start3A_9 = tpu.memref_slice %arg9[%dma_start3A, %dma_start3A_8] : memref<2x3200xi32, #tpu.memory_space<vmem>> -> memref<1x3200xi32, #tpu.memory_space<vmem>>
    %dma_start3A_10 = tpu.memref_squeeze %dma_start3A_9 : memref<1x3200xi32, #tpu.memory_space<vmem>> -> memref<3200xi32, #tpu.memory_space<vmem>>
    %dma_start3A_11 = arith.constant 0 : i32
    %dma_start3A_12 = tpu.memref_slice %arg3[%dma_start3A_11] : memref<320000xi32, #tpu.memory_space<hbm>> -> memref<3200xi32, #tpu.memory_space<hbm>>
    tpu.enqueue_dma source(%dma_start3A_12 : memref<3200xi32, #tpu.memory_space<hbm>>) target(%dma_start3A_10 : memref<3200xi32, #tpu.memory_space<vmem>>) target_semaphore(%arg12 : memref<!tpu.dma_semaphore, #tpu.memory_space<semaphore_mem>>)
    %dma_start3A_13 = arith.constant 0 : i32
    %dma_start3A_14 = arith.constant 0 : i32
    %dma_start3A_15 = tpu.memref_slice %arg10[%dma_start3A_13, %dma_start3A_14] : memref<2x3200xi32, #tpu.memory_space<vmem>> -> memref<1x3200xi32, #tpu.memory_space<vmem>>
    %dma_start3A_16 = tpu.memref_squeeze %dma_start3A_15 : memref<1x3200xi32, #tpu.memory_space<vmem>> -> memref<3200xi32, #tpu.memory_space<vmem>>
    %dma_start3A_17 = arith.constant 0 : i32
    %dma_start3A_18 = tpu.memref_slice %arg4[%dma_start3A_17] : memref<320000xi32, #tpu.memory_space<hbm>> -> memref<3200xi32, #tpu.memory_space<hbm>>
    %dma_start3A_19 = arith.constant 0 : i32
    %dma_start3A_20 = tpu.memref_slice %arg10[%dma_start3A_13, %dma_start3A_19] : memref<2x3200xi32, #tpu.memory_space<vmem>> -> memref<1x3200xi32, #tpu.memory_space<vmem>>
    %dma_start3A_21 = tpu.memref_squeeze %dma_start3A_20 : memref<1x3200xi32, #tpu.memory_space<vmem>> -> memref<3200xi32, #tpu.memory_space<vmem>>
    %dma_start3A_22 = arith.constant 0 : i32
    %dma_start3A_23 = tpu.memref_slice %arg4[%dma_start3A_22] : memref<320000xi32, #tpu.memory_space<hbm>> -> memref<3200xi32, #tpu.memory_space<hbm>>
    tpu.enqueue_dma source(%dma_start3A_23 : memref<3200xi32, #tpu.memory_space<hbm>>) target(%dma_start3A_21 : memref<3200xi32, #tpu.memory_space<vmem>>) target_semaphore(%arg12 : memref<!tpu.dma_semaphore, #tpu.memory_space<semaphore_mem>>)
    %dma_start3A_24 = arith.constant 0 : i32
    %dma_start3A_25 = arith.constant 0 : i32
    %dma_start3A_26 = tpu.memref_slice %arg11[%dma_start3A_24, %dma_start3A_25] : memref<2x3200xf32, #tpu.memory_space<vmem>> -> memref<1x3200xf32, #tpu.memory_space<vmem>>
    %dma_start3A_27 = tpu.memref_squeeze %dma_start3A_26 : memref<1x3200xf32, #tpu.memory_space<vmem>> -> memref<3200xf32, #tpu.memory_space<vmem>>
    %dma_start3A_28 = arith.constant 0 : i32
    %dma_start3A_29 = tpu.memref_slice %arg5[%dma_start3A_28] : memref<320000xf32, #tpu.memory_space<hbm>> -> memref<3200xf32, #tpu.memory_space<hbm>>
    %dma_start3A_30 = arith.constant 0 : i32
    %dma_start3A_31 = tpu.memref_slice %arg11[%dma_start3A_24, %dma_start3A_30] : memref<2x3200xf32, #tpu.memory_space<vmem>> -> memref<1x3200xf32, #tpu.memory_space<vmem>>
    %dma_start3A_32 = tpu.memref_squeeze %dma_start3A_31 : memref<1x3200xf32, #tpu.memory_space<vmem>> -> memref<3200xf32, #tpu.memory_space<vmem>>
    %dma_start3A_33 = arith.constant 0 : i32
    %dma_start3A_34 = tpu.memref_slice %arg5[%dma_start3A_33] : memref<320000xf32, #tpu.memory_space<hbm>> -> memref<3200xf32, #tpu.memory_space<hbm>>
    tpu.enqueue_dma source(%dma_start3A_34 : memref<3200xf32, #tpu.memory_space<hbm>>) target(%dma_start3A_32 : memref<3200xf32, #tpu.memory_space<vmem>>) target_semaphore(%arg12 : memref<!tpu.dma_semaphore, #tpu.memory_space<semaphore_mem>>)
    "tpu.region"() ({
      %run_scoped3A = tpu.sem_alloc : memref<!tpu.dma_semaphore, #tpu.memory_space<semaphore_mem>>
      %dma_start3A_43 = tpu.memref_slice %arg2[%mul3A_2] : memref<1280000xf32, #tpu.memory_space<hbm>> -> memref<40000xf32, #tpu.memory_space<hbm>>
      %dma_start3A_44 = tpu.memref_slice %arg2[%mul3A_2] : memref<1280000xf32, #tpu.memory_space<hbm>> -> memref<40000xf32, #tpu.memory_space<hbm>>
      tpu.enqueue_dma source(%dma_start3A_44 : memref<40000xf32, #tpu.memory_space<hbm>>) target(%arg7 : memref<40000xf32, #tpu.memory_space<vmem>>) target_semaphore(%run_scoped3A : memref<!tpu.dma_semaphore, #tpu.memory_space<semaphore_mem>>)
      %dma_wait3A = tpu.memref_slice %arg2[%mul3A_2] : memref<1280000xf32, #tpu.memory_space<hbm>> -> memref<40000xf32, #tpu.memory_space<hbm>>
      %dma_wait3A_45 = tpu.memref_slice %arg2[%mul3A_2] : memref<1280000xf32, #tpu.memory_space<hbm>> -> memref<40000xf32, #tpu.memory_space<hbm>>
      tpu.wait_dma2 semaphore(%run_scoped3A : memref<!tpu.dma_semaphore, #tpu.memory_space<semaphore_mem>>) src(%dma_wait3A_45 : memref<40000xf32, #tpu.memory_space<hbm>>) dst(%arg7 : memref<40000xf32, #tpu.memory_space<vmem>>)
      tpu.yield
    }) : () -> ()
    %broadcast_in_dim3A = arith.constant 0.000000e+00 : f32
    %broadcast_in_dim3A_35 = vector.broadcast %broadcast_in_dim3A : f32 to vector<16xf32>
    %parallel_loop3A = arith.constant 0 : i32
    %parallel_loop3A_36 = arith.constant 2500 : i32
    %parallel_loop3A_37 = arith.constant 1 : i32
    scf.for %parallel_loop3A_43 = %parallel_loop3A to %parallel_loop3A_36 step %parallel_loop3A_37  : i32 {
      %parallel_loop3A_44 = arith.constant 16 : i32
      %parallel_loop3A_45 = arith.muli %parallel_loop3A_43, %parallel_loop3A_44 : i32
      %parallel_loop3A_46 = arith.index_cast %parallel_loop3A_45 : i32 to index
      %parallel_loop3A_47 = tpu.vector_load %arg8[%parallel_loop3A_46] {strides = array<i32>} : memref<40000xf32, #tpu.memory_space<vmem>>, vector<16xf32>,
      tpu.vector_store %arg8[%parallel_loop3A_46], %broadcast_in_dim3A_35 {strides = array<i32>} : memref<40000xf32, #tpu.memory_space<vmem>>, vector<16xf32>,
    } {sc.loop_unroll_factor = 8 : i64, sc.parallel_access}
    %scan3A = arith.constant 0 : i32
    %scan3A_38 = arith.constant 0 : i32
    %scan3A_39 = arith.constant 50 : i32
    %scan3A_40 = arith.addi %scan3A_38, %scan3A_39 : i32
    %scan3A_41 = arith.constant 1 : i32
    scf.for %scan3A_43 = %scan3A_38 to %scan3A_40 step %scan3A_41  : i32 {
      %mul3A_44 = arith.constant 2 : i32
      %mul3A_45 = arith.muli %scan3A_43, %mul3A_44 : i32
      %add3A_46 = arith.constant 0 : i32
      %add3A_47 = arith.addi %mul3A_45, %add3A_46 : i32
      %add3A_48 = arith.constant 1 : i32
      %add3A_49 = arith.addi %add3A_47, %add3A_48 : i32
      %lt3A = arith.constant 100 : i32
      %lt3A_50 = arith.cmpi slt, %add3A_49, %lt3A : i32
      %convert_element_type3A = arith.extui %lt3A_50 : i1 to i32
      %cond3A = arith.constant 0 : i32
      %cond3A_51 = arith.cmpi ne, %convert_element_type3A, %cond3A : i32
      scf.if %cond3A_51 {
        %add3A_126 = arith.constant 1 : i32
        %add3A_127 = arith.addi %add3A_47, %add3A_126 : i32
        %mul3A_128 = arith.constant 3200 : i32
        %mul3A_129 = arith.muli %add3A_127, %mul3A_128 : i32
        %dma_start3A_130 = arith.constant 1 : i32
        %dma_start3A_131 = arith.constant 0 : i32
        %dma_start3A_132 = tpu.memref_slice %arg9[%dma_start3A_130, %dma_start3A_131] : memref<2x3200xi32, #tpu.memory_space<vmem>> -> memref<1x3200xi32, #tpu.memory_space<vmem>>
        %dma_start3A_133 = tpu.memref_squeeze %dma_start3A_132 : memref<1x3200xi32, #tpu.memory_space<vmem>> -> memref<3200xi32, #tpu.memory_space<vmem>>
        %dma_start3A_134 = tpu.memref_slice %arg3[%mul3A_129] : memref<320000xi32, #tpu.memory_space<hbm>> -> memref<3200xi32, #tpu.memory_space<hbm>>
        %dma_start3A_135 = arith.constant 0 : i32
        %dma_start3A_136 = tpu.memref_slice %arg9[%dma_start3A_130, %dma_start3A_135] : memref<2x3200xi32, #tpu.memory_space<vmem>> -> memref<1x3200xi32, #tpu.memory_space<vmem>>
        %dma_start3A_137 = tpu.memref_squeeze %dma_start3A_136 : memref<1x3200xi32, #tpu.memory_space<vmem>> -> memref<3200xi32, #tpu.memory_space<vmem>>
        %dma_start3A_138 = tpu.memref_slice %arg3[%mul3A_129] : memref<320000xi32, #tpu.memory_space<hbm>> -> memref<3200xi32, #tpu.memory_space<hbm>>
        tpu.enqueue_dma source(%dma_start3A_138 : memref<3200xi32, #tpu.memory_space<hbm>>) target(%dma_start3A_137 : memref<3200xi32, #tpu.memory_space<vmem>>) target_semaphore(%arg13 : memref<!tpu.dma_semaphore, #tpu.memory_space<semaphore_mem>>)
        %dma_start3A_139 = arith.constant 1 : i32
        %dma_start3A_140 = arith.constant 0 : i32
        %dma_start3A_141 = tpu.memref_slice %arg10[%dma_start3A_139, %dma_start3A_140] : memref<2x3200xi32, #tpu.memory_space<vmem>> -> memref<1x3200xi32, #tpu.memory_space<vmem>>
        %dma_start3A_142 = tpu.memref_squeeze %dma_start3A_141 : memref<1x3200xi32, #tpu.memory_space<vmem>> -> memref<3200xi32, #tpu.memory_space<vmem>>
        %dma_start3A_143 = tpu.memref_slice %arg4[%mul3A_129] : memref<320000xi32, #tpu.memory_space<hbm>> -> memref<3200xi32, #tpu.memory_space<hbm>>
        %dma_start3A_144 = arith.constant 0 : i32
        %dma_start3A_145 = tpu.memref_slice %arg10[%dma_start3A_139, %dma_start3A_144] : memref<2x3200xi32, #tpu.memory_space<vmem>> -> memref<1x3200xi32, #tpu.memory_space<vmem>>
        %dma_start3A_146 = tpu.memref_squeeze %dma_start3A_145 : memref<1x3200xi32, #tpu.memory_space<vmem>> -> memref<3200xi32, #tpu.memory_space<vmem>>
        %dma_start3A_147 = tpu.memref_slice %arg4[%mul3A_129] : memref<320000xi32, #tpu.memory_space<hbm>> -> memref<3200xi32, #tpu.memory_space<hbm>>
        tpu.enqueue_dma source(%dma_start3A_147 : memref<3200xi32, #tpu.memory_space<hbm>>) target(%dma_start3A_146 : memref<3200xi32, #tpu.memory_space<vmem>>) target_semaphore(%arg13 : memref<!tpu.dma_semaphore, #tpu.memory_space<semaphore_mem>>)
        %dma_start3A_148 = arith.constant 1 : i32
        %dma_start3A_149 = arith.constant 0 : i32
        %dma_start3A_150 = tpu.memref_slice %arg11[%dma_start3A_148, %dma_start3A_149] : memref<2x3200xf32, #tpu.memory_space<vmem>> -> memref<1x3200xf32, #tpu.memory_space<vmem>>
        %dma_start3A_151 = tpu.memref_squeeze %dma_start3A_150 : memref<1x3200xf32, #tpu.memory_space<vmem>> -> memref<3200xf32, #tpu.memory_space<vmem>>
        %dma_start3A_152 = tpu.memref_slice %arg5[%mul3A_129] : memref<320000xf32, #tpu.memory_space<hbm>> -> memref<3200xf32, #tpu.memory_space<hbm>>
        %dma_start3A_153 = arith.constant 0 : i32
        %dma_start3A_154 = tpu.memref_slice %arg11[%dma_start3A_148, %dma_start3A_153] : memref<2x3200xf32, #tpu.memory_space<vmem>> -> memref<1x3200xf32, #tpu.memory_space<vmem>>
        %dma_start3A_155 = tpu.memref_squeeze %dma_start3A_154 : memref<1x3200xf32, #tpu.memory_space<vmem>> -> memref<3200xf32, #tpu.memory_space<vmem>>
        %dma_start3A_156 = tpu.memref_slice %arg5[%mul3A_129] : memref<320000xf32, #tpu.memory_space<hbm>> -> memref<3200xf32, #tpu.memory_space<hbm>>
        tpu.enqueue_dma source(%dma_start3A_156 : memref<3200xf32, #tpu.memory_space<hbm>>) target(%dma_start3A_155 : memref<3200xf32, #tpu.memory_space<vmem>>) target_semaphore(%arg13 : memref<!tpu.dma_semaphore, #tpu.memory_space<semaphore_mem>>)
      } else {
      }
      %mul3A_52 = arith.constant 3200 : i32
      %mul3A_53 = arith.muli %add3A_47, %mul3A_52 : i32
      %dma_wait3A = arith.constant 0 : i32
      %dma_wait3A_54 = arith.constant 0 : i32
      %dma_wait3A_55 = tpu.memref_slice %arg9[%dma_wait3A, %dma_wait3A_54] : memref<2x3200xi32, #tpu.memory_space<vmem>> -> memref<1x3200xi32, #tpu.memory_space<vmem>>
      %dma_wait3A_56 = tpu.memref_squeeze %dma_wait3A_55 : memref<1x3200xi32, #tpu.memory_space<vmem>> -> memref<3200xi32, #tpu.memory_space<vmem>>
      %dma_wait3A_57 = tpu.memref_slice %arg3[%mul3A_53] : memref<320000xi32, #tpu.memory_space<hbm>> -> memref<3200xi32, #tpu.memory_space<hbm>>
      %dma_wait3A_58 = arith.constant 0 : i32
      %dma_wait3A_59 = tpu.memref_slice %arg9[%dma_wait3A, %dma_wait3A_58] : memref<2x3200xi32, #tpu.memory_space<vmem>> -> memref<1x3200xi32, #tpu.memory_space<vmem>>
      %dma_wait3A_60 = tpu.memref_squeeze %dma_wait3A_59 : memref<1x3200xi32, #tpu.memory_space<vmem>> -> memref<3200xi32, #tpu.memory_space<vmem>>
      %dma_wait3A_61 = tpu.memref_slice %arg3[%mul3A_53] : memref<320000xi32, #tpu.memory_space<hbm>> -> memref<3200xi32, #tpu.memory_space<hbm>>
      tpu.wait_dma2 semaphore(%arg12 : memref<!tpu.dma_semaphore, #tpu.memory_space<semaphore_mem>>) src(%dma_wait3A_61 : memref<3200xi32, #tpu.memory_space<hbm>>) dst(%dma_wait3A_60 : memref<3200xi32, #tpu.memory_space<vmem>>)
      %dma_wait3A_62 = arith.constant 0 : i32
      %dma_wait3A_63 = arith.constant 0 : i32
      %dma_wait3A_64 = tpu.memref_slice %arg10[%dma_wait3A_62, %dma_wait3A_63] : memref<2x3200xi32, #tpu.memory_space<vmem>> -> memref<1x3200xi32, #tpu.memory_space<vmem>>
      %dma_wait3A_65 = tpu.memref_squeeze %dma_wait3A_64 : memref<1x3200xi32, #tpu.memory_space<vmem>> -> memref<3200xi32, #tpu.memory_space<vmem>>
      %dma_wait3A_66 = tpu.memref_slice %arg4[%mul3A_53] : memref<320000xi32, #tpu.memory_space<hbm>> -> memref<3200xi32, #tpu.memory_space<hbm>>
      %dma_wait3A_67 = arith.constant 0 : i32
      %dma_wait3A_68 = tpu.memref_slice %arg10[%dma_wait3A_62, %dma_wait3A_67] : memref<2x3200xi32, #tpu.memory_space<vmem>> -> memref<1x3200xi32, #tpu.memory_space<vmem>>
      %dma_wait3A_69 = tpu.memref_squeeze %dma_wait3A_68 : memref<1x3200xi32, #tpu.memory_space<vmem>> -> memref<3200xi32, #tpu.memory_space<vmem>>
      %dma_wait3A_70 = tpu.memref_slice %arg4[%mul3A_53] : memref<320000xi32, #tpu.memory_space<hbm>> -> memref<3200xi32, #tpu.memory_space<hbm>>
      tpu.wait_dma2 semaphore(%arg12 : memref<!tpu.dma_semaphore, #tpu.memory_space<semaphore_mem>>) src(%dma_wait3A_70 : memref<3200xi32, #tpu.memory_space<hbm>>) dst(%dma_wait3A_69 : memref<3200xi32, #tpu.memory_space<vmem>>)
      %dma_wait3A_71 = arith.constant 0 : i32
      %dma_wait3A_72 = arith.constant 0 : i32
      %dma_wait3A_73 = tpu.memref_slice %arg11[%dma_wait3A_71, %dma_wait3A_72] : memref<2x3200xf32, #tpu.memory_space<vmem>> -> memref<1x3200xf32, #tpu.memory_space<vmem>>
      %dma_wait3A_74 = tpu.memref_squeeze %dma_wait3A_73 : memref<1x3200xf32, #tpu.memory_space<vmem>> -> memref<3200xf32, #tpu.memory_space<vmem>>
      %dma_wait3A_75 = tpu.memref_slice %arg5[%mul3A_53] : memref<320000xf32, #tpu.memory_space<hbm>> -> memref<3200xf32, #tpu.memory_space<hbm>>
      %dma_wait3A_76 = arith.constant 0 : i32
      %dma_wait3A_77 = tpu.memref_slice %arg11[%dma_wait3A_71, %dma_wait3A_76] : memref<2x3200xf32, #tpu.memory_space<vmem>> -> memref<1x3200xf32, #tpu.memory_space<vmem>>
      %dma_wait3A_78 = tpu.memref_squeeze %dma_wait3A_77 : memref<1x3200xf32, #tpu.memory_space<vmem>> -> memref<3200xf32, #tpu.memory_space<vmem>>
      %dma_wait3A_79 = tpu.memref_slice %arg5[%mul3A_53] : memref<320000xf32, #tpu.memory_space<hbm>> -> memref<3200xf32, #tpu.memory_space<hbm>>
      tpu.wait_dma2 semaphore(%arg12 : memref<!tpu.dma_semaphore, #tpu.memory_space<semaphore_mem>>) src(%dma_wait3A_79 : memref<3200xf32, #tpu.memory_space<hbm>>) dst(%dma_wait3A_78 : memref<3200xf32, #tpu.memory_space<vmem>>)
      %parallel_loop3A_80 = arith.constant 0 : i32
      %parallel_loop3A_81 = arith.constant 200 : i32
      %parallel_loop3A_82 = arith.constant 1 : i32
      scf.for %parallel_loop3A_126 = %parallel_loop3A_80 to %parallel_loop3A_81 step %parallel_loop3A_82  : i32 {
        %parallel_loop3A_127 = arith.constant 16 : i32
        %parallel_loop3A_128 = arith.muli %parallel_loop3A_126, %parallel_loop3A_127 : i32
        %parallel_loop3A_129 = arith.constant 0 : i32
        %parallel_loop3A_130 = arith.index_cast %parallel_loop3A_129 : i32 to index
        %parallel_loop3A_131 = arith.index_cast %parallel_loop3A_128 : i32 to index
        %parallel_loop3A_132 = tpu.vector_load %arg9[%parallel_loop3A_130, %parallel_loop3A_131] {strides = array<i32>} : memref<2x3200xi32, #tpu.memory_space<vmem>>, vector<16xi32>,
        %parallel_loop3A_133 = arith.constant 0 : i32
        %parallel_loop3A_134 = arith.index_cast %parallel_loop3A_133 : i32 to index
        %parallel_loop3A_135 = arith.index_cast %parallel_loop3A_128 : i32 to index
        %parallel_loop3A_136 = tpu.vector_load %arg10[%parallel_loop3A_134, %parallel_loop3A_135] {strides = array<i32>} : memref<2x3200xi32, #tpu.memory_space<vmem>>, vector<16xi32>,
        %parallel_loop3A_137 = arith.constant 0 : i32
        %parallel_loop3A_138 = arith.index_cast %parallel_loop3A_137 : i32 to index
        %parallel_loop3A_139 = arith.index_cast %parallel_loop3A_128 : i32 to index
        %parallel_loop3A_140 = tpu.vector_load %arg11[%parallel_loop3A_138, %parallel_loop3A_139] {strides = array<i32>} : memref<2x3200xf32, #tpu.memory_space<vmem>>, vector<16xf32>,
        %parallel_loop3A_141 = tpu.vector_load_idx %arg7[%parallel_loop3A_136] : memref<40000xf32, #tpu.memory_space<vmem>>[vector<16xi32>], vector<16xf32>,
        %parallel_loop3A_142 = arith.mulf %parallel_loop3A_141, %parallel_loop3A_140 : vector<16xf32>
        tpu.vector_store_idx %arg8[%parallel_loop3A_132], %parallel_loop3A_142 : memref<40000xf32, #tpu.memory_space<vmem>>[vector<16xi32>], vector<16xf32>,
        %parallel_loop3A_143 = arith.constant 10000 : i32
        %parallel_loop3A_144 = vector.broadcast %parallel_loop3A_143 : i32 to vector<16xi32>
        %parallel_loop3A_145 = arith.addi %parallel_loop3A_136, %parallel_loop3A_144 : vector<16xi32>
        %parallel_loop3A_146 = arith.constant 10000 : i32
        %parallel_loop3A_147 = vector.broadcast %parallel_loop3A_146 : i32 to vector<16xi32>
        %parallel_loop3A_148 = arith.addi %parallel_loop3A_132, %parallel_loop3A_147 : vector<16xi32>
        %parallel_loop3A_149 = tpu.vector_load_idx %arg7[%parallel_loop3A_145] : memref<40000xf32, #tpu.memory_space<vmem>>[vector<16xi32>], vector<16xf32>,
        %parallel_loop3A_150 = arith.mulf %parallel_loop3A_149, %parallel_loop3A_140 : vector<16xf32>
        tpu.vector_store_idx %arg8[%parallel_loop3A_148], %parallel_loop3A_150 : memref<40000xf32, #tpu.memory_space<vmem>>[vector<16xi32>], vector<16xf32>,
        %parallel_loop3A_151 = arith.constant 20000 : i32
        %parallel_loop3A_152 = vector.broadcast %parallel_loop3A_151 : i32 to vector<16xi32>
        %parallel_loop3A_153 = arith.addi %parallel_loop3A_136, %parallel_loop3A_152 : vector<16xi32>
        %parallel_loop3A_154 = arith.constant 20000 : i32
        %parallel_loop3A_155 = vector.broadcast %parallel_loop3A_154 : i32 to vector<16xi32>
        %parallel_loop3A_156 = arith.addi %parallel_loop3A_132, %parallel_loop3A_155 : vector<16xi32>
        %parallel_loop3A_157 = tpu.vector_load_idx %arg7[%parallel_loop3A_153] : memref<40000xf32, #tpu.memory_space<vmem>>[vector<16xi32>], vector<16xf32>,
        %parallel_loop3A_158 = arith.mulf %parallel_loop3A_157, %parallel_loop3A_140 : vector<16xf32>
        tpu.vector_store_idx %arg8[%parallel_loop3A_156], %parallel_loop3A_158 : memref<40000xf32, #tpu.memory_space<vmem>>[vector<16xi32>], vector<16xf32>,
        %parallel_loop3A_159 = arith.constant 30000 : i32
        %parallel_loop3A_160 = vector.broadcast %parallel_loop3A_159 : i32 to vector<16xi32>
        %parallel_loop3A_161 = arith.addi %parallel_loop3A_136, %parallel_loop3A_160 : vector<16xi32>
        %parallel_loop3A_162 = arith.constant 30000 : i32
        %parallel_loop3A_163 = vector.broadcast %parallel_loop3A_162 : i32 to vector<16xi32>
        %parallel_loop3A_164 = arith.addi %parallel_loop3A_132, %parallel_loop3A_163 : vector<16xi32>
        %parallel_loop3A_165 = tpu.vector_load_idx %arg7[%parallel_loop3A_161] : memref<40000xf32, #tpu.memory_space<vmem>>[vector<16xi32>], vector<16xf32>,
        %parallel_loop3A_166 = arith.mulf %parallel_loop3A_165, %parallel_loop3A_140 : vector<16xf32>
        tpu.vector_store_idx %arg8[%parallel_loop3A_164], %parallel_loop3A_166 : memref<40000xf32, #tpu.memory_space<vmem>>[vector<16xi32>], vector<16xf32>,
      } {sc.loop_unroll_factor = 4 : i64, sc.parallel_access}
      %mul3A_83 = arith.constant 2 : i32
      %mul3A_84 = arith.muli %scan3A_43, %mul3A_83 : i32
      %add3A_85 = arith.constant 1 : i32
      %add3A_86 = arith.addi %mul3A_84, %add3A_85 : i32
      %add3A_87 = arith.constant 1 : i32
      %add3A_88 = arith.addi %add3A_86, %add3A_87 : i32
      %lt3A_89 = arith.constant 100 : i32
      %lt3A_90 = arith.cmpi slt, %add3A_88, %lt3A_89 : i32
      %convert_element_type3A_91 = arith.extui %lt3A_90 : i1 to i32
      %cond3A_92 = arith.constant 0 : i32
      %cond3A_93 = arith.cmpi ne, %convert_element_type3A_91, %cond3A_92 : i32
      scf.if %cond3A_93 {
        %add3A_126 = arith.constant 1 : i32
        %add3A_127 = arith.addi %add3A_86, %add3A_126 : i32
        %mul3A_128 = arith.constant 3200 : i32
        %mul3A_129 = arith.muli %add3A_127, %mul3A_128 : i32
        %dma_start3A_130 = arith.constant 0 : i32
        %dma_start3A_131 = arith.constant 0 : i32
        %dma_start3A_132 = tpu.memref_slice %arg9[%dma_start3A_130, %dma_start3A_131] : memref<2x3200xi32, #tpu.memory_space<vmem>> -> memref<1x3200xi32, #tpu.memory_space<vmem>>
        %dma_start3A_133 = tpu.memref_squeeze %dma_start3A_132 : memref<1x3200xi32, #tpu.memory_space<vmem>> -> memref<3200xi32, #tpu.memory_space<vmem>>
        %dma_start3A_134 = tpu.memref_slice %arg3[%mul3A_129] : memref<320000xi32, #tpu.memory_space<hbm>> -> memref<3200xi32, #tpu.memory_space<hbm>>
        %dma_start3A_135 = arith.constant 0 : i32
        %dma_start3A_136 = tpu.memref_slice %arg9[%dma_start3A_130, %dma_start3A_135] : memref<2x3200xi32, #tpu.memory_space<vmem>> -> memref<1x3200xi32, #tpu.memory_space<vmem>>
        %dma_start3A_137 = tpu.memref_squeeze %dma_start3A_136 : memref<1x3200xi32, #tpu.memory_space<vmem>> -> memref<3200xi32, #tpu.memory_space<vmem>>
        %dma_start3A_138 = tpu.memref_slice %arg3[%mul3A_129] : memref<320000xi32, #tpu.memory_space<hbm>> -> memref<3200xi32, #tpu.memory_space<hbm>>
        tpu.enqueue_dma source(%dma_start3A_138 : memref<3200xi32, #tpu.memory_space<hbm>>) target(%dma_start3A_137 : memref<3200xi32, #tpu.memory_space<vmem>>) target_semaphore(%arg12 : memref<!tpu.dma_semaphore, #tpu.memory_space<semaphore_mem>>)
        %dma_start3A_139 = arith.constant 0 : i32
        %dma_start3A_140 = arith.constant 0 : i32
        %dma_start3A_141 = tpu.memref_slice %arg10[%dma_start3A_139, %dma_start3A_140] : memref<2x3200xi32, #tpu.memory_space<vmem>> -> memref<1x3200xi32, #tpu.memory_space<vmem>>
        %dma_start3A_142 = tpu.memref_squeeze %dma_start3A_141 : memref<1x3200xi32, #tpu.memory_space<vmem>> -> memref<3200xi32, #tpu.memory_space<vmem>>
        %dma_start3A_143 = tpu.memref_slice %arg4[%mul3A_129] : memref<320000xi32, #tpu.memory_space<hbm>> -> memref<3200xi32, #tpu.memory_space<hbm>>
        %dma_start3A_144 = arith.constant 0 : i32
        %dma_start3A_145 = tpu.memref_slice %arg10[%dma_start3A_139, %dma_start3A_144] : memref<2x3200xi32, #tpu.memory_space<vmem>> -> memref<1x3200xi32, #tpu.memory_space<vmem>>
        %dma_start3A_146 = tpu.memref_squeeze %dma_start3A_145 : memref<1x3200xi32, #tpu.memory_space<vmem>> -> memref<3200xi32, #tpu.memory_space<vmem>>
        %dma_start3A_147 = tpu.memref_slice %arg4[%mul3A_129] : memref<320000xi32, #tpu.memory_space<hbm>> -> memref<3200xi32, #tpu.memory_space<hbm>>
        tpu.enqueue_dma source(%dma_start3A_147 : memref<3200xi32, #tpu.memory_space<hbm>>) target(%dma_start3A_146 : memref<3200xi32, #tpu.memory_space<vmem>>) target_semaphore(%arg12 : memref<!tpu.dma_semaphore, #tpu.memory_space<semaphore_mem>>)
        %dma_start3A_148 = arith.constant 0 : i32
        %dma_start3A_149 = arith.constant 0 : i32
        %dma_start3A_150 = tpu.memref_slice %arg11[%dma_start3A_148, %dma_start3A_149] : memref<2x3200xf32, #tpu.memory_space<vmem>> -> memref<1x3200xf32, #tpu.memory_space<vmem>>
        %dma_start3A_151 = tpu.memref_squeeze %dma_start3A_150 : memref<1x3200xf32, #tpu.memory_space<vmem>> -> memref<3200xf32, #tpu.memory_space<vmem>>
        %dma_start3A_152 = tpu.memref_slice %arg5[%mul3A_129] : memref<320000xf32, #tpu.memory_space<hbm>> -> memref<3200xf32, #tpu.memory_space<hbm>>
        %dma_start3A_153 = arith.constant 0 : i32
        %dma_start3A_154 = tpu.memref_slice %arg11[%dma_start3A_148, %dma_start3A_153] : memref<2x3200xf32, #tpu.memory_space<vmem>> -> memref<1x3200xf32, #tpu.memory_space<vmem>>
        %dma_start3A_155 = tpu.memref_squeeze %dma_start3A_154 : memref<1x3200xf32, #tpu.memory_space<vmem>> -> memref<3200xf32, #tpu.memory_space<vmem>>
        %dma_start3A_156 = tpu.memref_slice %arg5[%mul3A_129] : memref<320000xf32, #tpu.memory_space<hbm>> -> memref<3200xf32, #tpu.memory_space<hbm>>
        tpu.enqueue_dma source(%dma_start3A_156 : memref<3200xf32, #tpu.memory_space<hbm>>) target(%dma_start3A_155 : memref<3200xf32, #tpu.memory_space<vmem>>) target_semaphore(%arg12 : memref<!tpu.dma_semaphore, #tpu.memory_space<semaphore_mem>>)
      } else {
      }
      %mul3A_94 = arith.constant 3200 : i32
      %mul3A_95 = arith.muli %add3A_86, %mul3A_94 : i32
      %dma_wait3A_96 = arith.constant 1 : i32
      %dma_wait3A_97 = arith.constant 0 : i32
      %dma_wait3A_98 = tpu.memref_slice %arg9[%dma_wait3A_96, %dma_wait3A_97] : memref<2x3200xi32, #tpu.memory_space<vmem>> -> memref<1x3200xi32, #tpu.memory_space<vmem>>
      %dma_wait3A_99 = tpu.memref_squeeze %dma_wait3A_98 : memref<1x3200xi32, #tpu.memory_space<vmem>> -> memref<3200xi32, #tpu.memory_space<vmem>>
      %dma_wait3A_100 = tpu.memref_slice %arg3[%mul3A_95] : memref<320000xi32, #tpu.memory_space<hbm>> -> memref<3200xi32, #tpu.memory_space<hbm>>
      %dma_wait3A_101 = arith.constant 0 : i32
      %dma_wait3A_102 = tpu.memref_slice %arg9[%dma_wait3A_96, %dma_wait3A_101] : memref<2x3200xi32, #tpu.memory_space<vmem>> -> memref<1x3200xi32, #tpu.memory_space<vmem>>
      %dma_wait3A_103 = tpu.memref_squeeze %dma_wait3A_102 : memref<1x3200xi32, #tpu.memory_space<vmem>> -> memref<3200xi32, #tpu.memory_space<vmem>>
      %dma_wait3A_104 = tpu.memref_slice %arg3[%mul3A_95] : memref<320000xi32, #tpu.memory_space<hbm>> -> memref<3200xi32, #tpu.memory_space<hbm>>
      tpu.wait_dma2 semaphore(%arg13 : memref<!tpu.dma_semaphore, #tpu.memory_space<semaphore_mem>>) src(%dma_wait3A_104 : memref<3200xi32, #tpu.memory_space<hbm>>) dst(%dma_wait3A_103 : memref<3200xi32, #tpu.memory_space<vmem>>)
      %dma_wait3A_105 = arith.constant 1 : i32
      %dma_wait3A_106 = arith.constant 0 : i32
      %dma_wait3A_107 = tpu.memref_slice %arg10[%dma_wait3A_105, %dma_wait3A_106] : memref<2x3200xi32, #tpu.memory_space<vmem>> -> memref<1x3200xi32, #tpu.memory_space<vmem>>
      %dma_wait3A_108 = tpu.memref_squeeze %dma_wait3A_107 : memref<1x3200xi32, #tpu.memory_space<vmem>> -> memref<3200xi32, #tpu.memory_space<vmem>>
      %dma_wait3A_109 = tpu.memref_slice %arg4[%mul3A_95] : memref<320000xi32, #tpu.memory_space<hbm>> -> memref<3200xi32, #tpu.memory_space<hbm>>
      %dma_wait3A_110 = arith.constant 0 : i32
      %dma_wait3A_111 = tpu.memref_slice %arg10[%dma_wait3A_105, %dma_wait3A_110] : memref<2x3200xi32, #tpu.memory_space<vmem>> -> memref<1x3200xi32, #tpu.memory_space<vmem>>
      %dma_wait3A_112 = tpu.memref_squeeze %dma_wait3A_111 : memref<1x3200xi32, #tpu.memory_space<vmem>> -> memref<3200xi32, #tpu.memory_space<vmem>>
      %dma_wait3A_113 = tpu.memref_slice %arg4[%mul3A_95] : memref<320000xi32, #tpu.memory_space<hbm>> -> memref<3200xi32, #tpu.memory_space<hbm>>
      tpu.wait_dma2 semaphore(%arg13 : memref<!tpu.dma_semaphore, #tpu.memory_space<semaphore_mem>>) src(%dma_wait3A_113 : memref<3200xi32, #tpu.memory_space<hbm>>) dst(%dma_wait3A_112 : memref<3200xi32, #tpu.memory_space<vmem>>)
      %dma_wait3A_114 = arith.constant 1 : i32
      %dma_wait3A_115 = arith.constant 0 : i32
      %dma_wait3A_116 = tpu.memref_slice %arg11[%dma_wait3A_114, %dma_wait3A_115] : memref<2x3200xf32, #tpu.memory_space<vmem>> -> memref<1x3200xf32, #tpu.memory_space<vmem>>
      %dma_wait3A_117 = tpu.memref_squeeze %dma_wait3A_116 : memref<1x3200xf32, #tpu.memory_space<vmem>> -> memref<3200xf32, #tpu.memory_space<vmem>>
      %dma_wait3A_118 = tpu.memref_slice %arg5[%mul3A_95] : memref<320000xf32, #tpu.memory_space<hbm>> -> memref<3200xf32, #tpu.memory_space<hbm>>
      %dma_wait3A_119 = arith.constant 0 : i32
      %dma_wait3A_120 = tpu.memref_slice %arg11[%dma_wait3A_114, %dma_wait3A_119] : memref<2x3200xf32, #tpu.memory_space<vmem>> -> memref<1x3200xf32, #tpu.memory_space<vmem>>
      %dma_wait3A_121 = tpu.memref_squeeze %dma_wait3A_120 : memref<1x3200xf32, #tpu.memory_space<vmem>> -> memref<3200xf32, #tpu.memory_space<vmem>>
      %dma_wait3A_122 = tpu.memref_slice %arg5[%mul3A_95] : memref<320000xf32, #tpu.memory_space<hbm>> -> memref<3200xf32, #tpu.memory_space<hbm>>
      tpu.wait_dma2 semaphore(%arg13 : memref<!tpu.dma_semaphore, #tpu.memory_space<semaphore_mem>>) src(%dma_wait3A_122 : memref<3200xf32, #tpu.memory_space<hbm>>) dst(%dma_wait3A_121 : memref<3200xf32, #tpu.memory_space<vmem>>)
      %parallel_loop3A_123 = arith.constant 0 : i32
      %parallel_loop3A_124 = arith.constant 200 : i32
      %parallel_loop3A_125 = arith.constant 1 : i32
      scf.for %parallel_loop3A_126 = %parallel_loop3A_123 to %parallel_loop3A_124 step %parallel_loop3A_125  : i32 {
        %parallel_loop3A_127 = arith.constant 16 : i32
        %parallel_loop3A_128 = arith.muli %parallel_loop3A_126, %parallel_loop3A_127 : i32
        %parallel_loop3A_129 = arith.constant 1 : i32
        %parallel_loop3A_130 = arith.index_cast %parallel_loop3A_129 : i32 to index
        %parallel_loop3A_131 = arith.index_cast %parallel_loop3A_128 : i32 to index
        %parallel_loop3A_132 = tpu.vector_load %arg9[%parallel_loop3A_130, %parallel_loop3A_131] {strides = array<i32>} : memref<2x3200xi32, #tpu.memory_space<vmem>>, vector<16xi32>,
        %parallel_loop3A_133 = arith.constant 1 : i32
        %parallel_loop3A_134 = arith.index_cast %parallel_loop3A_133 : i32 to index
        %parallel_loop3A_135 = arith.index_cast %parallel_loop3A_128 : i32 to index
        %parallel_loop3A_136 = tpu.vector_load %arg10[%parallel_loop3A_134, %parallel_loop3A_135] {strides = array<i32>} : memref<2x3200xi32, #tpu.memory_space<vmem>>, vector<16xi32>,
        %parallel_loop3A_137 = arith.constant 1 : i32
        %parallel_loop3A_138 = arith.index_cast %parallel_loop3A_137 : i32 to index
        %parallel_loop3A_139 = arith.index_cast %parallel_loop3A_128 : i32 to index
        %parallel_loop3A_140 = tpu.vector_load %arg11[%parallel_loop3A_138, %parallel_loop3A_139] {strides = array<i32>} : memref<2x3200xf32, #tpu.memory_space<vmem>>, vector<16xf32>,
        %parallel_loop3A_141 = tpu.vector_load_idx %arg7[%parallel_loop3A_136] : memref<40000xf32, #tpu.memory_space<vmem>>[vector<16xi32>], vector<16xf32>,
        %parallel_loop3A_142 = arith.mulf %parallel_loop3A_141, %parallel_loop3A_140 : vector<16xf32>
        tpu.vector_store_idx %arg8[%parallel_loop3A_132], %parallel_loop3A_142 : memref<40000xf32, #tpu.memory_space<vmem>>[vector<16xi32>], vector<16xf32>,
        %parallel_loop3A_143 = arith.constant 10000 : i32
        %parallel_loop3A_144 = vector.broadcast %parallel_loop3A_143 : i32 to vector<16xi32>
        %parallel_loop3A_145 = arith.addi %parallel_loop3A_136, %parallel_loop3A_144 : vector<16xi32>
        %parallel_loop3A_146 = arith.constant 10000 : i32
        %parallel_loop3A_147 = vector.broadcast %parallel_loop3A_146 : i32 to vector<16xi32>
        %parallel_loop3A_148 = arith.addi %parallel_loop3A_132, %parallel_loop3A_147 : vector<16xi32>
        %parallel_loop3A_149 = tpu.vector_load_idx %arg7[%parallel_loop3A_145] : memref<40000xf32, #tpu.memory_space<vmem>>[vector<16xi32>], vector<16xf32>,
        %parallel_loop3A_150 = arith.mulf %parallel_loop3A_149, %parallel_loop3A_140 : vector<16xf32>
        tpu.vector_store_idx %arg8[%parallel_loop3A_148], %parallel_loop3A_150 : memref<40000xf32, #tpu.memory_space<vmem>>[vector<16xi32>], vector<16xf32>,
        %parallel_loop3A_151 = arith.constant 20000 : i32
        %parallel_loop3A_152 = vector.broadcast %parallel_loop3A_151 : i32 to vector<16xi32>
        %parallel_loop3A_153 = arith.addi %parallel_loop3A_136, %parallel_loop3A_152 : vector<16xi32>
        %parallel_loop3A_154 = arith.constant 20000 : i32
        %parallel_loop3A_155 = vector.broadcast %parallel_loop3A_154 : i32 to vector<16xi32>
        %parallel_loop3A_156 = arith.addi %parallel_loop3A_132, %parallel_loop3A_155 : vector<16xi32>
        %parallel_loop3A_157 = tpu.vector_load_idx %arg7[%parallel_loop3A_153] : memref<40000xf32, #tpu.memory_space<vmem>>[vector<16xi32>], vector<16xf32>,
        %parallel_loop3A_158 = arith.mulf %parallel_loop3A_157, %parallel_loop3A_140 : vector<16xf32>
        tpu.vector_store_idx %arg8[%parallel_loop3A_156], %parallel_loop3A_158 : memref<40000xf32, #tpu.memory_space<vmem>>[vector<16xi32>], vector<16xf32>,
        %parallel_loop3A_159 = arith.constant 30000 : i32
        %parallel_loop3A_160 = vector.broadcast %parallel_loop3A_159 : i32 to vector<16xi32>
        %parallel_loop3A_161 = arith.addi %parallel_loop3A_136, %parallel_loop3A_160 : vector<16xi32>
        %parallel_loop3A_162 = arith.constant 30000 : i32
        %parallel_loop3A_163 = vector.broadcast %parallel_loop3A_162 : i32 to vector<16xi32>
        %parallel_loop3A_164 = arith.addi %parallel_loop3A_132, %parallel_loop3A_163 : vector<16xi32>
        %parallel_loop3A_165 = tpu.vector_load_idx %arg7[%parallel_loop3A_161] : memref<40000xf32, #tpu.memory_space<vmem>>[vector<16xi32>], vector<16xf32>,
        %parallel_loop3A_166 = arith.mulf %parallel_loop3A_165, %parallel_loop3A_140 : vector<16xf32>
        tpu.vector_store_idx %arg8[%parallel_loop3A_164], %parallel_loop3A_166 : memref<40000xf32, #tpu.memory_space<vmem>>[vector<16xi32>], vector<16xf32>,
      } {sc.loop_unroll_factor = 4 : i64, sc.parallel_access}
    }
    %scan3A_42 = arith.constant 50 : i32
    "tpu.region"() ({
      %run_scoped3A = tpu.sem_alloc : memref<!tpu.dma_semaphore, #tpu.memory_space<semaphore_mem>>
      %dma_start3A_43 = tpu.memref_slice %arg6[%mul3A_2] : memref<1280000xf32, #tpu.memory_space<hbm>> -> memref<40000xf32, #tpu.memory_space<hbm>>
      %dma_start3A_44 = tpu.memref_slice %arg6[%mul3A_2] : memref<1280000xf32, #tpu.memory_space<hbm>> -> memref<40000xf32, #tpu.memory_space<hbm>>
      tpu.enqueue_dma source(%arg8 : memref<40000xf32, #tpu.memory_space<vmem>>) target(%dma_start3A_44 : memref<40000xf32, #tpu.memory_space<hbm>>) target_semaphore(%run_scoped3A : memref<!tpu.dma_semaphore, #tpu.memory_space<semaphore_mem>>)
      %dma_wait3A = tpu.memref_slice %arg6[%mul3A_2] : memref<1280000xf32, #tpu.memory_space<hbm>> -> memref<40000xf32, #tpu.memory_space<hbm>>
      %dma_wait3A_45 = tpu.memref_slice %arg6[%mul3A_2] : memref<1280000xf32, #tpu.memory_space<hbm>> -> memref<40000xf32, #tpu.memory_space<hbm>>
      tpu.wait_dma2 semaphore(%run_scoped3A : memref<!tpu.dma_semaphore, #tpu.memory_space<semaphore_mem>>) src(%arg8 : memref<40000xf32, #tpu.memory_space<vmem>>) dst(%dma_wait3A_45 : memref<40000xf32, #tpu.memory_space<hbm>>)
      tpu.yield
    }) : () -> ()
    return
  }
}

module attributes {stable_mosaic.version = 14 : i64} {
  func.func @_mm1_body(%arg0: memref<10000x128xf32, #tpu.memory_space<vmem>>, %arg1: memref<128x128xf32, #tpu.memory_space<vmem>>, %arg2: memref<128x10000xf32, #tpu.memory_space<vmem>>) attributes {dimension_semantics = [], scalar_prefetch = 0 : i64, scratch_operands = 0 : i64, tpu.core_type = #tpu.core_type<tc>} {
    %get3A = arith.constant 0 : index
    %get3A_0 = arith.constant 0 : index
    %get3A_1 = vector.load %arg1[%get3A, %get3A_0] : memref<128x128xf32, #tpu.memory_space<vmem>>, vector<128x128xf32>
    %get3A_2 = arith.constant 0 : index
    %get3A_3 = arith.constant 0 : index
    %get3A_4 = vector.load %arg0[%get3A_2, %get3A_3] : memref<10000x128xf32, #tpu.memory_space<vmem>>, vector<10000x128xf32>
    %dot_general3A = arith.constant dense<0.000000e+00> : vector<128x10000xf32>
    %dot_general3A_5 = tpu.matmul %get3A_1, %get3A_4, %dot_general3A {dimension_numbers = #tpu.dot_dimension_numbers<[0], [1], [1], [0], [0, 1, 1, 0], [], []>, transpose_lhs_hint = false} : vector<128x128xf32>, vector<10000x128xf32>, vector<128x10000xf32> -> vector<128x10000xf32>
    %swap3A = arith.constant 0 : index
    %swap3A_6 = arith.constant 0 : index
    %swap3A_7 = vector.load %arg2[%swap3A, %swap3A_6] : memref<128x10000xf32, #tpu.memory_space<vmem>>, vector<128x10000xf32>
    tpu.vector_store %arg2[%swap3A, %swap3A_6], %dot_general3A_5 {strides = array<i32>} : memref<128x10000xf32, #tpu.memory_space<vmem>>, vector<128x10000xf32>,
    return
  }
}

module attributes {stable_mosaic.version = 14 : i64} {
  func.func @_mm2_body(%arg0: memref<128x10000xf32, #tpu.memory_space<vmem>>, %arg1: memref<128x1xf32, #tpu.memory_space<vmem>>, %arg2: memref<128x128xf32, #tpu.memory_space<vmem>>, %arg3: memref<128x10000xf32, #tpu.memory_space<vmem>>) attributes {dimension_semantics = [], scalar_prefetch = 0 : i64, scratch_operands = 0 : i64, tpu.core_type = #tpu.core_type<tc>} {
    %get3A = arith.constant 0 : index
    %get3A_0 = arith.constant 0 : index
    %get3A_1 = vector.load %arg0[%get3A, %get3A_0] : memref<128x10000xf32, #tpu.memory_space<vmem>>, vector<128x10000xf32>
    %get3A_2 = arith.constant 0 : index
    %get3A_3 = arith.constant 0 : index
    %get3A_4 = vector.load %arg1[%get3A_2, %get3A_3] : memref<128x1xf32, #tpu.memory_space<vmem>>, vector<128x1xf32>
    %add3A = vector.broadcast %get3A_4 : vector<128x1xf32> to vector<128x10000xf32>
    %add3A_5 = arith.addf %get3A_1, %add3A : vector<128x10000xf32>
    %max3A = arith.constant 0.000000e+00 : f32
    %max3A_6 = vector.broadcast %max3A : f32 to vector<128x10000xf32>
    %max3A_7 = arith.maximumf %add3A_5, %max3A_6 : vector<128x10000xf32>
    %get3A_8 = arith.constant 0 : index
    %get3A_9 = arith.constant 0 : index
    %get3A_10 = vector.load %arg2[%get3A_8, %get3A_9] : memref<128x128xf32, #tpu.memory_space<vmem>>, vector<128x128xf32>
    %dot_general3A = arith.constant dense<0.000000e+00> : vector<128x10000xf32>
    %dot_general3A_11 = tpu.matmul %get3A_10, %max3A_7, %dot_general3A {dimension_numbers = #tpu.dot_dimension_numbers<[0], [0], [1], [1], [0, 1, 1, 1], [], []>, transpose_lhs_hint = false} : vector<128x128xf32>, vector<128x10000xf32>, vector<128x10000xf32> -> vector<128x10000xf32>
    %swap3A = arith.constant 0 : index
    %swap3A_12 = arith.constant 0 : index
    %swap3A_13 = vector.load %arg3[%swap3A, %swap3A_12] : memref<128x10000xf32, #tpu.memory_space<vmem>>, vector<128x10000xf32>
    tpu.vector_store %arg3[%swap3A, %swap3A_12], %dot_general3A_11 {strides = array<i32>} : memref<128x10000xf32, #tpu.memory_space<vmem>>, vector<128x10000xf32>,
    return
  }
}

module attributes {stable_mosaic.version = 14 : i64} {
  func.func @_mm3_body(%arg0: memref<128x10000xf32, #tpu.memory_space<vmem>>, %arg1: memref<128x1xf32, #tpu.memory_space<vmem>>, %arg2: memref<128x40xf32, #tpu.memory_space<vmem>>, %arg3: memref<1x40xf32, #tpu.memory_space<vmem>>, %arg4: memref<10000x40xf32, #tpu.memory_space<vmem>>) attributes {dimension_semantics = [], scalar_prefetch = 0 : i64, scratch_operands = 0 : i64, tpu.core_type = #tpu.core_type<tc>} {
    %get3A = arith.constant 0 : index
    %get3A_0 = arith.constant 0 : index
    %get3A_1 = vector.load %arg0[%get3A, %get3A_0] : memref<128x10000xf32, #tpu.memory_space<vmem>>, vector<128x10000xf32>
    %get3A_2 = arith.constant 0 : index
    %get3A_3 = arith.constant 0 : index
    %get3A_4 = vector.load %arg1[%get3A_2, %get3A_3] : memref<128x1xf32, #tpu.memory_space<vmem>>, vector<128x1xf32>
    %add3A = vector.broadcast %get3A_4 : vector<128x1xf32> to vector<128x10000xf32>
    %add3A_5 = arith.addf %get3A_1, %add3A : vector<128x10000xf32>
    %get3A_6 = arith.constant 0 : index
    %get3A_7 = arith.constant 0 : index
    %get3A_8 = vector.load %arg2[%get3A_6, %get3A_7] : memref<128x40xf32, #tpu.memory_space<vmem>>, vector<128x40xf32>
    %dot_general3A = arith.constant dense<0.000000e+00> : vector<10000x40xf32>
    %dot_general3A_9 = tpu.matmul %add3A_5, %get3A_8, %dot_general3A {dimension_numbers = #tpu.dot_dimension_numbers<[0], [0], [1], [1], [0, 1, 1, 1], [], []>, transpose_lhs_hint = false} : vector<128x10000xf32>, vector<128x40xf32>, vector<10000x40xf32> -> vector<10000x40xf32>
    %get3A_10 = arith.constant 0 : index
    %get3A_11 = arith.constant 0 : index
    %get3A_12 = vector.load %arg3[%get3A_10, %get3A_11] : memref<1x40xf32, #tpu.memory_space<vmem>>, vector<1x40xf32>
    %add3A_13 = vector.broadcast %get3A_12 : vector<1x40xf32> to vector<10000x40xf32>
    %add3A_14 = arith.addf %dot_general3A_9, %add3A_13 : vector<10000x40xf32>
    %reduce_max3A = arith.constant dense<0xFF800000> : vector<10000xf32>
    %reduce_max3A_15 = vector.multi_reduction <maximumf>, %add3A_14, %reduce_max3A [1] : vector<10000x40xf32> to vector<10000xf32>
    %broadcast_in_dim3A = vector.shape_cast %reduce_max3A_15 : vector<10000xf32> to vector<10000x1xf32>
    %sub3A = vector.broadcast %broadcast_in_dim3A : vector<10000x1xf32> to vector<10000x40xf32>
    %sub3A_16 = arith.subf %add3A_14, %sub3A : vector<10000x40xf32>
    %exp3A = math.exp %sub3A_16 : vector<10000x40xf32>
    %reduce_sum3A = arith.constant dense<0.000000e+00> : vector<10000xf32>
    %reduce_sum3A_17 = vector.multi_reduction <add>, %exp3A, %reduce_sum3A [1] : vector<10000x40xf32> to vector<10000xf32>
    %broadcast_in_dim3A_18 = vector.shape_cast %reduce_sum3A_17 : vector<10000xf32> to vector<10000x1xf32>
    %log3A = math.log %broadcast_in_dim3A_18 : vector<10000x1xf32>
    %add3A_19 = arith.addf %log3A, %broadcast_in_dim3A : vector<10000x1xf32>
    %sub3A_20 = vector.broadcast %add3A_19 : vector<10000x1xf32> to vector<10000x40xf32>
    %sub3A_21 = arith.subf %add3A_14, %sub3A_20 : vector<10000x40xf32>
    %swap3A = arith.constant 0 : index
    %swap3A_22 = arith.constant 0 : index
    %swap3A_23 = vector.load %arg4[%swap3A, %swap3A_22] : memref<10000x40xf32, #tpu.memory_space<vmem>>, vector<10000x40xf32>
    tpu.vector_store %arg4[%swap3A, %swap3A_22], %sub3A_21 {strides = array<i32>} : memref<10000x40xf32, #tpu.memory_space<vmem>>, vector<10000x40xf32>,
    return
  }
}

</mosaic_0001>

<sc_bundles>
// kernel: kernel.10.cloned.1.call-start
scs
__scs_entry_jumppad:
0x0: {  	(pc) =	sbr.rel $0x88, $3  }
0x1: {  	(tag) =	ssettag $0x0;
	lr =	simm.s32 $0x1  }
0x2: {  	[smem:$0x3F98] =	sst lr;
	_ =	strace $0xD0000000  }
0x3: {  	_ = 	snop  }
0x4: {  	_ = 	snop  }
0x5: {  	_ = 	snop  }
0x6: {  	_ = 	snop  }
0x7: {  	_ = 	snop  }
__scs_overlays_trampoline_lowered:
0x8: {  	[smem:$0x3FA7] =	sst s0  }
0x9: {  	[smem:$0x3FA8] =	sst s1  }
0xa: {  	[smem:$0x3FA9] =	sst s2  }
0xb: {  	[smem:$0x3FAA] =	sst s3  }
0xc: {  	[smem:$0x3FAB] =	sst s4  }
0xd: {  	[smem:$0x3FAC] =	sst s5  }
0xe: {  	[smem:$0x3FAD] =	sst s6  }
0xf: {  	[smem:$0x3FAE] =	sst s7  }
0x10: {  	[smem:$0x3FAF] =	sst s8  }
0x11: {  	[smem:$0x3FB0] =	sst s9;
	s0 =	simm.s32 @!p0 $0x0  }
0x12: {  	s1 =	sld [smem:$0x3F96];
	s0 =	simm.s32 @p0 $0x1  }
0x13: {  	[smem:$0x3FB1] =	sst s0;
	s0 =	simm.s32 @!p1 $0x0  }
0x14: {  	s2 =	sld [smem:$0x3F95];
	s0 =	simm.s32 @p1 $0x1  }
0x15: {  	[smem:$0x3FB2] =	sst s0;
	s0 =	simm.s32 @!p2 $0x0  }
0x16: {  	s3 =	sld [smem:$0x3FDB];
	s0 =	simm.s32 @p2 $0x1  }
0x17: {  	s4 =	simm.s32 $0x1BF5;
	[smem:$0x3FB4] =	sst s0  }
0x18: {  	s0 =	sld [smem:$0x3F97];
	_ =	swait.ge [sflag:s4], $0x0  }
0x19: {  	s7 =	sld [smem:$0x3F98]  }
0x1a: {  	s8 =	sadd.s32 $0xFFFFE003, lr  }
0x1b: {  	s9 =	sadd.s32 $0xFFFFFEF7, lr;
	s5 =	simm.s32 $0xFFFFFFFF;
	p2 =	slt.u32 s8, $0xFFFFF086  }
0x1c: {  	p1 =	slt.u32 s9, $0xF7A;
	s5 =	simm.s32 @!p2 $0x0  }
0x1d: {  	s5 =	simm.s32 @p1 $0x1;
	p0 =	seq.s32 s7, s2  }
0x1e: {  	s7 =	smul.u32 @!p0 $0xF7A, s2;
	p2 =	seq.s32 @!p0 s5, $0x0  }
0x1f: {  	s9 =	smul.u32 $0xF7A, s1;
	s8 =	simm.s32 @!p0 $0x1BF5;
	p2 =	por !p2, p0  }
0x20: {  	[sflag:s8] =	ssyncset.s32 @!p0 $0xFFFFF086;
	s6 =	sadd.s32 @!p0 s3, s7;
	s7 =	simm.s32 @!p0 $0x108  }
0x21: {  	s3 =	sadd.s32 s3, s9;
	s6 =	sadd.s32 @!p0 $0x88, s6;
	s7 =	simm.s32 @p2 $0x1082  }
0x22: {  	[simem:s7], [sflag:s8] =	dma.local @!p0 [hbm:s6], $0xF7A  }
0x23: {  	s9 =	sor.u32 $0xD0000000, s2;
	s6 =	simm.s32 $0x108;
	_ =	swait.ge @!p0 [sflag:s8], $0x0  }
0x24: {  	s3 =	sadd.s32 $0x88, s3;
	s6 =	simm.s32 @!p1 $0x1082;
	[sflag:s4] =	ssyncset.s32 $0xFFFFF086  }
0x25: {  	[simem:s6], [sflag:s4] =	dma.local [hbm:s3], $0xF7A  }
0x26: {  	[smem:$0x3F98] =	sst s1;
	(tag) =	ssettag s2;
	_ =	strace s9  }
0x27: {  	s1 =	sld [smem:$0x3FA8]  }
0x28: {  	s2 =	sld [smem:$0x3FA9]  }
0x29: {  	s4 =	sld [smem:$0x3FAB]  }
0x2a: {  	p0 =	seq.s32 s5, $0x0;
	s5 =	sld [smem:$0x3FAC]  }
0x2b: {  	s6 =	sld [smem:$0x3FAD]  }
0x2c: {  	s7 =	sld [smem:$0x3FAE]  }
0x2d: {  	s3 =	simm.s32 $0x108;
	s8 =	sld [smem:$0x3FAF]  }
0x2e: {  	s3 =	simm.s32 @!p0 $0x1082;
	s9 =	sld [smem:$0x3FB0]  }
0x2f: {  	lr =	sadd.s32 s0, s3;
	s0 =	sld [smem:$0x3FA7]  }
0x30: {  	s3 =	sld [smem:$0x3FAA]  }
0x31: {  	[smem:$0x3FB3] =	sst s10  }
0x32: {  	s10 =	sld [smem:$0x3FB1];
	_ =	sdelay $0x3  }
0x33: {  	p0 =	seq.s32 s10, $0x1;
	s10 =	sld [smem:$0x3FB3];
	_ =	sdelay $0x3  }
0x34: {  	[smem:$0x3FB3] =	sst s10  }
0x35: {  	s10 =	sld [smem:$0x3FB2];
	_ =	sdelay $0x3  }
0x36: {  	p1 =	seq.s32 s10, $0x1;
	s10 =	sld [smem:$0x3FB3];
	_ =	sdelay $0x3  }
0x37: {  	[smem:$0x3FB3] =	sst s10  }
0x38: {  	s10 =	sld [smem:$0x3FB4]  }
0x39: {  	_ = 	snop;
	(pc) =	sbr.ind lr, $3  }
0x3a: {  	_ = 	snop  }
0x3b: {  	_ = 	snop  }
0x3c: {  	p2 =	seq.s32 s10, $0x1;
	s10 =	sld [smem:$0x3FB3]  }
0x3d: {  	_ =	shalt  }
0x3e: {  	_ =	shalt  }
0x3f: {  	_ =	shalt  }
0x40: {  	_ =	shalt  }
0x41: {  	_ =	shalt  }
0x42: {  	_ =	shalt  }
0x43: {  	_ =	shalt  }
0x44: {  	_ =	shalt  }
0x45: {  	_ =	shalt  }
0x46: {  	_ =	shalt  }
0x47: {  	_ =	shalt  }
0x48: {  	_ =	shalt  }
0x49: {  	_ =	shalt  }
0x4a: {  	_ =	shalt  }
0x4b: {  	_ =	shalt  }
0x4c: {  	_ =	shalt  }
0x4d: {  	_ =	shalt  }
0x4e: {  	_ =	shalt  }
0x4f: {  	_ =	shalt  }
0x50: {  	_ =	shalt  }
0x51: {  	_ =	shalt  }
0x52: {  	_ =	shalt  }
0x53: {  	_ =	shalt  }
0x54: {  	_ =	shalt  }
0x55: {  	_ =	shalt  }
0x56: {  	_ =	shalt  }
0x57: {  	_ =	shalt  }
0x58: {  	_ =	shalt  }
0x59: {  	_ =	shalt  }
0x5a: {  	_ =	shalt  }
0x5b: {  	_ =	shalt  }
0x5c: {  	_ =	shalt  }
0x5d: {  	_ =	shalt  }
0x5e: {  	_ =	shalt  }
0x5f: {  	_ =	shalt  }
0x60: {  	_ =	shalt  }
0x61: {  	_ =	shalt  }
0x62: {  	_ =	shalt  }
0x63: {  	_ =	shalt  }
0x64: {  	_ =	shalt  }
0x65: {  	_ =	shalt  }
0x66: {  	_ =	shalt  }
0x67: {  	_ =	shalt  }
0x68: {  	_ =	shalt  }
0x69: {  	_ =	shalt  }
0x6a: {  	_ =	shalt  }
0x6b: {  	_ =	shalt  }
0x6c: {  	_ =	shalt  }
0x6d: {  	_ =	shalt  }
0x6e: {  	_ =	shalt  }
0x6f: {  	_ =	shalt  }
0x70: {  	_ =	shalt  }
0x71: {  	_ =	shalt  }
0x72: {  	_ =	shalt  }
0x73: {  	_ =	shalt  }
0x74: {  	_ =	shalt  }
0x75: {  	_ =	shalt  }
0x76: {  	_ =	shalt  }
0x77: {  	_ =	shalt  }
0x78: {  	_ =	shalt  }
0x79: {  	_ =	shalt  }
0x7a: {  	_ =	shalt  }
0x7b: {  	_ =	shalt  }
0x7c: {  	_ =	shalt  }
0x7d: {  	_ =	shalt  }
0x7e: {  	_ =	shalt  }
0x7f: {  	_ =	shalt  }
0x80: {  	_ =	shalt  }
0x81: {  	_ =	shalt  }
0x82: {  	_ =	shalt  }
0x83: {  	_ =	shalt  }
0x84: {  	_ =	shalt  }
0x85: {  	_ =	shalt  }
0x86: {  	_ =	shalt  }
0x87: {  	_ =	shalt  }
.Lfunc_end0:
.L_simem_size_0:
called_computation.1_lowered:
.L_overlay_start_0:
0x88: {  	s2 =	sld [smem:$0x3FD9]  }
0x89: {  	s3 =	sld [smem:$0x3FFE];
	_ =	sdelay $0x1  }
0x8a: {  	s1 =	srdreg.scid  }
0x8b: {  	s0 =	sand.u32 $0x1, s1  }
0x8c: {  	s17 =	sshll.u32 s0, $0xA;
	s2 =	sadd.s32 s3, s2  }
0x8d: {  	s2 =	sadd.s32 s2, s17  }
0x8e: {  	[smem:$0x3FBF] =	sst s2  }
0x8f: {  	_ = 	snop  }
0x90: {  	s2 =	sld [smem:$0x3FC7]  }
0x91: {  	s18 =	sld [smem:$0x3FD0];
	(tm) =	ssettm $0x1  }
0x92: {  	s4 =	sld [smem:$0x3FFB];
	_ =	sdelay $0x3  }
0x93: {  	_ =	strace s4  }
0x94: {  	s4 =	sld [smem:$0x3FFC];
	_ =	sdelay $0x3  }
0x95: {  	_ =	strace s4  }
0x96: {  	s4 =	sld [smem:$0x3FFD];
	_ =	sdelay $0x3  }
0x97: {  	_ =	strace s4  }
0x98: {  	_ =	strace $0x8FFFFFFF  }
0x99: {  	s19 =	sld [smem:$0x3FDB];
	_ =	sdelay $0x1  }
0x9a: {  	s5 =	simm.s32 $_scs_section_size  }
0x9b: {  	s6 =	simm.s32 $_size__tile_overlayer_lowered;
	s7 =	simm.s32 $_tile_overlayer_lowered  }
0x9c: {  	s22 =	simm.s32 $0x1BFF;
	s21 =	sshll.u32 s7, $0x1;
	s4 =	sadd.s32 s5, s19  }
0x9d: {  	s8 =	simm.s32 $0x0;
	s20 =	sshll.u32 s6, $0x1;
	s6 =	sadd.s32 s21, s4  }
0x9e: {  	[timem:s8], [sflag:s22] =	dma.local [hbm:s6], s20  }
0x9f: {  	_ =	swait.ge [sflag:s22], s20  }
0xa0: {  	s5 =	ssub.s32 $0x0, s20;
	[sflag:s22] =	ssyncset.done $0x0  }
0xa1: {  	[sflag:s22] =	ssyncadd.s32 s5;
	_ =	sdelay $0x1  }
0xa2: {  	s23 =	simm.s32 $0x1B8B  }
0xa3: {  	_ =	swait.ge [sflag:s23], $0x1  }
0xa4: {  	[sflag:s23] =	ssyncset.done $0x0  }
0xa5: {  	s25 =	simm.s32 $0x1B8E;
	s24 =	sld [smem:$0x3FFE];
	[sflag:s23] =	ssyncadd.s32 $0xFFFFFFFF  }
0xa6: {  	s26 =	simm.s32 $execute0_lowered;
	[smem:$0x3FD2] =	sst s25  }
0xa7: {  	s6 =	sshll.u32 s26, $0x1;
	_ =	strace $0x80000049;
	[dreg:$0x1] =	wrdreg $0xFFFFFFFF  }
0xa8: {  	s28 =	simm.s32 $_size_execute0_lowered;
	s4 =	sadd.s32 s4, s6;
	[dreg:$0x0] =	wrdreg $0x0  }
0xa9: {  	s6 =	sshll.u32 s28, $0x1;
	[dreg:$0x2] =	wrdreg s4  }
0xaa: {  	[dreg:$0x3] =	wrdreg s6  }
0xab: {  	[dreg:$0x4] =	wrdreg $0xC0  }
0xac: {  	_ =	task [dreg:s8], $0x5FFFF  }
0xad: {  	[dreg:$0x1] =	wrdreg $0xFFFFFFFF  }
0xae: {  	[dreg:$0x0] =	wrdreg $0x60  }
0xaf: {  	[dreg:$0x2] =	wrdreg s24  }
0xb0: {  	[dreg:$0x3] =	wrdreg s18  }
0xb1: {  	[dreg:$0x4] =	wrdreg s2  }
0xb2: {  	[dreg:$0x5] =	wrdreg $0x9  }
0xb3: {  	_ =	task.clear_ibuf [dreg:s8], $0x6FFFF;
	_ =	strace $0x90000049  }
0xb4: {  	s29 =	simm.s32 $0x9;
	_ =	strace $0x8000004B  }
0xb5: {  	_ =	swait.ge [sflag:s29], $0x1  }
0xb6: {  	[sflag:s29] =	ssyncadd.s32 $0xFFFFFFFF  }
0xb7: {  	_ =	strace $0x9000004B  }
0xb8: {  	_ =	sfence  }
0xb9: {  	s30 =	sld [smem:$0x0];
	_ =	sdelay $0x2  }
0xba: {  	s31 =	sshll.u32 s1, $0xD;
	s1 =	sshrl.u32 s1, $0x2  }
0xbb: {  	s3 =	sand.u32 $0x4000, s31;
	s1 =	sadd.s32 s1, s30  }
0xbc: {  	s0 =	sor.u32 s3, s0;
	s1 =	sshll.u32 s1, $0x11  }
0xbd: {  	s0 =	sor.u32 s1, s0  }
0xbe: {  	s0 =	sadd.s32 $0x8F2B, s0  }
0xbf: {  	[sflag:s0] =	ssyncadd.remote.s32 $0x1  }
0xc0: {  	_ =	sfence.sel $0xFFFF  }
0xc1: {  	[dreg:$0x0] =	wrdreg $0xFFFFFFFF;
	(pc) =	sbr.abs _section_cstart, $3  }
0xc2: {  	[dreg:$0x1] =	wrdreg $0xFFFFFFFF  }
0xc3: {  	_ =	task.clear_ibuf [dreg:s8], $0x2FFFF;
	_ =	strace $0x9FFFFFFF  }
0xc4: {  	(tm) =	ssettm $0x7FFFFFFF  }
0xc5: {  	_ =	shalt  }
tec
execute0_lowered:
.L_overlay_start_1:
0x0: {  	(tag) =	ssettag $0x1  }
0x1: {  	s6 =	rddreg [dreg:$0x0]  }
0x2: {  	s2 =	rddreg [dreg:$0x1];
	s1 =	srdreg.scid  }
0x3: {  	s0 =	stileid.u32;
	s3 =	rddreg [dreg:$0x2]  }
0x4: {  	s4 =	simm.s32 $0x0;
	s9 =	simm.s32 $0x3;
	s10 =	simm.s32 $0x1  }
0x5: {  	s11 =	simm.s32 $0x9C80;
	s5 =	sand.u32 $0x1, s1;
	s7 =	sshll.u32 s0, $0x1  }
0x6: {  	s12 =	simm.s32 $0x2;
	s13 =	simm.s32 $0x0;
	s7 =	sor.u32 s5, s7  }
0x7: {  	[smem:$0x7FF] =	sst s4;
	s8 =	ssub.s32 $0x2, s5;
	s7 =	smul.u32 $0x1388, s7  }
0x8: {  	s1 =	rddreg [dreg:$0x3];
	_ =	strace $0x8000004A;
	s31 =	sshrl.u32 s8, $0x1  }
0x9: {  	s5 =	sadd.s32 $0xE00, s6;
	s8 =	ssub.s32 s8, s31;
	s7 =	sadd.s32 s7, s6  }
0xa: {  	v0 =	vimm.f32 $0.0e+00;
	s8 =	smax.u32 s8, $0x1;
	s6 =	sadd.s32 $0xAC00, s7;
	s7 =	sadd.s32 $0x31E00, s7  }
.LBB2_1:
0xb: {  	s15 =	simm.s32 $0x13900;
	s16 =	simm.s32 $0x0  }
.LBB2_2:
0xc: {  	p0 =	sne.s32 s16, $0x180  }
.Ltmp0:
0xd: {  	_ = 	snop;
	(pc) =	sbr.rel @p0 .LBB2_2-.Ltmp0, $4  }
0xe: {  	_ = 	snop  }
0xf: {  	s17 =	sadd.s32 s16, s5;
	s14 =	simm.s32 $0x0  }
0x10: {  	[tilespmem:s15], [sflag:$0x1] =	stream.linear.gather [hbm4b:s17+s14], $0x80, $0x38;
	[tilespmem:$0x18400] =	vst v63  }
0x11: {  	s16 =	sadd.s32 $0x10, s16;
	s15 =	sadd.s32 $0x100, s15  }
0x12: {  	s15 =	simm.s32 $0x15200;
	s16 =	simm.s32 $0x0  }
.LBB2_4:
0x13: {  	p0 =	sne.s32 s16, $0x180  }
.Ltmp1:
0x14: {  	_ = 	snop;
	(pc) =	sbr.rel @p0 .LBB2_4-.Ltmp1, $4  }
0x15: {  	_ = 	snop  }
0x16: {  	s17 =	sadd.s32 s16, s2  }
0x17: {  	[tilespmem:s15], [sflag:$0x1] =	stream.linear.gather [hbm4b:s17+s14], $0x80, $0x38;
	[tilespmem:$0x18400] =	vst v63  }
0x18: {  	s16 =	sadd.s32 $0x10, s16;
	s15 =	sadd.s32 $0x100, s15  }
0x19: {  	s14 =	simm.s32 $0x16B00  }
0x1a: {  	s15 =	simm.s32 $0x10;
	s17 =	sadd.s32 $0x0, s3;
	s16 =	simm.s32 $0x16C00  }
.LBB2_6:
0x1b: {  	[tilespmem:s14], [sflag:$0x1] =	stream.linear.gather [hbm4b:s17+s4], $0x80, $0x38;
	[tilespmem:$0x18400] =	vst v63  }
0x1c: {  	s17 =	smov.u32 s15;
	s14 =	smov.u32 s16;
	p0 =	sne.s32 s15, $0x180  }
.Ltmp2:
0x1d: {  	s15 =	sadd.s32 $0x10, s15;
	(pc) =	sbr.rel @p0 .LBB2_6-.Ltmp2, $2  }
0x1e: {  	_ =	sdelay $0x2  }
0x1f: {  	s16 =	sadd.s32 $0x100, s16;
	s17 =	sadd.s32 s17, s3  }
0x20: {  	[tilespmem:s14], [sflag:$0x1] =	stream.linear.gather [hbm4b:s17+s4], $0x80, $0x38;
	[tilespmem:$0x18400] =	vst v63  }
0x21: {  	_ = 	snop  }
0x22: {  	[tilespmem:s4], [sflag:$0x3] =	stream.linear.gather [hbm4b:s6+s4], $0x9C40, $0x38;
	[tilespmem:$0x18400] =	vst v63  }
0x23: {  	_ =	swait.ge [sflag:s9], $0x9C40  }
0x24: {  	[sflag:s9] =	ssyncset.done $0x0  }
0x25: {  	s14 =	simm.s32 $0x9CC0;
	[sflag:s9] =	ssyncadd.s32 $0xFFFF63C0  }
0x26: {  	[tilespmem:s14+$0xFFFFFFC0] =	vst v0  }
0x27: {  	[tilespmem:s14+$0x30] =	vst v0  }
0x28: {  	[tilespmem:s14+$0x20] =	vst v0  }
0x29: {  	[tilespmem:s14+$0x10] =	vst v0  }
0x2a: {  	[tilespmem:s14+$0x0] =	vst v0  }
0x2b: {  	[tilespmem:s14+$0xFFFFFFF0] =	vst v0  }
0x2c: {  	s15 =	simm.s32 $0x0;
	[tilespmem:s14+$0xFFFFFFE0] =	vst v0  }
.LBB2_8:
0x2d: {  	s15 =	sadd.s32 $0x8, s15;
	[tilespmem:s14+$0xFFFFFFD0] =	vst v0;
	s14 =	sadd.s32 $0x80, s14  }
0x2e: {  	[tilespmem:s14+$0xFFFFFFC0] =	vst v0;
	p0 =	slt.u32 s15, $0x9B8  }
0x2f: {  	[tilespmem:s14+$0x30] =	vst v0  }
.Ltmp3:
0x30: {  	[tilespmem:s14+$0x20] =	vst v0;
	(pc) =	sbr.rel @p0 .LBB2_8-.Ltmp3, $4  }
0x31: {  	[tilespmem:s14+$0x10] =	vst v0  }
0x32: {  	[tilespmem:s14+$0x0] =	vst v0  }
0x33: {  	[tilespmem:s14+$0xFFFFFFF0] =	vst v0  }
0x34: {  	[tilespmem:s14+$0xFFFFFFE0] =	vst v0  }
0x35: {  	[tilespmem:s14+$0xFFFFFFD0] =	vst v0;
	s14 =	simm.s32 $0x0;
	s15 =	simm.s32 $0x0  }
.LBB2_10:
0x36: {  	p0 =	sne.s32 s15, $0xC0  }
.Ltmp4:
0x37: {  	_ = 	snop;
	(pc) =	sbr.rel @p0 .LBB2_10-.Ltmp4, $3  }
0x38: {  	_ =	sdelay $0x1  }
0x39: {  	s16 =	sshra.s32 s15, $0x2  }
0x3a: {  	s15 =	sadd.s32 $0x40, s15;
	[tilespmem:s16+$0x13880] =	vst v0  }
.LBB2_11:
0x3b: {  	s15 =	smul.u32 $0x1900, s14;
	_ =	sdelay $0x1  }
0x3c: {  	s15 =	sshrl.u32 s15, $0x3  }
0x3d: {  	s16 =	sadd.s32 $0x190, s15  }
0x3e: {  	s18 =	simm.s32 $0x13980;
	s17 =	sadd.s32 s5, s16  }
0x3f: {  	s19 =	simm.s32 $0x10;
	s20 =	simm.s32 $0x13A80;
	s21 =	sadd.s32 $0x0, s17  }
.LBB2_12:
0x40: {  	[tilespmem:s18], [sflag:$0x2] =	stream.linear.gather [hbm4b:s21+s4], $0x80, $0x38;
	[tilespmem:$0x18400] =	vst v63  }
0x41: {  	s21 =	smov.u32 s19;
	s18 =	smov.u32 s20;
	p0 =	sne.s32 s19, $0x180  }
.Ltmp5:
0x42: {  	s19 =	sadd.s32 $0x10, s19;
	(pc) =	sbr.rel @p0 .LBB2_12-.Ltmp5, $2  }
0x43: {  	_ =	sdelay $0x2  }
0x44: {  	s20 =	sadd.s32 $0x100, s20;
	s21 =	sadd.s32 s21, s17  }
0x45: {  	[tilespmem:s18], [sflag:$0x2] =	stream.linear.gather [hbm4b:s21+s4], $0x80, $0x38;
	[tilespmem:$0x18400] =	vst v63  }
0x46: {  	s17 =	sadd.s32 s2, s16;
	s18 =	simm.s32 $0x15280  }
0x47: {  	s19 =	simm.s32 $0x10;
	s20 =	simm.s32 $0x15380;
	s21 =	sadd.s32 $0x0, s17  }
.LBB2_14:
0x48: {  	[tilespmem:s18], [sflag:$0x2] =	stream.linear.gather [hbm4b:s21+s4], $0x80, $0x38;
	[tilespmem:$0x18400] =	vst v63  }
0x49: {  	s21 =	smov.u32 s19;
	s18 =	smov.u32 s20;
	p0 =	sne.s32 s19, $0x180  }
.Ltmp6:
0x4a: {  	s19 =	sadd.s32 $0x10, s19;
	(pc) =	sbr.rel @p0 .LBB2_14-.Ltmp6, $2  }
0x4b: {  	_ =	sdelay $0x2  }
0x4c: {  	s20 =	sadd.s32 $0x100, s20;
	s21 =	sadd.s32 s21, s17  }
0x4d: {  	[tilespmem:s18], [sflag:$0x2] =	stream.linear.gather [hbm4b:s21+s4], $0x80, $0x38;
	[tilespmem:$0x18400] =	vst v63  }
0x4e: {  	s16 =	sadd.s32 s3, s16;
	s17 =	simm.s32 $0x16B80  }
0x4f: {  	s18 =	simm.s32 $0x10;
	s19 =	simm.s32 $0x16C80;
	s20 =	sadd.s32 $0x0, s16  }
.LBB2_16:
0x50: {  	[tilespmem:s17], [sflag:$0x2] =	stream.linear.gather [hbm4b:s20+s4], $0x80, $0x38;
	[tilespmem:$0x18400] =	vst v63  }
0x51: {  	s20 =	smov.u32 s18;
	s17 =	smov.u32 s19;
	p0 =	sne.s32 s18, $0x180  }
.Ltmp7:
0x52: {  	s18 =	sadd.s32 $0x10, s18;
	(pc) =	sbr.rel @p0 .LBB2_16-.Ltmp7, $2  }
0x53: {  	_ =	sdelay $0x2  }
0x54: {  	s19 =	sadd.s32 $0x100, s19;
	s20 =	sadd.s32 s20, s16  }
0x55: {  	[tilespmem:s17], [sflag:$0x2] =	stream.linear.gather [hbm4b:s20+s4], $0x80, $0x38;
	[tilespmem:$0x18400] =	vst v63  }
0x56: {  	_ =	swait.ge [sflag:s10], $0xC80  }
0x57: {  	[sflag:s10] =	ssyncset.done $0x0  }
0x58: {  	[sflag:s10] =	ssyncadd.s32 $0xFFFFF380  }
0x59: {  	_ =	swait.ge [sflag:s10], $0xC80  }
0x5a: {  	[sflag:s10] =	ssyncset.done $0x0  }
0x5b: {  	[sflag:s10] =	ssyncadd.s32 $0xFFFFF380  }
0x5c: {  	s16 =	simm.s32 $0x0;
	_ =	swait.ge [sflag:s10], $0xC80  }
0x5d: {  	s26 =	sand.u32 $0x40, s16;
	s16 =	sand.u32 $0x1F00, s16;
	[sflag:s10] =	ssyncset.done $0x0  }
0x5e: {  	s16 =	sor.u32 s26, s16;
	[sflag:s10] =	ssyncadd.s32 $0xFFFFF380  }
0x5f: {  	v5 =	vld [tilespmem:s16+$0x15230]  }
0x60: {  	v6 =	vld [tilespmem:s16+$0x15200]  }
0x61: {  	v7 =	vld [tilespmem:s16+$0x15210]  }
0x62: {  	v8 =	vld [tilespmem:s16+$0x15220]  }
0x63: {  	v20 =	vld [tilespmem:s16+$0x16B00]  }
0x64: {  	v1 =	vld [tilespmem:s16+$0x16B10]  }
0x65: {  	v9 =	vld [tilespmem:s16+$0x13930]  }
0x66: {  	v10 =	vld [tilespmem:s16+$0x16B30]  }
0x67: {  	v14 =	vld [tilespmem:s16+$0x13910]  }
0x68: {  	v2 =	vld.idx.msk [tilespmem:v5+s4+$0x0], $0xffff  }
0x69: {  	v4 =	vld.idx.msk [tilespmem:v7+s4+$0x0], $0xffff  }
0x6a: {  	v13 =	vld [tilespmem:s16+$0x13900]  }
0x6b: {  	v16 =	vld [tilespmem:s16+$0x13920]  }
0x6c: {  	s28 =	simm.s32 $0x80;
	s29 =	simm.s32 $0x40;
	v3 =	vld.idx.msk [tilespmem:v6+s4+$0x0], $0xffff  }
0x6d: {  	s17 =	sand.u32 $0x40, s29;
	v15 =	vmul.f32 v2, v10;
	v2 =	vld [tilespmem:s16+$0x16B20];
	s16 =	sand.u32 $0x1F00, s28  }
0x6e: {  	v11 =	vld.idx.msk [tilespmem:v8+s4+$0x0], $0xffff;
	v4 =	vmul.f32 v4, v1;
	s16 =	sor.u32 s17, s16  }
0x6f: {  	v12 =	vadd.s32 $0x2710, v5;
	v22 =	vld [tilespmem:s16+$0x15220]  }
0x70: {  	[tilespmem:v14+s11+$0x0] =	vst.idx.msk $0xffff, v4;
	v4 =	vld [tilespmem:s16+$0x16B00]  }
0x71: {  	v24 =	vld [tilespmem:s16+$0x13930]  }
0x72: {  	v29 =	vld [tilespmem:s16+$0x16B30]  }
0x73: {  	v17 =	vadd.s32 $0x2710, v6;
	[tilespmem:v9+s11+$0x0] =	vst.idx.msk $0xffff, v15;
	v33 =	vld [tilespmem:s16+$0x13900]  }
0x74: {  	v15 =	vadd.s32 $0x2710, v7;
	v12 =	vld.idx.msk [tilespmem:v12+s4+$0x0], $0xffff  }
0x75: {  	v18 =	vadd.s32 $0x2710, v8;
	v3 =	vmul.f32 v3, v20;
	v36 =	vld [tilespmem:s16+$0x13910]  }
0x76: {  	v19 =	vadd.s32 $0x2710, v9;
	v39 =	vld [tilespmem:s16+$0x13920]  }
0x77: {  	v21 =	vadd.s32 $0x4E20, v5;
	v35 =	vadd.s32 $0x7530, v5;
	[tilespmem:v13+s11+$0x0] =	vst.idx.msk $0xffff, v3;
	v5 =	vld [tilespmem:s16+$0x16B20];
	v11 =	vmul.f32 v11, v2  }
0x78: {  	v17 =	vld.idx.msk [tilespmem:v17+s4+$0x0], $0xffff  }
0x79: {  	[tilespmem:v16+s11+$0x0] =	vst.idx.msk $0xffff, v11;
	v3 =	vmul.f32 v12, v10;
	v12 =	vld.idx.msk [tilespmem:v15+s4+$0x0], $0xffff  }
0x7a: {  	v11 =	vld.idx.msk [tilespmem:v18+s4+$0x0], $0xffff  }
0x7b: {  	v27 =	vadd.s32 $0x2710, v13;
	v15 =	vld [tilespmem:s16+$0x15230]  }
0x7c: {  	v31 =	vadd.s32 $0x4E20, v6;
	[tilespmem:v19+s11+$0x0] =	vst.idx.msk $0xffff, v3;
	v19 =	vld [tilespmem:s16+$0x15200]  }
0x7d: {  	v3 =	vld [tilespmem:s16+$0x16B10]  }
0x7e: {  	v17 =	vmul.f32 v17, v20;
	v28 =	vld.idx.msk [tilespmem:v22+s4+$0x0], $0xffff  }
0x7f: {  	s30 =	simm.s32 $0x100;
	s31 =	simm.s32 $0x80;
	v18 =	vld.idx.msk [tilespmem:v21+s4+$0x0], $0xffff  }
0x80: {  	s17 =	sand.u32 $0x40, s31;
	[tilespmem:v27+s11+$0x0] =	vst.idx.msk $0xffff, v17;
	v21 =	vld [tilespmem:s16+$0x15210];
	s16 =	sand.u32 $0x1F00, s30  }
0x81: {  	v27 =	vld.idx.msk [tilespmem:v31+s4+$0x0], $0xffff;
	s16 =	sor.u32 s17, s16  }
0x82: {  	v34 =	vadd.s32 $0x2710, v14;
	v56 =	vld [tilespmem:s16+$0x15200]  }
0x83: {  	v61 =	vld [tilespmem:s16+$0x15210]  }
0x84: {  	v38 =	vadd.s32 $0x2710, v16;
	v62 =	vld [tilespmem:s16+$0x15220]  }
0x85: {  	v40 =	vadd.s32 $0x4E20, v8;
	v12 =	vmul.f32 v12, v1;
	v23 =	vld.idx.msk [tilespmem:v15+s4+$0x0], $0xffff  }
0x86: {  	v37 =	vadd.s32 $0x4E20, v7;
	v63 =	vadd.s32 $0x7530, v7;
	v7 =	vld [tilespmem:s16+$0x13930]  }
0x87: {  	v11 =	vmul.f32 v11, v2;
	[tilespmem:v34+s11+$0x0] =	vst.idx.msk $0xffff, v12;
	v12 =	vadd.s32 $0x2710, v22;
	v25 =	vld.idx.msk [tilespmem:v19+s4+$0x0], $0xffff  }
0x88: {  	v30 =	vadd.s32 $0x2710, v15;
	v58 =	vld [tilespmem:s16+$0x13900]  }
0x89: {  	v60 =	vld [tilespmem:s16+$0x13910];
	[tilespmem:v38+s11+$0x0] =	vst.idx.msk $0xffff, v11;
	v28 =	vmul.f32 v28, v5  }
0x8a: {  	v32 =	vadd.s32 $0x4E20, v9;
	v17 =	vadd.s32 $0x2710, v19;
	v54 =	vld.idx.msk [tilespmem:v40+s4+$0x0], $0xffff;
	v23 =	vmul.f32 v23, v29  }
0x8b: {  	[tilespmem:v39+s11+$0x0] =	vst.idx.msk $0xffff, v28;
	v26 =	vld.idx.msk [tilespmem:v21+s4+$0x0], $0xffff  }
0x8c: {  	v52 =	vadd.s32 $0x4E20, v13;
	v28 =	vld.idx.msk [tilespmem:v12+s4+$0x0], $0xffff;
	[tilespmem:v24+s11+$0x0] =	vst.idx.msk $0xffff, v23;
	v25 =	vmul.f32 v25, v4  }
0x8d: {  	v18 =	vmul.f32 v18, v10;
	v23 =	vld.idx.msk [tilespmem:v30+s4+$0x0], $0xffff  }
0x8e: {  	v57 =	vld.idx.msk [tilespmem:v61+s4+$0x0], $0xffff;
	[tilespmem:v33+s11+$0x0] =	vst.idx.msk $0xffff, v25  }
0x8f: {  	v31 =	vadd.s32 $0x2710, v24;
	[tilespmem:v32+s11+$0x0] =	vst.idx.msk $0xffff, v18;
	v18 =	vadd.s32 $0x2710, v21;
	v25 =	vld.idx.msk [tilespmem:v17+s4+$0x0], $0xffff;
	v17 =	vmul.f32 v27, v20  }
0x90: {  	v43 =	vadd.s32 $0x4E20, v16;
	v53 =	vadd.s32 $0x4E20, v15;
	v48 =	vld.idx.msk [tilespmem:v62+s4+$0x0], $0xffff;
	v11 =	vmul.f32 v26, v3  }
0x91: {  	v41 =	vadd.s32 $0x7530, v8;
	[tilespmem:v52+s11+$0x0] =	vst.idx.msk $0xffff, v17;
	v17 =	vld [tilespmem:s16+$0x15230]  }
0x92: {  	v30 =	vld.idx.msk [tilespmem:v35+s4+$0x0], $0xffff;
	[tilespmem:v36+s11+$0x0] =	vst.idx.msk $0xffff, v11;
	v11 =	vmul.f32 v23, v29  }
0x93: {  	v6 =	vadd.s32 $0x7530, v6;
	v26 =	vld.idx.msk [tilespmem:v37+s4+$0x0], $0xffff;
	v35 =	vmul.f32 v54, v2  }
0x94: {  	v55 =	vld.idx.msk [tilespmem:v18+s4+$0x0], $0xffff;
	[tilespmem:v31+s11+$0x0] =	vst.idx.msk $0xffff, v11  }
0x95: {  	v42 =	vadd.s32 $0x7530, v13;
	v8 =	vadd.s32 $0x7530, v16;
	v47 =	vadd.s32 $0x4E20, v22;
	[tilespmem:v43+s11+$0x0] =	vst.idx.msk $0xffff, v35;
	v11 =	vld.idx.msk [tilespmem:v53+s4+$0x0], $0xffff  }
0x96: {  	v46 =	vadd.s32 $0x4E20, v21;
	v13 =	vadd.s32 $0x7530, v21;
	v21 =	vadd.s32 $0x2710, v33;
	v38 =	vld.idx.msk [tilespmem:v41+s4+$0x0], $0xffff  }
0x97: {  	v45 =	vadd.s32 $0x4E20, v19;
	v12 =	vadd.s32 $0x4E20, v24;
	v23 =	vadd.s32 $0x7530, v9;
	v9 =	vld [tilespmem:s16+$0x16B30]  }
0x98: {  	v50 =	vadd.s32 $0x2710, v39;
	v15 =	vadd.s32 $0x7530, v15;
	v51 =	vadd.s32 $0x2710, v56;
	v31 =	vld.idx.msk [tilespmem:v6+s4+$0x0], $0xffff  }
0x99: {  	v34 =	vadd.s32 $0x2710, v60;
	v32 =	vadd.s32 $0x4E20, v60;
	v25 =	vmul.f32 v25, v4;
	v16 =	vld.idx.msk [tilespmem:v17+s4+$0x0], $0xffff  }
0x9a: {  	v54 =	vadd.s32 $0x2710, v61;
	v27 =	vadd.s32 $0x4E20, v14;
	v6 =	vld [tilespmem:s16+$0x16B00];
	v18 =	vmul.f32 v11, v29  }
0x9b: {  	v52 =	vadd.s32 $0x7530, v24;
	v24 =	vadd.s32 $0x4E20, v56;
	v37 =	vmul.f32 v55, v3;
	v53 =	vld [tilespmem:s16+$0x13920];
	[tilespmem:v21+s11+$0x0] =	vst.idx.msk $0xffff, v25  }
0x9c: {  	v49 =	vadd.s32 $0x2710, v17;
	v21 =	vmul.f32 v28, v5;
	v45 =	vld.idx.msk [tilespmem:v45+s4+$0x0], $0xffff;
	[tilespmem:v12+s11+$0x0] =	vst.idx.msk $0xffff, v18;
	v12 =	vadd.s32 $0x7530, v14  }
0x9d: {  	v11 =	vld [tilespmem:s16+$0x16B10];
	v14 =	vadd.s32 $0x7530, v22;
	v22 =	vmul.f32 v26, v1;
	v26 =	vadd.s32 $0x2710, v36  }
0x9e: {  	v55 =	vadd.s32 $0x2710, v7;
	v28 =	vadd.s32 $0x7530, v56;
	[tilespmem:v50+s11+$0x0] =	vst.idx.msk $0xffff, v21;
	v44 =	vld.idx.msk [tilespmem:v15+s4+$0x0], $0xffff;
	v59 =	vmul.f32 v16, v9  }
0x9f: {  	v31 =	vmul.f32 v31, v20;
	v15 =	vmul.f32 v30, v10;
	v30 =	vld.idx.msk [tilespmem:v56+s4+$0x0], $0xffff;
	[tilespmem:v27+s11+$0x0] =	vst.idx.msk $0xffff, v22  }
0xa0: {  	v25 =	vadd.s32 $0x4E20, v61;
	v21 =	vadd.s32 $0x7530, v62;
	v20 =	vadd.s32 $0x7530, v61;
	v27 =	vld [tilespmem:s16+$0x16B20];
	[tilespmem:v7+s11+$0x0] =	vst.idx.msk $0xffff, v59  }
0xa1: {  	v61 =	vadd.s32 $0x2710, v62;
	v35 =	vadd.s32 $0x4E20, v53;
	[tilespmem:v42+s11+$0x0] =	vst.idx.msk $0xffff, v31;
	v18 =	vadd.s32 $0x7530, v19;
	v49 =	vld.idx.msk [tilespmem:v49+s4+$0x0], $0xffff  }
0xa2: {  	v19 =	vadd.s32 $0x4E20, v33;
	v45 =	vmul.f32 v45, v4;
	v31 =	vmul.f32 v57, v11;
	[tilespmem:v26+s11+$0x0] =	vst.idx.msk $0xffff, v37  }
0xa3: {  	v10 =	vadd.s32 $0x7530, v33;
	v22 =	vadd.s32 $0x4E20, v39;
	[tilespmem:v23+s11+$0x0] =	vst.idx.msk $0xffff, v15;
	v29 =	vmul.f32 v44, v29;
	v46 =	vld.idx.msk [tilespmem:v46+s4+$0x0], $0xffff  }
0xa4: {  	v16 =	vadd.s32 $0x7530, v39;
	v39 =	vld.idx.msk [tilespmem:v47+s4+$0x0], $0xffff;
	[tilespmem:v60+s11+$0x0] =	vst.idx.msk $0xffff, v31;
	v30 =	vmul.f32 v30, v6;
	v44 =	vadd.s32 $0x4E20, v17  }
0xa5: {  	v23 =	vadd.s32 $0x4E20, v36;
	v40 =	vld.idx.msk [tilespmem:v63+s4+$0x0], $0xffff;
	v26 =	vadd.s32 $0x4E20, v62;
	v62 =	vmul.f32 v48, v27;
	[tilespmem:v52+s11+$0x0] =	vst.idx.msk $0xffff, v29  }
0xa6: {  	v33 =	vadd.s32 $0x2710, v58;
	v15 =	vadd.s32 $0x7530, v36;
	v43 =	vld.idx.msk [tilespmem:v54+s4+$0x0], $0xffff;
	[tilespmem:v58+s11+$0x0] =	vst.idx.msk $0xffff, v30;
	v63 =	vmul.f32 v49, v9  }
0xa7: {  	v36 =	vadd.s32 $0x2710, v53;
	v37 =	vadd.s32 $0x4E20, v58;
	v31 =	vadd.s32 $0x7530, v60;
	v42 =	vld.idx.msk [tilespmem:v51+s4+$0x0], $0xffff;
	[tilespmem:v53+s11+$0x0] =	vst.idx.msk $0xffff, v62  }
0xa8: {  	s18 =	simm.s32 $0xC0;
	s17 =	simm.s32 $0x180;
	s16 =	simm.s32 $0x8;
	v29 =	vadd.s32 $0x7530, v58;
	v30 =	vadd.s32 $0x7530, v53;
	v41 =	vld.idx.msk [tilespmem:v61+s4+$0x0], $0xffff;
	v46 =	vmul.f32 v46, v3;
	[tilespmem:v55+s11+$0x0] =	vst.idx.msk $0xffff, v63  }
.LBB2_18:
0xa9: {  	s19 =	sand.u32 $0x40, s18;
	s20 =	sand.u32 $0x1F00, s17;
	s16 =	sadd.s32 $0x4, s16;
	v44 =	vld.idx.msk [tilespmem:v44+s4+$0x0], $0xffff;
	[tilespmem:v19+s11+$0x0] =	vst.idx.msk $0xffff, v45;
	v39 =	vmul.f32 v39, v5;
	v19 =	vmov v37  }
0xaa: {  	v45 =	vmul.f32 v40, v1;
	v1 =	vmov v3;
	v3 =	vmov v11;
	s19 =	sor.u32 s19, s20;
	p0 =	slt.u32 s16, $0xC4;
	v37 =	vld.idx.msk [tilespmem:v18+s4+$0x0], $0xffff;
	[tilespmem:v23+s11+$0x0] =	vst.idx.msk $0xffff, v46  }
0xab: {  	v11 =	vmul.f32 v38, v2;
	v18 =	vmovc v28;
	v2 =	vmov v5;
	v5 =	vmov v27;
	v40 =	vld [tilespmem:s19+$0x15230];
	[tilespmem:v22+s11+$0x0] =	vst.idx.msk $0xffff, v39  }
0xac: {  	v38 =	vadd.s32 $0x4E20, v7;
	v23 =	vmovc v32;
	v28 =	vmul.f32 v42, v6;
	v22 =	vmov v35;
	v27 =	vld [tilespmem:s19+$0x15200];
	[tilespmem:v12+s11+$0x0] =	vst.idx.msk $0xffff, v45  }
0xad: {  	v39 =	vadd.s32 $0x7530, v17;
	v35 =	vmul.f32 v43, v3;
	v12 =	vmovc v15;
	v15 =	vmov v31;
	v32 =	vld [tilespmem:s19+$0x15210];
	[tilespmem:v8+s11+$0x0] =	vst.idx.msk $0xffff, v11  }
0xae: {  	v8 =	vmov v16;
	v16 =	vmov v30;
	v31 =	vld [tilespmem:s19+$0x15220];
	[tilespmem:v33+s11+$0x0] =	vst.idx.msk $0xffff, v28;
	v28 =	vmul.f32 v41, v5  }
0xaf: {  	v33 =	vmul.f32 v44, v9;
	v30 =	vld [tilespmem:s19+$0x16B00];
	[tilespmem:v34+s11+$0x0] =	vst.idx.msk $0xffff, v35  }
0xb0: {  	v34 =	vmul.f32 v37, v4;
	v4 =	vmov v6;
	v11 =	vld [tilespmem:s19+$0x16B10];
	[tilespmem:v36+s11+$0x0] =	vst.idx.msk $0xffff, v28;
	v17 =	vmov v40  }
0xb1: {  	v41 =	vadd.s32 $0x2710, v27;
	v35 =	vadd.s32 $0x4E20, v27;
	v28 =	vadd.s32 $0x7530, v27;
	v36 =	vld [tilespmem:s19+$0x13930];
	[tilespmem:v38+s11+$0x0] =	vst.idx.msk $0xffff, v33  }
0xb2: {  	v43 =	vadd.s32 $0x2710, v32;
	v38 =	vadd.s32 $0x4E20, v32;
	v42 =	vadd.s32 $0x7530, v32;
	v33 =	vld.idx.msk [tilespmem:v39+s4+$0x0], $0xffff;
	[tilespmem:v10+s11+$0x0] =	vst.idx.msk $0xffff, v34;
	v10 =	vmovc v29  }
0xb3: {  	v46 =	vadd.s32 $0x2710, v31;
	v44 =	vadd.s32 $0x4E20, v31;
	v45 =	vadd.s32 $0x7530, v31;
	v29 =	vld.idx.msk [tilespmem:v40+s4+$0x0], $0xffff  }
0xb4: {  	v34 =	vld [tilespmem:s19+$0x16B30];
	v6 =	vmov v30  }
0xb5: {  	v37 =	vadd.s32 $0x7530, v7;
	v30 =	vld.idx.msk [tilespmem:v27+s4+$0x0], $0xffff  }
0xb6: {  	v32 =	vld.idx.msk [tilespmem:v32+s4+$0x0], $0xffff;
	v7 =	vmov v36  }
0xb7: {  	v36 =	vadd.s32 $0x2710, v17;
	v31 =	vld.idx.msk [tilespmem:v31+s4+$0x0], $0xffff  }
0xb8: {  	v33 =	vmul.f32 v33, v9;
	v27 =	vld [tilespmem:s19+$0x16B20]  }
0xb9: {  	v47 =	vld [tilespmem:s19+$0x13900];
	v29 =	vmul.f32 v29, v34;
	v9 =	vmov v34  }
0xba: {  	v48 =	vld [tilespmem:s19+$0x13910];
	[tilespmem:v37+s11+$0x0] =	vst.idx.msk $0xffff, v33  }
0xbb: {  	v30 =	vmul.f32 v30, v6;
	v49 =	vld [tilespmem:s19+$0x13920];
	[tilespmem:v7+s11+$0x0] =	vst.idx.msk $0xffff, v29  }
0xbc: {  	v50 =	vmul.f32 v32, v11;
	v51 =	vld.idx.msk [tilespmem:v36+s4+$0x0], $0xffff  }
0xbd: {  	v52 =	vmul.f32 v31, v27;
	v53 =	vld.idx.msk [tilespmem:v24+s4+$0x0], $0xffff;
	v24 =	vmov v35  }
0xbe: {  	v33 =	vadd.s32 $0x2710, v47;
	v37 =	vadd.s32 $0x4E20, v47;
	v29 =	vadd.s32 $0x7530, v47;
	v54 =	vld.idx.msk [tilespmem:v25+s4+$0x0], $0xffff;
	v25 =	vmovc v38  }
0xbf: {  	v55 =	vadd.s32 $0x2710, v7;
	v34 =	vadd.s32 $0x2710, v48;
	v32 =	vadd.s32 $0x4E20, v48;
	v39 =	vld.idx.msk [tilespmem:v26+s4+$0x0], $0xffff;
	v26 =	vmovc v44  }
.Ltmp8:
0xc0: {  	v44 =	vadd.s32 $0x4E20, v17;
	v36 =	vadd.s32 $0x2710, v49;
	v35 =	vadd.s32 $0x4E20, v49;
	v40 =	vld.idx.msk [tilespmem:v13+s4+$0x0], $0xffff;
	v13 =	vmovc v20;
	v20 =	vmovc v42;
	(pc) =	sbr.rel @p0 .LBB2_18-.Ltmp8, $4  }
0xc1: {  	v31 =	vadd.s32 $0x7530, v48;
	[tilespmem:v47+s11+$0x0] =	vst.idx.msk $0xffff, v30;
	v30 =	vadd.s32 $0x7530, v49;
	v38 =	vld.idx.msk [tilespmem:v14+s4+$0x0], $0xffff;
	v14 =	vmovc v21;
	v21 =	vmov v45  }
0xc2: {  	v47 =	vmul.f32 v51, v9;
	v42 =	vld.idx.msk [tilespmem:v41+s4+$0x0], $0xffff;
	[tilespmem:v48+s11+$0x0] =	vst.idx.msk $0xffff, v50  }
0xc3: {  	v45 =	vmul.f32 v53, v4;
	v43 =	vld.idx.msk [tilespmem:v43+s4+$0x0], $0xffff;
	[tilespmem:v49+s11+$0x0] =	vst.idx.msk $0xffff, v52  }
0xc4: {  	s17 =	sadd.s32 $0x80, s17;
	s18 =	sadd.s32 $0x40, s18;
	v41 =	vld.idx.msk [tilespmem:v46+s4+$0x0], $0xffff;
	[tilespmem:v55+s11+$0x0] =	vst.idx.msk $0xffff, v47;
	v46 =	vmul.f32 v54, v3  }
0xc5: {  	_ =	sdelay $0x3  }
0xc6: {  	v44 =	vld.idx.msk [tilespmem:v44+s4+$0x0], $0xffff;
	v42 =	vmul.f32 v42, v6  }
0xc7: {  	v43 =	vmul.f32 v43, v11  }
0xc8: {  	v55 =	vadd.s32 $0x4E20, v7;
	[tilespmem:v33+s11+$0x0] =	vst.idx.msk $0xffff, v42;
	v41 =	vmul.f32 v41, v27  }
0xc9: {  	v17 =	vadd.s32 $0x7530, v17;
	[tilespmem:v34+s11+$0x0] =	vst.idx.msk $0xffff, v43;
	v24 =	vld.idx.msk [tilespmem:v24+s4+$0x0], $0xffff  }
0xca: {  	[tilespmem:v36+s11+$0x0] =	vst.idx.msk $0xffff, v41;
	v25 =	vld.idx.msk [tilespmem:v25+s4+$0x0], $0xffff  }
0xcb: {  	[tilespmem:v19+s11+$0x0] =	vst.idx.msk $0xffff, v45;
	v56 =	vmul.f32 v44, v9;
	v26 =	vld.idx.msk [tilespmem:v26+s4+$0x0], $0xffff  }
0xcc: {  	v57 =	vmul.f32 v39, v5;
	[tilespmem:v23+s11+$0x0] =	vst.idx.msk $0xffff, v46  }
0xcd: {  	v1 =	vmul.f32 v40, v1;
	v18 =	vld.idx.msk [tilespmem:v18+s4+$0x0], $0xffff;
	[tilespmem:v55+s11+$0x0] =	vst.idx.msk $0xffff, v56  }
0xce: {  	[tilespmem:v22+s11+$0x0] =	vst.idx.msk $0xffff, v57;
	v17 =	vld.idx.msk [tilespmem:v17+s4+$0x0], $0xffff;
	v58 =	vmul.f32 v24, v6  }
0xcf: {  	[tilespmem:v12+s11+$0x0] =	vst.idx.msk $0xffff, v1;
	v1 =	vld.idx.msk [tilespmem:v13+s4+$0x0], $0xffff;
	v59 =	vmul.f32 v25, v11  }
0xd0: {  	v60 =	vadd.s32 $0x7530, v7;
	v61 =	vld.idx.msk [tilespmem:v14+s4+$0x0], $0xffff;
	[tilespmem:v37+s11+$0x0] =	vst.idx.msk $0xffff, v58;
	v62 =	vmul.f32 v26, v27  }
0xd1: {  	v2 =	vmul.f32 v38, v2;
	v19 =	vld.idx.msk [tilespmem:v28+s4+$0x0], $0xffff;
	[tilespmem:v32+s11+$0x0] =	vst.idx.msk $0xffff, v59  }
0xd2: {  	v4 =	vmul.f32 v18, v4;
	[tilespmem:v35+s11+$0x0] =	vst.idx.msk $0xffff, v62;
	v12 =	vld.idx.msk [tilespmem:v20+s4+$0x0], $0xffff  }
0xd3: {  	[tilespmem:v8+s11+$0x0] =	vst.idx.msk $0xffff, v2;
	v2 =	vmul.f32 v17, v9;
	v63 =	vld.idx.msk [tilespmem:v21+s4+$0x0], $0xffff  }
0xd4: {  	v1 =	vmul.f32 v1, v3;
	[tilespmem:v10+s11+$0x0] =	vst.idx.msk $0xffff, v4  }
0xd5: {  	p0 =	seq.s32 s14, $0x31;
	[tilespmem:v60+s11+$0x0] =	vst.idx.msk $0xffff, v2;
	v2 =	vmul.f32 v61, v5  }
.Ltmp9:
0xd6: {  	[tilespmem:v15+s11+$0x0] =	vst.idx.msk $0xffff, v1;
	v1 =	vmul.f32 v19, v6;
	(pc) =	sbr.rel @p0 .LBB2_27-.Ltmp9, $4  }
0xd7: {  	[tilespmem:v16+s11+$0x0] =	vst.idx.msk $0xffff, v2;
	v2 =	vmul.f32 v12, v11  }
0xd8: {  	[tilespmem:v29+s11+$0x0] =	vst.idx.msk $0xffff, v1;
	v1 =	vmul.f32 v63, v27  }
0xd9: {  	[tilespmem:v31+s11+$0x0] =	vst.idx.msk $0xffff, v2  }
0xda: {  	[tilespmem:v30+s11+$0x0] =	vst.idx.msk $0xffff, v1  }
0xdb: {  	s15 =	sadd.s32 $0x320, s15  }
0xdc: {  	s17 =	simm.s32 $0x13900;
	s16 =	sadd.s32 s5, s15  }
0xdd: {  	s18 =	simm.s32 $0x10;
	s19 =	simm.s32 $0x13A00;
	s20 =	sadd.s32 $0x0, s16  }
.LBB2_21:
0xde: {  	[tilespmem:s17], [sflag:$0x1] =	stream.linear.gather [hbm4b:s20+s4], $0x80, $0x38;
	[tilespmem:$0x18400] =	vst v63  }
0xdf: {  	s20 =	smov.u32 s18;
	s17 =	smov.u32 s19;
	p0 =	sne.s32 s18, $0x180  }
.Ltmp10:
0xe0: {  	s18 =	sadd.s32 $0x10, s18;
	(pc) =	sbr.rel @p0 .LBB2_21-.Ltmp10, $2  }
0xe1: {  	_ =	sdelay $0x2  }
0xe2: {  	s19 =	sadd.s32 $0x100, s19;
	s20 =	sadd.s32 s20, s16  }
0xe3: {  	[tilespmem:s17], [sflag:$0x1] =	stream.linear.gather [hbm4b:s20+s4], $0x80, $0x38;
	[tilespmem:$0x18400] =	vst v63  }
0xe4: {  	s16 =	sadd.s32 s2, s15;
	s17 =	simm.s32 $0x15200  }
0xe5: {  	s18 =	simm.s32 $0x10;
	s19 =	simm.s32 $0x15300;
	s20 =	sadd.s32 $0x0, s16  }
.LBB2_23:
0xe6: {  	[tilespmem:s17], [sflag:$0x1] =	stream.linear.gather [hbm4b:s20+s4], $0x80, $0x38;
	[tilespmem:$0x18400] =	vst v63  }
0xe7: {  	s20 =	smov.u32 s18;
	s17 =	smov.u32 s19;
	p0 =	sne.s32 s18, $0x180  }
.Ltmp11:
0xe8: {  	s18 =	sadd.s32 $0x10, s18;
	(pc) =	sbr.rel @p0 .LBB2_23-.Ltmp11, $2  }
0xe9: {  	_ =	sdelay $0x2  }
0xea: {  	s19 =	sadd.s32 $0x100, s19;
	s20 =	sadd.s32 s20, s16  }
0xeb: {  	[tilespmem:s17], [sflag:$0x1] =	stream.linear.gather [hbm4b:s20+s4], $0x80, $0x38;
	[tilespmem:$0x18400] =	vst v63  }
0xec: {  	s15 =	sadd.s32 s3, s15;
	s16 =	simm.s32 $0x16B00  }
0xed: {  	s17 =	simm.s32 $0x10;
	s18 =	simm.s32 $0x16C00;
	s19 =	sadd.s32 $0x0, s15  }
.LBB2_25:
0xee: {  	[tilespmem:s16], [sflag:$0x1] =	stream.linear.gather [hbm4b:s19+s4], $0x80, $0x38;
	[tilespmem:$0x18400] =	vst v63  }
0xef: {  	s19 =	smov.u32 s17;
	s16 =	smov.u32 s18;
	p0 =	sne.s32 s17, $0x180  }
.Ltmp12:
0xf0: {  	s17 =	sadd.s32 $0x10, s17;
	(pc) =	sbr.rel @p0 .LBB2_25-.Ltmp12, $2  }
0xf1: {  	_ =	sdelay $0x2  }
0xf2: {  	s18 =	sadd.s32 $0x100, s18;
	s19 =	sadd.s32 s19, s15  }
0xf3: {  	[tilespmem:s16], [sflag:$0x1] =	stream.linear.gather [hbm4b:s19+s4], $0x80, $0x38;
	[tilespmem:$0x18400] =	vst v63  }
.LBB2_27:
0xf4: {  	_ =	swait.ge [sflag:s12], $0xC80  }
0xf5: {  	[sflag:s12] =	ssyncset.done $0x0  }
0xf6: {  	[sflag:s12] =	ssyncadd.s32 $0xFFFFF380  }
0xf7: {  	_ =	swait.ge [sflag:s12], $0xC80  }
0xf8: {  	p0 =	por $0x0, $0x0;
	s15 =	simm.s32 $0x1;
	[sflag:s12] =	ssyncset.done $0x0  }
0xf9: {  	s15 =	simm.s32 @!p0 $0x0;
	[sflag:s12] =	ssyncadd.s32 $0xFFFFF380  }
0xfa: {  	s15 =	sshll.u32 s15, $0x6;
	_ =	swait.ge [sflag:s12], $0xC80  }
0xfb: {  	s15 =	sadd.s32 $0x0, s15;
	[sflag:s12] =	ssyncset.done $0x0  }
0xfc: {  	s16 =	sor.u32 $0xB0, s15;
	[sflag:s12] =	ssyncadd.s32 $0xFFFFF380  }
0xfd: {  	s17 =	sor.u32 $0x80, s15;
	v5 =	vld [tilespmem:s16+$0x15200]  }
0xfe: {  	s18 =	sor.u32 $0x90, s15;
	v6 =	vld [tilespmem:s17+$0x15200]  }
0xff: {  	s15 =	sor.u32 $0xA0, s15;
	v7 =	vld [tilespmem:s18+$0x15200]  }
0x100: {  	v8 =	vld [tilespmem:s15+$0x15200]  }
0x101: {  	v20 =	vld [tilespmem:s17+$0x16B00]  }
0x102: {  	v1 =	vld [tilespmem:s18+$0x16B00]  }
0x103: {  	v10 =	vld [tilespmem:s16+$0x13900]  }
0x104: {  	v9 =	vld [tilespmem:s16+$0x16B00]  }
0x105: {  	v13 =	vld [tilespmem:s17+$0x13900]  }
0x106: {  	v2 =	vld.idx.msk [tilespmem:v5+s4+$0x0], $0xffff  }
0x107: {  	v15 =	vld [tilespmem:s18+$0x13900]  }
0x108: {  	v3 =	vld.idx.msk [tilespmem:v6+s4+$0x0], $0xffff  }
0x109: {  	v16 =	vld [tilespmem:s15+$0x13900]  }
0x10a: {  	v12 =	vadd.s32 $0x2710, v5;
	v4 =	vld.idx.msk [tilespmem:v7+s4+$0x0], $0xffff  }
0x10b: {  	p0 =	por !p0, !p0;
	v17 =	vadd.s32 $0x2710, v6;
	v14 =	vmul.f32 v2, v9;
	v2 =	vld [tilespmem:s15+$0x16B00];
	s15 =	simm.s32 $0x1  }
0x10c: {  	s15 =	simm.s32 @!p0 $0x0  }
0x10d: {  	v3 =	vmul.f32 v3, v20;
	s15 =	sshll.u32 s15, $0x6  }
0x10e: {  	v11 =	vld.idx.msk [tilespmem:v8+s4+$0x0], $0xffff;
	[tilespmem:v10+s11+$0x0] =	vst.idx.msk $0xffff, v14;
	s15 =	sadd.s32 $0x80, s15  }
0x10f: {  	[tilespmem:v13+s11+$0x0] =	vst.idx.msk $0xffff, v3;
	v12 =	vld.idx.msk [tilespmem:v12+s4+$0x0], $0xffff;
	s25 =	sor.u32 $0xB0, s15  }
0x110: {  	v4 =	vmul.f32 v4, v1;
	v17 =	vld.idx.msk [tilespmem:v17+s4+$0x0], $0xffff;
	s26 =	sor.u32 $0x80, s15;
	s28 =	sor.u32 $0x90, s15;
	s15 =	sor.u32 $0xA0, s15  }
0x111: {  	v23 =	vld [tilespmem:s15+$0x15200]  }
0x112: {  	[tilespmem:v15+s11+$0x0] =	vst.idx.msk $0xffff, v4;
	v4 =	vld [tilespmem:s26+$0x16B00]  }
0x113: {  	v14 =	vadd.s32 $0x2710, v7;
	v25 =	vld [tilespmem:s25+$0x13900]  }
0x114: {  	v22 =	vld [tilespmem:s25+$0x16B00]  }
0x115: {  	v33 =	vld [tilespmem:s26+$0x13900]  }
0x116: {  	v18 =	vadd.s32 $0x2710, v8;
	v36 =	vld [tilespmem:s28+$0x13900]  }
0x117: {  	v19 =	vadd.s32 $0x2710, v10;
	v39 =	vld [tilespmem:s15+$0x13900]  }
0x118: {  	v11 =	vmul.f32 v11, v2;
	v3 =	vmul.f32 v12, v9;
	v12 =	vld.idx.msk [tilespmem:v14+s4+$0x0], $0xffff  }
0x119: {  	v21 =	vadd.s32 $0x4E20, v5;
	v14 =	vld [tilespmem:s25+$0x15200]  }
0x11a: {  	v35 =	vadd.s32 $0x7530, v5;
	v5 =	vld [tilespmem:s15+$0x16B00];
	[tilespmem:v16+s11+$0x0] =	vst.idx.msk $0xffff, v11  }
0x11b: {  	p0 =	por !p0, !p0;
	s15 =	simm.s32 $0x1;
	v11 =	vld.idx.msk [tilespmem:v18+s4+$0x0], $0xffff  }
0x11c: {  	s15 =	simm.s32 @!p0 $0x0;
	[tilespmem:v19+s11+$0x0] =	vst.idx.msk $0xffff, v3;
	v19 =	vld [tilespmem:s26+$0x15200]  }
0x11d: {  	s15 =	sshll.u32 s15, $0x6;
	v3 =	vld [tilespmem:s28+$0x16B00]  }
0x11e: {  	v28 =	vadd.s32 $0x2710, v13;
	s15 =	sadd.s32 $0x100, s15;
	v18 =	vld.idx.msk [tilespmem:v21+s4+$0x0], $0xffff  }
0x11f: {  	v31 =	vadd.s32 $0x4E20, v6;
	s31 =	sor.u32 $0x90, s15;
	v21 =	vld [tilespmem:s28+$0x15200]  }
0x120: {  	v63 =	vld [tilespmem:s31+$0x15200]  }
0x121: {  	v17 =	vmul.f32 v17, v20;
	s29 =	sor.u32 $0xB0, s15;
	v24 =	vld.idx.msk [tilespmem:v14+s4+$0x0], $0xffff  }
0x122: {  	v38 =	vadd.s32 $0x2710, v16;
	v40 =	vadd.s32 $0x4E20, v8;
	v58 =	vadd.s32 $0x7530, v8;
	v8 =	vld [tilespmem:s29+$0x13900]  }
0x123: {  	[tilespmem:v28+s11+$0x0] =	vst.idx.msk $0xffff, v17;
	v53 =	vld [tilespmem:s31+$0x13900]  }
0x124: {  	v28 =	vld.idx.msk [tilespmem:v31+s4+$0x0], $0xffff;
	v30 =	vadd.s32 $0x2710, v14  }
0x125: {  	v32 =	vadd.s32 $0x4E20, v10;
	v11 =	vmul.f32 v11, v2;
	v26 =	vld.idx.msk [tilespmem:v19+s4+$0x0], $0xffff  }
0x126: {  	v34 =	vadd.s32 $0x2710, v15;
	v29 =	vld.idx.msk [tilespmem:v23+s4+$0x0], $0xffff;
	v24 =	vmul.f32 v24, v22  }
0x127: {  	v37 =	vadd.s32 $0x4E20, v7;
	[tilespmem:v38+s11+$0x0] =	vst.idx.msk $0xffff, v11;
	v27 =	vld.idx.msk [tilespmem:v21+s4+$0x0], $0xffff  }
0x128: {  	v17 =	vadd.s32 $0x2710, v19;
	v18 =	vmul.f32 v18, v9;
	v62 =	vld.idx.msk [tilespmem:v40+s4+$0x0], $0xffff;
	[tilespmem:v25+s11+$0x0] =	vst.idx.msk $0xffff, v24  }
0x129: {  	v60 =	vadd.s32 $0x4E20, v13;
	v12 =	vmul.f32 v12, v1;
	v24 =	vld.idx.msk [tilespmem:v30+s4+$0x0], $0xffff  }
0x12a: {  	v61 =	vadd.s32 $0x4E20, v14;
	v56 =	vadd.s32 $0x7530, v14;
	v14 =	vld [tilespmem:s31+$0x16B00];
	[tilespmem:v32+s11+$0x0] =	vst.idx.msk $0xffff, v18;
	v26 =	vmul.f32 v26, v4  }
0x12b: {  	v31 =	vadd.s32 $0x2710, v25;
	[tilespmem:v34+s11+$0x0] =	vst.idx.msk $0xffff, v12;
	v18 =	vadd.s32 $0x2710, v21;
	v30 =	vld.idx.msk [tilespmem:v35+s4+$0x0], $0xffff  }
0x12c: {  	v11 =	vmul.f32 v27, v3;
	v27 =	vld.idx.msk [tilespmem:v37+s4+$0x0], $0xffff;
	[tilespmem:v33+s11+$0x0] =	vst.idx.msk $0xffff, v26  }
0x12d: {  	s30 =	sor.u32 $0x80, s15;
	s15 =	sor.u32 $0xA0, s15;
	v26 =	vld.idx.msk [tilespmem:v17+s4+$0x0], $0xffff;
	v17 =	vmul.f32 v28, v20  }
0x12e: {  	v12 =	vadd.s32 $0x2710, v23;
	v37 =	vld [tilespmem:s15+$0x15200];
	[tilespmem:v36+s11+$0x0] =	vst.idx.msk $0xffff, v11;
	v11 =	vmul.f32 v24, v22  }
0x12f: {  	[tilespmem:v60+s11+$0x0] =	vst.idx.msk $0xffff, v17;
	v17 =	vld [tilespmem:s29+$0x15200]  }
0x130: {  	v6 =	vadd.s32 $0x7530, v6;
	v29 =	vmul.f32 v29, v5;
	v24 =	vld.idx.msk [tilespmem:v18+s4+$0x0], $0xffff;
	[tilespmem:v31+s11+$0x0] =	vst.idx.msk $0xffff, v11  }
0x131: {  	v11 =	vld.idx.msk [tilespmem:v61+s4+$0x0], $0xffff  }
0x132: {  	v57 =	vadd.s32 $0x7530, v7;
	v43 =	vadd.s32 $0x7530, v13;
	v41 =	vadd.s32 $0x4E20, v15;
	[tilespmem:v39+s11+$0x0] =	vst.idx.msk $0xffff, v29;
	v31 =	vld [tilespmem:s30+$0x15200]  }
0x133: {  	v42 =	vadd.s32 $0x4E20, v16;
	v10 =	vadd.s32 $0x7530, v10;
	v48 =	vadd.s32 $0x4E20, v23;
	v28 =	vld.idx.msk [tilespmem:v12+s4+$0x0], $0xffff  }
0x134: {  	v13 =	vadd.s32 $0x7530, v23;
	v46 =	vadd.s32 $0x2710, v36;
	v44 =	vadd.s32 $0x4E20, v19;
	v60 =	vld.idx.msk [tilespmem:v63+s4+$0x0], $0xffff  }
0x135: {  	v23 =	vadd.s32 $0x4E20, v36;
	v47 =	vadd.s32 $0x4E20, v21;
	v12 =	vadd.s32 $0x4E20, v25;
	v29 =	vld.idx.msk [tilespmem:v6+s4+$0x0], $0xffff  }
0x136: {  	v32 =	vadd.s32 $0x2710, v63;
	v6 =	vld [tilespmem:s30+$0x16B00];
	v24 =	vmul.f32 v24, v3;
	v7 =	vmul.f32 v11, v22  }
0x137: {  	v59 =	vld.idx.msk [tilespmem:v17+s4+$0x0], $0xffff;
	v11 =	vadd.s32 $0x7530, v15;
	v15 =	vmul.f32 v30, v9;
	v30 =	vadd.s32 $0x2710, v33  }
0x138: {  	v18 =	vadd.s32 $0x7530, v19;
	v19 =	vadd.s32 $0x4E20, v33;
	v26 =	vmul.f32 v26, v4;
	v9 =	vld [tilespmem:s29+$0x16B00]  }
0x139: {  	v34 =	vadd.s32 $0x2710, v37;
	v61 =	vadd.s32 $0x2710, v39;
	v50 =	vld.idx.msk [tilespmem:v37+s4+$0x0], $0xffff;
	v55 =	vmul.f32 v60, v14;
	[tilespmem:v46+s11+$0x0] =	vst.idx.msk $0xffff, v24  }
0x13a: {  	v51 =	vadd.s32 $0x2710, v17;
	v29 =	vmul.f32 v29, v20;
	[tilespmem:v12+s11+$0x0] =	vst.idx.msk $0xffff, v7;
	v7 =	vadd.s32 $0x7530, v16;
	v49 =	vld.idx.msk [tilespmem:v31+s4+$0x0], $0xffff  }
0x13b: {  	v16 =	vmul.f32 v27, v1;
	[tilespmem:v10+s11+$0x0] =	vst.idx.msk $0xffff, v15;
	v27 =	vmul.f32 v62, v2;
	v45 =	vld.idx.msk [tilespmem:v56+s4+$0x0], $0xffff  }
0x13c: {  	v20 =	vadd.s32 $0x7530, v63;
	v52 =	vadd.s32 $0x2710, v31;
	v24 =	vadd.s32 $0x4E20, v31;
	[tilespmem:v30+s11+$0x0] =	vst.idx.msk $0xffff, v26;
	v30 =	vld [tilespmem:s30+$0x13900]  }
0x13d: {  	v12 =	vadd.s32 $0x7530, v21;
	v10 =	vadd.s32 $0x7530, v33;
	[tilespmem:v42+s11+$0x0] =	vst.idx.msk $0xffff, v27;
	v27 =	vld [tilespmem:s15+$0x16B00];
	v62 =	vmul.f32 v59, v9  }
0x13e: {  	v21 =	vadd.s32 $0x4E20, v39;
	v15 =	vadd.s32 $0x7530, v36;
	[tilespmem:v41+s11+$0x0] =	vst.idx.msk $0xffff, v16;
	v41 =	vld [tilespmem:s15+$0x13900];
	v26 =	vmul.f32 v28, v5  }
0x13f: {  	v36 =	vadd.s32 $0x2710, v53;
	v33 =	vadd.s32 $0x4E20, v53;
	v16 =	vadd.s32 $0x7530, v39;
	v42 =	vld.idx.msk [tilespmem:v47+s4+$0x0], $0xffff;
	[tilespmem:v8+s11+$0x0] =	vst.idx.msk $0xffff, v62  }
0x140: {  	v28 =	vadd.s32 $0x7530, v31;
	v31 =	vadd.s32 $0x7530, v25;
	v25 =	vadd.s32 $0x4E20, v63;
	[tilespmem:v61+s11+$0x0] =	vst.idx.msk $0xffff, v26;
	v51 =	vld.idx.msk [tilespmem:v51+s4+$0x0], $0xffff  }
0x141: {  	v26 =	vadd.s32 $0x4E20, v37;
	v54 =	vmul.f32 v49, v6;
	v63 =	vmul.f32 v45, v22;
	v45 =	vld.idx.msk [tilespmem:v44+s4+$0x0], $0xffff  }
0x142: {  	[tilespmem:v43+s11+$0x0] =	vst.idx.msk $0xffff, v29;
	v49 =	vadd.s32 $0x4E20, v17;
	v22 =	vadd.s32 $0x7530, v37;
	v43 =	vld.idx.msk [tilespmem:v48+s4+$0x0], $0xffff;
	v48 =	vadd.s32 $0x2710, v8  }
0x143: {  	[tilespmem:v53+s11+$0x0] =	vst.idx.msk $0xffff, v55;
	v40 =	vld.idx.msk [tilespmem:v58+s4+$0x0], $0xffff;
	v46 =	vmul.f32 v50, v27;
	v38 =	vadd.s32 $0x2710, v41;
	v37 =	vadd.s32 $0x4E20, v41  }
0x144: {  	v44 =	vld.idx.msk [tilespmem:v57+s4+$0x0], $0xffff;
	v35 =	vadd.s32 $0x2710, v30;
	v39 =	vadd.s32 $0x4E20, v30;
	v29 =	vadd.s32 $0x7530, v30;
	[tilespmem:v30+s11+$0x0] =	vst.idx.msk $0xffff, v54  }
0x145: {  	s16 =	simm.s32 $0x100;
	p0 =	por !p0, !p0;
	s15 =	simm.s32 $0x8;
	[tilespmem:v31+s11+$0x0] =	vst.idx.msk $0xffff, v63;
	v31 =	vadd.s32 $0x7530, v53;
	v30 =	vadd.s32 $0x7530, v41;
	v50 =	vmul.f32 v51, v9;
	v47 =	vld.idx.msk [tilespmem:v52+s4+$0x0], $0xffff  }
.LBB2_28:
0x146: {  	s17 =	simm.s32 $0x1  }
0x147: {  	s15 =	sadd.s32 $0x4, s15;
	v32 =	vld.idx.msk [tilespmem:v32+s4+$0x0], $0xffff;
	[tilespmem:v41+s11+$0x0] =	vst.idx.msk $0xffff, v46;
	v41 =	vmul.f32 v45, v4;
	s17 =	simm.s32 @!p0 $0x0  }
0x148: {  	s16 =	sadd.s32 $0x80, s16;
	v42 =	vmul.f32 v42, v3;
	p1 =	slt.u32 s15, $0xC4;
	s17 =	sshll.u32 s17, $0x6;
	v34 =	vld.idx.msk [tilespmem:v34+s4+$0x0], $0xffff;
	[tilespmem:v48+s11+$0x0] =	vst.idx.msk $0xffff, v50  }
0x149: {  	s19 =	sadd.s32 s17, s16;
	v45 =	vld.idx.msk [tilespmem:v49+s4+$0x0], $0xffff;
	[tilespmem:v19+s11+$0x0] =	vst.idx.msk $0xffff, v41;
	v41 =	vmul.f32 v43, v5;
	v19 =	vmov v39  }
0x14a: {  	v43 =	vmul.f32 v44, v1;
	v1 =	vmov v3;
	v3 =	vmov v14;
	s18 =	sor.u32 $0x80, s19;
	s17 =	sor.u32 $0x90, s19;
	s20 =	sor.u32 $0xB0, s19;
	v39 =	vld.idx.msk [tilespmem:v18+s4+$0x0], $0xffff;
	[tilespmem:v23+s11+$0x0] =	vst.idx.msk $0xffff, v42  }
0x14b: {  	v14 =	vmul.f32 v40, v2;
	v2 =	vmovc v5;
	v5 =	vmov v27;
	s19 =	sor.u32 $0xA0, s19;
	v18 =	vmov v28;
	v42 =	vld [tilespmem:s20+$0x15200];
	[tilespmem:v21+s11+$0x0] =	vst.idx.msk $0xffff, v41  }
0x14c: {  	v40 =	vadd.s32 $0x4E20, v8;
	v28 =	vmul.f32 v47, v6;
	v23 =	vmovc v33;
	v21 =	vmov v37;
	v27 =	vld [tilespmem:s18+$0x15200];
	[tilespmem:v11+s11+$0x0] =	vst.idx.msk $0xffff, v43  }
0x14d: {  	v32 =	vmul.f32 v32, v3;
	v37 =	vadd.s32 $0x7530, v17;
	v11 =	vmovc v15;
	v15 =	vmov v31;
	v33 =	vld [tilespmem:s17+$0x15200];
	[tilespmem:v7+s11+$0x0] =	vst.idx.msk $0xffff, v14  }
0x14e: {  	v7 =	vmov v16;
	v16 =	vmov v30;
	v31 =	vld [tilespmem:s19+$0x15200];
	[tilespmem:v35+s11+$0x0] =	vst.idx.msk $0xffff, v28;
	v28 =	vmul.f32 v34, v5  }
0x14f: {  	v30 =	vld [tilespmem:s18+$0x16B00];
	[tilespmem:v36+s11+$0x0] =	vst.idx.msk $0xffff, v32;
	v32 =	vmul.f32 v45, v9  }
0x150: {  	v34 =	vmul.f32 v39, v4;
	v4 =	vmov v6;
	v14 =	vld [tilespmem:s17+$0x16B00];
	[tilespmem:v38+s11+$0x0] =	vst.idx.msk $0xffff, v28;
	v17 =	vmov v42  }
0x151: {  	v47 =	vadd.s32 $0x2710, v27;
	v35 =	vadd.s32 $0x4E20, v27;
	v28 =	vadd.s32 $0x7530, v27;
	v36 =	vld [tilespmem:s20+$0x13900];
	[tilespmem:v40+s11+$0x0] =	vst.idx.msk $0xffff, v32  }
0x152: {  	v32 =	vadd.s32 $0x2710, v33;
	v38 =	vadd.s32 $0x4E20, v33;
	v40 =	vadd.s32 $0x7530, v33;
	v37 =	vld.idx.msk [tilespmem:v37+s4+$0x0], $0xffff;
	[tilespmem:v10+s11+$0x0] =	vst.idx.msk $0xffff, v34;
	v10 =	vmovc v29  }
0x153: {  	v34 =	vadd.s32 $0x2710, v31;
	v44 =	vadd.s32 $0x4E20, v31;
	v50 =	vadd.s32 $0x7530, v31;
	v29 =	vld.idx.msk [tilespmem:v42+s4+$0x0], $0xffff  }
0x154: {  	v39 =	vld [tilespmem:s20+$0x16B00];
	v6 =	vmov v30  }
0x155: {  	v41 =	vadd.s32 $0x7530, v8;
	v30 =	vld.idx.msk [tilespmem:v27+s4+$0x0], $0xffff  }
0x156: {  	v33 =	vld.idx.msk [tilespmem:v33+s4+$0x0], $0xffff;
	v8 =	vmov v36  }
0x157: {  	v36 =	vadd.s32 $0x2710, v17;
	v31 =	vld.idx.msk [tilespmem:v31+s4+$0x0], $0xffff  }
0x158: {  	v37 =	vmul.f32 v37, v9;
	v27 =	vld [tilespmem:s19+$0x16B00]  }
0x159: {  	v51 =	vld [tilespmem:s18+$0x13900];
	v29 =	vmul.f32 v29, v39;
	v9 =	vmov v39  }
0x15a: {  	v52 =	vld [tilespmem:s17+$0x13900];
	[tilespmem:v41+s11+$0x0] =	vst.idx.msk $0xffff, v37  }
0x15b: {  	v30 =	vmul.f32 v30, v6;
	v41 =	vld [tilespmem:s19+$0x13900];
	[tilespmem:v8+s11+$0x0] =	vst.idx.msk $0xffff, v29  }
0x15c: {  	v53 =	vmul.f32 v33, v14;
	v54 =	vld.idx.msk [tilespmem:v36+s4+$0x0], $0xffff  }
0x15d: {  	v46 =	vmul.f32 v31, v27;
	v45 =	vld.idx.msk [tilespmem:v24+s4+$0x0], $0xffff;
	v24 =	vmov v35  }
.Ltmp13:
0x15e: {  	v35 =	vadd.s32 $0x2710, v51;
	v39 =	vadd.s32 $0x4E20, v51;
	v29 =	vadd.s32 $0x7530, v51;
	v42 =	vld.idx.msk [tilespmem:v25+s4+$0x0], $0xffff;
	v25 =	vmovc v38;
	(pc) =	sbr.rel @p1 .LBB2_28-.Ltmp13, $4  }
0x15f: {  	v48 =	vadd.s32 $0x2710, v8;
	v36 =	vadd.s32 $0x2710, v52;
	v33 =	vadd.s32 $0x4E20, v52;
	v43 =	vld.idx.msk [tilespmem:v26+s4+$0x0], $0xffff;
	v26 =	vmovc v44  }
0x160: {  	v49 =	vadd.s32 $0x4E20, v17;
	v38 =	vadd.s32 $0x2710, v41;
	v37 =	vadd.s32 $0x4E20, v41;
	v44 =	vld.idx.msk [tilespmem:v12+s4+$0x0], $0xffff;
	v12 =	vmovc v20;
	v20 =	vmovc v40  }
0x161: {  	v31 =	vadd.s32 $0x7530, v52;
	[tilespmem:v51+s11+$0x0] =	vst.idx.msk $0xffff, v30;
	v30 =	vadd.s32 $0x7530, v41;
	v40 =	vld.idx.msk [tilespmem:v13+s4+$0x0], $0xffff;
	v13 =	vmovc v22;
	v22 =	vmov v50  }
0x162: {  	p0 =	por !p0, !p0;
	v50 =	vmul.f32 v54, v9;
	v47 =	vld.idx.msk [tilespmem:v47+s4+$0x0], $0xffff;
	[tilespmem:v52+s11+$0x0] =	vst.idx.msk $0xffff, v53  }
0x163: {  	_ =	sdelay $0x3  }
0x164: {  	v32 =	vld.idx.msk [tilespmem:v32+s4+$0x0], $0xffff;
	[tilespmem:v41+s11+$0x0] =	vst.idx.msk $0xffff, v46  }
0x165: {  	v34 =	vld.idx.msk [tilespmem:v34+s4+$0x0], $0xffff;
	_ =	sdelay $0x1  }
0x166: {  	[tilespmem:v48+s11+$0x0] =	vst.idx.msk $0xffff, v50  }
0x167: {  	v50 =	vld.idx.msk [tilespmem:v49+s4+$0x0], $0xffff;
	v51 =	vmul.f32 v47, v6  }
0x168: {  	v32 =	vmul.f32 v32, v14  }
0x169: {  	v52 =	vadd.s32 $0x4E20, v8;
	[tilespmem:v35+s11+$0x0] =	vst.idx.msk $0xffff, v51;
	v34 =	vmul.f32 v34, v27  }
0x16a: {  	v53 =	vmul.f32 v45, v4;
	v17 =	vadd.s32 $0x7530, v17;
	[tilespmem:v36+s11+$0x0] =	vst.idx.msk $0xffff, v32;
	v24 =	vld.idx.msk [tilespmem:v24+s4+$0x0], $0xffff  }
0x16b: {  	v54 =	vmul.f32 v42, v3;
	[tilespmem:v38+s11+$0x0] =	vst.idx.msk $0xffff, v34;
	v25 =	vld.idx.msk [tilespmem:v25+s4+$0x0], $0xffff  }
0x16c: {  	[tilespmem:v19+s11+$0x0] =	vst.idx.msk $0xffff, v53;
	v55 =	vmul.f32 v50, v9;
	v26 =	vld.idx.msk [tilespmem:v26+s4+$0x0], $0xffff  }
0x16d: {  	v56 =	vmul.f32 v43, v5;
	[tilespmem:v23+s11+$0x0] =	vst.idx.msk $0xffff, v54  }
0x16e: {  	v1 =	vmul.f32 v44, v1;
	v18 =	vld.idx.msk [tilespmem:v18+s4+$0x0], $0xffff;
	[tilespmem:v52+s11+$0x0] =	vst.idx.msk $0xffff, v55  }
0x16f: {  	[tilespmem:v21+s11+$0x0] =	vst.idx.msk $0xffff, v56;
	v17 =	vld.idx.msk [tilespmem:v17+s4+$0x0], $0xffff;
	v57 =	vmul.f32 v24, v6  }
0x170: {  	[tilespmem:v11+s11+$0x0] =	vst.idx.msk $0xffff, v1;
	v1 =	vld.idx.msk [tilespmem:v12+s4+$0x0], $0xffff;
	v58 =	vmul.f32 v25, v14  }
0x171: {  	v59 =	vadd.s32 $0x7530, v8;
	v60 =	vld.idx.msk [tilespmem:v13+s4+$0x0], $0xffff;
	[tilespmem:v39+s11+$0x0] =	vst.idx.msk $0xffff, v57;
	v61 =	vmul.f32 v26, v27  }
0x172: {  	v2 =	vmul.f32 v40, v2;
	v19 =	vld.idx.msk [tilespmem:v28+s4+$0x0], $0xffff;
	[tilespmem:v33+s11+$0x0] =	vst.idx.msk $0xffff, v58  }
0x173: {  	v62 =	vmul.f32 v18, v4;
	[tilespmem:v37+s11+$0x0] =	vst.idx.msk $0xffff, v61;
	v11 =	vld.idx.msk [tilespmem:v20+s4+$0x0], $0xffff  }
0x174: {  	[tilespmem:v7+s11+$0x0] =	vst.idx.msk $0xffff, v2;
	v2 =	vmul.f32 v17, v9;
	v63 =	vld.idx.msk [tilespmem:v22+s4+$0x0], $0xffff  }
0x175: {  	s14 =	sadd.s32 $0x1, s14;
	v1 =	vmul.f32 v1, v3;
	[tilespmem:v10+s11+$0x0] =	vst.idx.msk $0xffff, v62  }
0x176: {  	p0 =	sne.s32 s14, $0x32;
	[tilespmem:v59+s11+$0x0] =	vst.idx.msk $0xffff, v2;
	v2 =	vmul.f32 v60, v5  }
.Ltmp14:
0x177: {  	[tilespmem:v15+s11+$0x0] =	vst.idx.msk $0xffff, v1;
	v1 =	vmul.f32 v19, v6;
	(pc) =	sbr.rel @p0 .LBB2_11-.Ltmp14, $4  }
0x178: {  	[tilespmem:v16+s11+$0x0] =	vst.idx.msk $0xffff, v2;
	v2 =	vmul.f32 v11, v14  }
0x179: {  	[tilespmem:v29+s11+$0x0] =	vst.idx.msk $0xffff, v1;
	v1 =	vmul.f32 v63, v27  }
0x17a: {  	[tilespmem:v31+s11+$0x0] =	vst.idx.msk $0xffff, v2  }
0x17b: {  	[tilespmem:v30+s11+$0x0] =	vst.idx.msk $0xffff, v1  }
0x17c: {  	s13 =	sadd.s32 $0x1, s13  }
0x17d: {  	p0 =	sne.s32 s13, s8  }
.Ltmp15:
0x17e: {  	_ = 	snop;
	(pc) =	sbr.rel @p0 .LBB2_1-.Ltmp15, $4  }
0x17f: {  	[hbm4b:s7+s4] =	stream.linear.scatter [tilespmem:s11], [sflag:$0x3], $0x9C40, $0x38;
	[tilespmem:$0x18400] =	vst v63  }
0x180: {  	_ =	swait.ge [sflag:s9], $0x9C40  }
0x181: {  	[sflag:s9] =	ssyncset.done $0x0  }
0x182: {  	[sflag:s9] =	ssyncadd.s32 $0xFFFF63C0  }
0x183: {  	_ =	sfence.sel $0x180000  }
0x184: {  	[bflag:$0x0] =	sbarrier.arrive $0xFFFF  }
0x185: {  	p0 =	sne.s32 s0, $0x0;
	_ =	strace $0x9000004A  }
0x186: {  	s0 =	sadd.s32 @!p0 $0x100000, s1;
	[bflag:$0x2] =	sbarrier.arrive $0xFFFF  }
0x187: {  	[sflag:s0] =	ssyncadd.tile.s32 @!p0 $0x1;
	_ =	shalt  }
.Lfunc_end2:
_tile_overlayer_lowered:
.L_overlay_start_2:
0x188: {  	(tag) =	ssettag $0x2  }
0x189: {  	s0 =	rddreg [dreg:$0x0];
	s2 =	stileid.u32  }
0x18a: {  	s1 =	rddreg [dreg:$0x1];
	p0 =	sne.s32 s2, $0x0  }
0x18b: {  	s3 =	rddreg [dreg:$0x2];
	[bflag:$0x3] =	sbarrier.arrive $0xFFFF;
	s2 =	simm.s32 @!p0 $0x1C03  }
0x18c: {  	[timem:s3], [sflag:s2] =	dma.local @!p0 [hbm:s0], s1  }
0x18d: {  	s0 =	simm.s32 @!p0 $0x3  }
0x18e: {  	_ =	swait.ge @!p0 [sflag:s0], s1  }
0x18f: {  	s1 =	ssub.s32 @!p0 $0x0, s1;
	[sflag:s0] =	ssyncset.done @!p0 $0x0  }
0x190: {  	[sflag:s0] =	ssyncadd.s32 @!p0 s1  }
0x191: {  	[bflag:$0x3] =	sbarrier.arrive $0xFFFF  }
0x192: {  	_ =	shalt  }

// kernel: kernel.7.cloned.1.call-start
scs
__scs_entry_jumppad:
0x0: {  	(pc) =	sbr.rel $0x88, $3  }
0x1: {  	(tag) =	ssettag $0x0;
	lr =	simm.s32 $0x1  }
0x2: {  	[smem:$0x3F98] =	sst lr;
	_ =	strace $0xD0000000  }
0x3: {  	_ = 	snop  }
0x4: {  	_ = 	snop  }
0x5: {  	_ = 	snop  }
0x6: {  	_ = 	snop  }
0x7: {  	_ = 	snop  }
__scs_overlays_trampoline_lowered:
0x8: {  	[smem:$0x3FA7] =	sst s0  }
0x9: {  	[smem:$0x3FA8] =	sst s1  }
0xa: {  	[smem:$0x3FA9] =	sst s2  }
0xb: {  	[smem:$0x3FAA] =	sst s3  }
0xc: {  	[smem:$0x3FAB] =	sst s4  }
0xd: {  	[smem:$0x3FAC] =	sst s5  }
0xe: {  	[smem:$0x3FAD] =	sst s6  }
0xf: {  	[smem:$0x3FAE] =	sst s7  }
0x10: {  	[smem:$0x3FAF] =	sst s8  }
0x11: {  	[smem:$0x3FB0] =	sst s9;
	s0 =	simm.s32 @!p0 $0x0  }
0x12: {  	s1 =	sld [smem:$0x3F96];
	s0 =	simm.s32 @p0 $0x1  }
0x13: {  	[smem:$0x3FB1] =	sst s0;
	s0 =	simm.s32 @!p1 $0x0  }
0x14: {  	s2 =	sld [smem:$0x3F95];
	s0 =	simm.s32 @p1 $0x1  }
0x15: {  	[smem:$0x3FB2] =	sst s0;
	s0 =	simm.s32 @!p2 $0x0  }
0x16: {  	s3 =	sld [smem:$0x3FDB];
	s0 =	simm.s32 @p2 $0x1  }
0x17: {  	s4 =	simm.s32 $0x1BF5;
	[smem:$0x3FB4] =	sst s0  }
0x18: {  	s0 =	sld [smem:$0x3F97];
	_ =	swait.ge [sflag:s4], $0x0  }
0x19: {  	s7 =	sld [smem:$0x3F98]  }
0x1a: {  	s8 =	sadd.s32 $0xFFFFE003, lr  }
0x1b: {  	s9 =	sadd.s32 $0xFFFFFEF7, lr;
	s5 =	simm.s32 $0xFFFFFFFF;
	p2 =	slt.u32 s8, $0xFFFFF086  }
0x1c: {  	p1 =	slt.u32 s9, $0xF7A;
	s5 =	simm.s32 @!p2 $0x0  }
0x1d: {  	s5 =	simm.s32 @p1 $0x1;
	p0 =	seq.s32 s7, s2  }
0x1e: {  	s7 =	smul.u32 @!p0 $0xF7A, s2;
	p2 =	seq.s32 @!p0 s5, $0x0  }
0x1f: {  	s9 =	smul.u32 $0xF7A, s1;
	s8 =	simm.s32 @!p0 $0x1BF5;
	p2 =	por !p2, p0  }
0x20: {  	[sflag:s8] =	ssyncset.s32 @!p0 $0xFFFFF086;
	s6 =	sadd.s32 @!p0 s3, s7;
	s7 =	simm.s32 @!p0 $0x108  }
0x21: {  	s3 =	sadd.s32 s3, s9;
	s6 =	sadd.s32 @!p0 $0x88, s6;
	s7 =	simm.s32 @p2 $0x1082  }
0x22: {  	[simem:s7], [sflag:s8] =	dma.local @!p0 [hbm:s6], $0xF7A  }
0x23: {  	s9 =	sor.u32 $0xD0000000, s2;
	s6 =	simm.s32 $0x108;
	_ =	swait.ge @!p0 [sflag:s8], $0x0  }
0x24: {  	s3 =	sadd.s32 $0x88, s3;
	s6 =	simm.s32 @!p1 $0x1082;
	[sflag:s4] =	ssyncset.s32 $0xFFFFF086  }
0x25: {  	[simem:s6], [sflag:s4] =	dma.local [hbm:s3], $0xF7A  }
0x26: {  	[smem:$0x3F98] =	sst s1;
	(tag) =	ssettag s2;
	_ =	strace s9  }
0x27: {  	s1 =	sld [smem:$0x3FA8]  }
0x28: {  	s2 =	sld [smem:$0x3FA9]  }
0x29: {  	s4 =	sld [smem:$0x3FAB]  }
0x2a: {  	p0 =	seq.s32 s5, $0x0;
	s5 =	sld [smem:$0x3FAC]  }
0x2b: {  	s6 =	sld [smem:$0x3FAD]  }
0x2c: {  	s7 =	sld [smem:$0x3FAE]  }
0x2d: {  	s3 =	simm.s32 $0x108;
	s8 =	sld [smem:$0x3FAF]  }
0x2e: {  	s3 =	simm.s32 @!p0 $0x1082;
	s9 =	sld [smem:$0x3FB0]  }
0x2f: {  	lr =	sadd.s32 s0, s3;
	s0 =	sld [smem:$0x3FA7]  }
0x30: {  	s3 =	sld [smem:$0x3FAA]  }
0x31: {  	[smem:$0x3FB3] =	sst s10  }
0x32: {  	s10 =	sld [smem:$0x3FB1];
	_ =	sdelay $0x3  }
0x33: {  	p0 =	seq.s32 s10, $0x1;
	s10 =	sld [smem:$0x3FB3];
	_ =	sdelay $0x3  }
0x34: {  	[smem:$0x3FB3] =	sst s10  }
0x35: {  	s10 =	sld [smem:$0x3FB2];
	_ =	sdelay $0x3  }
0x36: {  	p1 =	seq.s32 s10, $0x1;
	s10 =	sld [smem:$0x3FB3];
	_ =	sdelay $0x3  }
0x37: {  	[smem:$0x3FB3] =	sst s10  }
0x38: {  	s10 =	sld [smem:$0x3FB4]  }
0x39: {  	_ = 	snop;
	(pc) =	sbr.ind lr, $3  }
0x3a: {  	_ = 	snop  }
0x3b: {  	_ = 	snop  }
0x3c: {  	p2 =	seq.s32 s10, $0x1;
	s10 =	sld [smem:$0x3FB3]  }
0x3d: {  	_ =	shalt  }
0x3e: {  	_ =	shalt  }
0x3f: {  	_ =	shalt  }
0x40: {  	_ =	shalt  }
0x41: {  	_ =	shalt  }
0x42: {  	_ =	shalt  }
0x43: {  	_ =	shalt  }
0x44: {  	_ =	shalt  }
0x45: {  	_ =	shalt  }
0x46: {  	_ =	shalt  }
0x47: {  	_ =	shalt  }
0x48: {  	_ =	shalt  }
0x49: {  	_ =	shalt  }
0x4a: {  	_ =	shalt  }
0x4b: {  	_ =	shalt  }
0x4c: {  	_ =	shalt  }
0x4d: {  	_ =	shalt  }
0x4e: {  	_ =	shalt  }
0x4f: {  	_ =	shalt  }
0x50: {  	_ =	shalt  }
0x51: {  	_ =	shalt  }
0x52: {  	_ =	shalt  }
0x53: {  	_ =	shalt  }
0x54: {  	_ =	shalt  }
0x55: {  	_ =	shalt  }
0x56: {  	_ =	shalt  }
0x57: {  	_ =	shalt  }
0x58: {  	_ =	shalt  }
0x59: {  	_ =	shalt  }
0x5a: {  	_ =	shalt  }
0x5b: {  	_ =	shalt  }
0x5c: {  	_ =	shalt  }
0x5d: {  	_ =	shalt  }
0x5e: {  	_ =	shalt  }
0x5f: {  	_ =	shalt  }
0x60: {  	_ =	shalt  }
0x61: {  	_ =	shalt  }
0x62: {  	_ =	shalt  }
0x63: {  	_ =	shalt  }
0x64: {  	_ =	shalt  }
0x65: {  	_ =	shalt  }
0x66: {  	_ =	shalt  }
0x67: {  	_ =	shalt  }
0x68: {  	_ =	shalt  }
0x69: {  	_ =	shalt  }
0x6a: {  	_ =	shalt  }
0x6b: {  	_ =	shalt  }
0x6c: {  	_ =	shalt  }
0x6d: {  	_ =	shalt  }
0x6e: {  	_ =	shalt  }
0x6f: {  	_ =	shalt  }
0x70: {  	_ =	shalt  }
0x71: {  	_ =	shalt  }
0x72: {  	_ =	shalt  }
0x73: {  	_ =	shalt  }
0x74: {  	_ =	shalt  }
0x75: {  	_ =	shalt  }
0x76: {  	_ =	shalt  }
0x77: {  	_ =	shalt  }
0x78: {  	_ =	shalt  }
0x79: {  	_ =	shalt  }
0x7a: {  	_ =	shalt  }
0x7b: {  	_ =	shalt  }
0x7c: {  	_ =	shalt  }
0x7d: {  	_ =	shalt  }
0x7e: {  	_ =	shalt  }
0x7f: {  	_ =	shalt  }
0x80: {  	_ =	shalt  }
0x81: {  	_ =	shalt  }
0x82: {  	_ =	shalt  }
0x83: {  	_ =	shalt  }
0x84: {  	_ =	shalt  }
0x85: {  	_ =	shalt  }
0x86: {  	_ =	shalt  }
0x87: {  	_ =	shalt  }
.Lfunc_end0:
.L_simem_size_0:
called_computation_lowered:
.L_overlay_start_0:
0x88: {  	s2 =	sld [smem:$0x3FD9]  }
0x89: {  	s3 =	sld [smem:$0x3FFE];
	_ =	sdelay $0x1  }
0x8a: {  	s1 =	srdreg.scid  }
0x8b: {  	s0 =	sand.u32 $0x1, s1  }
0x8c: {  	s17 =	sshll.u32 s0, $0xA;
	s2 =	sadd.s32 s3, s2  }
0x8d: {  	s2 =	sadd.s32 s2, s17  }
0x8e: {  	[smem:$0x3FBF] =	sst s2  }
0x8f: {  	_ = 	snop  }
0x90: {  	s2 =	sld [smem:$0x3FC7]  }
0x91: {  	s18 =	sld [smem:$0x3FD0];
	(tm) =	ssettm $0x1  }
0x92: {  	s4 =	sld [smem:$0x3FFB];
	_ =	sdelay $0x3  }
0x93: {  	_ =	strace s4  }
0x94: {  	s4 =	sld [smem:$0x3FFC];
	_ =	sdelay $0x3  }
0x95: {  	_ =	strace s4  }
0x96: {  	s4 =	sld [smem:$0x3FFD];
	_ =	sdelay $0x3  }
0x97: {  	_ =	strace s4  }
0x98: {  	_ =	strace $0x8FFFFFFF  }
0x99: {  	s19 =	sld [smem:$0x3FDB];
	_ =	sdelay $0x1  }
0x9a: {  	s5 =	simm.s32 $_scs_section_size  }
0x9b: {  	s6 =	simm.s32 $_size__tile_overlayer_lowered;
	s7 =	simm.s32 $_tile_overlayer_lowered  }
0x9c: {  	s22 =	simm.s32 $0x1BFF;
	s21 =	sshll.u32 s7, $0x1;
	s4 =	sadd.s32 s5, s19  }
0x9d: {  	s8 =	simm.s32 $0x0;
	s20 =	sshll.u32 s6, $0x1;
	s6 =	sadd.s32 s21, s4  }
0x9e: {  	[timem:s8], [sflag:s22] =	dma.local [hbm:s6], s20  }
0x9f: {  	_ =	swait.ge [sflag:s22], s20  }
0xa0: {  	s5 =	ssub.s32 $0x0, s20;
	[sflag:s22] =	ssyncset.done $0x0  }
0xa1: {  	[sflag:s22] =	ssyncadd.s32 s5;
	_ =	sdelay $0x1  }
0xa2: {  	s23 =	simm.s32 $0x1B8B  }
0xa3: {  	_ =	swait.ge [sflag:s23], $0x1  }
0xa4: {  	[sflag:s23] =	ssyncset.done $0x0  }
0xa5: {  	s25 =	simm.s32 $0x1B8E;
	s24 =	sld [smem:$0x3FFE];
	[sflag:s23] =	ssyncadd.s32 $0xFFFFFFFF  }
0xa6: {  	s26 =	simm.s32 $execute0_lowered;
	[smem:$0x3FD2] =	sst s25  }
0xa7: {  	s6 =	sshll.u32 s26, $0x1;
	_ =	strace $0x80000046;
	[dreg:$0x1] =	wrdreg $0xFFFFFFFF  }
0xa8: {  	s28 =	simm.s32 $_size_execute0_lowered;
	s4 =	sadd.s32 s4, s6;
	[dreg:$0x0] =	wrdreg $0x0  }
0xa9: {  	s6 =	sshll.u32 s28, $0x1;
	[dreg:$0x2] =	wrdreg s4  }
0xaa: {  	[dreg:$0x3] =	wrdreg s6  }
0xab: {  	[dreg:$0x4] =	wrdreg $0xC0  }
0xac: {  	_ =	task [dreg:s8], $0x5FFFF  }
0xad: {  	[dreg:$0x1] =	wrdreg $0xFFFFFFFF  }
0xae: {  	[dreg:$0x0] =	wrdreg $0x60  }
0xaf: {  	[dreg:$0x2] =	wrdreg s24  }
0xb0: {  	[dreg:$0x3] =	wrdreg s18  }
0xb1: {  	[dreg:$0x4] =	wrdreg s2  }
0xb2: {  	[dreg:$0x5] =	wrdreg $0x9  }
0xb3: {  	_ =	task.clear_ibuf [dreg:s8], $0x6FFFF;
	_ =	strace $0x90000046  }
0xb4: {  	s29 =	simm.s32 $0x9;
	_ =	strace $0x80000048  }
0xb5: {  	_ =	swait.ge [sflag:s29], $0x1  }
0xb6: {  	[sflag:s29] =	ssyncadd.s32 $0xFFFFFFFF  }
0xb7: {  	_ =	strace $0x90000048  }
0xb8: {  	_ =	sfence  }
0xb9: {  	s30 =	sld [smem:$0x0];
	_ =	sdelay $0x2  }
0xba: {  	s31 =	sshll.u32 s1, $0xD;
	s1 =	sshrl.u32 s1, $0x2  }
0xbb: {  	s3 =	sand.u32 $0x4000, s31;
	s1 =	sadd.s32 s1, s30  }
0xbc: {  	s0 =	sor.u32 s3, s0;
	s1 =	sshll.u32 s1, $0x11  }
0xbd: {  	s0 =	sor.u32 s1, s0  }
0xbe: {  	s0 =	sadd.s32 $0x8F2B, s0  }
0xbf: {  	[sflag:s0] =	ssyncadd.remote.s32 $0x1  }
0xc0: {  	_ =	sfence.sel $0xFFFF  }
0xc1: {  	[dreg:$0x0] =	wrdreg $0xFFFFFFFF;
	(pc) =	sbr.abs _section_cstart, $3  }
0xc2: {  	[dreg:$0x1] =	wrdreg $0xFFFFFFFF  }
0xc3: {  	_ =	task.clear_ibuf [dreg:s8], $0x2FFFF;
	_ =	strace $0x9FFFFFFF  }
0xc4: {  	(tm) =	ssettm $0x7FFFFFFF  }
0xc5: {  	_ =	shalt  }
tec
execute0_lowered:
.L_overlay_start_1:
0x0: {  	(tag) =	ssettag $0x1  }
0x1: {  	s6 =	rddreg [dreg:$0x0]  }
0x2: {  	s2 =	rddreg [dreg:$0x1];
	s1 =	srdreg.scid  }
0x3: {  	s0 =	stileid.u32;
	s3 =	rddreg [dreg:$0x2]  }
0x4: {  	s4 =	simm.s32 $0x0;
	s9 =	simm.s32 $0x3;
	s10 =	simm.s32 $0x1  }
0x5: {  	s11 =	simm.s32 $0x9C80;
	s5 =	sand.u32 $0x1, s1;
	s7 =	sshll.u32 s0, $0x1  }
0x6: {  	s12 =	simm.s32 $0x2;
	s13 =	simm.s32 $0x0;
	s7 =	sor.u32 s5, s7  }
0x7: {  	[smem:$0x7FF] =	sst s4;
	s8 =	ssub.s32 $0x2, s5;
	s7 =	smul.u32 $0x1388, s7  }
0x8: {  	s1 =	rddreg [dreg:$0x3];
	_ =	strace $0x80000047;
	s31 =	sshrl.u32 s8, $0x1  }
0x9: {  	s5 =	sadd.s32 $0xE00, s6;
	s8 =	ssub.s32 s8, s31;
	s7 =	sadd.s32 s7, s6  }
0xa: {  	v0 =	vimm.f32 $0.0e+00;
	s8 =	smax.u32 s8, $0x1;
	s6 =	sadd.s32 $0xAC00, s7;
	s7 =	sadd.s32 $0x31E00, s7  }
.LBB2_1:
0xb: {  	s15 =	simm.s32 $0x13900;
	s16 =	simm.s32 $0x0  }
.LBB2_2:
0xc: {  	p0 =	sne.s32 s16, $0x180  }
.Ltmp0:
0xd: {  	_ = 	snop;
	(pc) =	sbr.rel @p0 .LBB2_2-.Ltmp0, $4  }
0xe: {  	_ = 	snop  }
0xf: {  	s17 =	sadd.s32 s16, s5;
	s14 =	simm.s32 $0x0  }
0x10: {  	[tilespmem:s15], [sflag:$0x1] =	stream.linear.gather [hbm4b:s17+s14], $0x80, $0x38;
	[tilespmem:$0x18400] =	vst v63  }
0x11: {  	s16 =	sadd.s32 $0x10, s16;
	s15 =	sadd.s32 $0x100, s15  }
0x12: {  	s15 =	simm.s32 $0x15200;
	s16 =	simm.s32 $0x0  }
.LBB2_4:
0x13: {  	p0 =	sne.s32 s16, $0x180  }
.Ltmp1:
0x14: {  	_ = 	snop;
	(pc) =	sbr.rel @p0 .LBB2_4-.Ltmp1, $4  }
0x15: {  	_ = 	snop  }
0x16: {  	s17 =	sadd.s32 s16, s2  }
0x17: {  	[tilespmem:s15], [sflag:$0x1] =	stream.linear.gather [hbm4b:s17+s14], $0x80, $0x38;
	[tilespmem:$0x18400] =	vst v63  }
0x18: {  	s16 =	sadd.s32 $0x10, s16;
	s15 =	sadd.s32 $0x100, s15  }
0x19: {  	s14 =	simm.s32 $0x16B00  }
0x1a: {  	s15 =	simm.s32 $0x10;
	s17 =	sadd.s32 $0x0, s3;
	s16 =	simm.s32 $0x16C00  }
.LBB2_6:
0x1b: {  	[tilespmem:s14], [sflag:$0x1] =	stream.linear.gather [hbm4b:s17+s4], $0x80, $0x38;
	[tilespmem:$0x18400] =	vst v63  }
0x1c: {  	s17 =	smov.u32 s15;
	s14 =	smov.u32 s16;
	p0 =	sne.s32 s15, $0x180  }
.Ltmp2:
0x1d: {  	s15 =	sadd.s32 $0x10, s15;
	(pc) =	sbr.rel @p0 .LBB2_6-.Ltmp2, $2  }
0x1e: {  	_ =	sdelay $0x2  }
0x1f: {  	s16 =	sadd.s32 $0x100, s16;
	s17 =	sadd.s32 s17, s3  }
0x20: {  	[tilespmem:s14], [sflag:$0x1] =	stream.linear.gather [hbm4b:s17+s4], $0x80, $0x38;
	[tilespmem:$0x18400] =	vst v63  }
0x21: {  	_ = 	snop  }
0x22: {  	[tilespmem:s4], [sflag:$0x3] =	stream.linear.gather [hbm4b:s6+s4], $0x9C40, $0x38;
	[tilespmem:$0x18400] =	vst v63  }
0x23: {  	_ =	swait.ge [sflag:s9], $0x9C40  }
0x24: {  	[sflag:s9] =	ssyncset.done $0x0  }
0x25: {  	s14 =	simm.s32 $0x9CC0;
	[sflag:s9] =	ssyncadd.s32 $0xFFFF63C0  }
0x26: {  	[tilespmem:s14+$0xFFFFFFC0] =	vst v0  }
0x27: {  	[tilespmem:s14+$0x30] =	vst v0  }
0x28: {  	[tilespmem:s14+$0x20] =	vst v0  }
0x29: {  	[tilespmem:s14+$0x10] =	vst v0  }
0x2a: {  	[tilespmem:s14+$0x0] =	vst v0  }
0x2b: {  	[tilespmem:s14+$0xFFFFFFF0] =	vst v0  }
0x2c: {  	s15 =	simm.s32 $0x0;
	[tilespmem:s14+$0xFFFFFFE0] =	vst v0  }
.LBB2_8:
0x2d: {  	s15 =	sadd.s32 $0x8, s15;
	[tilespmem:s14+$0xFFFFFFD0] =	vst v0;
	s14 =	sadd.s32 $0x80, s14  }
0x2e: {  	[tilespmem:s14+$0xFFFFFFC0] =	vst v0;
	p0 =	slt.u32 s15, $0x9B8  }
0x2f: {  	[tilespmem:s14+$0x30] =	vst v0  }
.Ltmp3:
0x30: {  	[tilespmem:s14+$0x20] =	vst v0;
	(pc) =	sbr.rel @p0 .LBB2_8-.Ltmp3, $4  }
0x31: {  	[tilespmem:s14+$0x10] =	vst v0  }
0x32: {  	[tilespmem:s14+$0x0] =	vst v0  }
0x33: {  	[tilespmem:s14+$0xFFFFFFF0] =	vst v0  }
0x34: {  	[tilespmem:s14+$0xFFFFFFE0] =	vst v0  }
0x35: {  	[tilespmem:s14+$0xFFFFFFD0] =	vst v0;
	s14 =	simm.s32 $0x0;
	s15 =	simm.s32 $0x0  }
.LBB2_10:
0x36: {  	p0 =	sne.s32 s15, $0xC0  }
.Ltmp4:
0x37: {  	_ = 	snop;
	(pc) =	sbr.rel @p0 .LBB2_10-.Ltmp4, $3  }
0x38: {  	_ =	sdelay $0x1  }
0x39: {  	s16 =	sshra.s32 s15, $0x2  }
0x3a: {  	s15 =	sadd.s32 $0x40, s15;
	[tilespmem:s16+$0x13880] =	vst v0  }
.LBB2_11:
0x3b: {  	s15 =	smul.u32 $0x1900, s14;
	_ =	sdelay $0x1  }
0x3c: {  	s15 =	sshrl.u32 s15, $0x3  }
0x3d: {  	s16 =	sadd.s32 $0x190, s15  }
0x3e: {  	s18 =	simm.s32 $0x13980;
	s17 =	sadd.s32 s5, s16  }
0x3f: {  	s19 =	simm.s32 $0x10;
	s20 =	simm.s32 $0x13A80;
	s21 =	sadd.s32 $0x0, s17  }
.LBB2_12:
0x40: {  	[tilespmem:s18], [sflag:$0x2] =	stream.linear.gather [hbm4b:s21+s4], $0x80, $0x38;
	[tilespmem:$0x18400] =	vst v63  }
0x41: {  	s21 =	smov.u32 s19;
	s18 =	smov.u32 s20;
	p0 =	sne.s32 s19, $0x180  }
.Ltmp5:
0x42: {  	s19 =	sadd.s32 $0x10, s19;
	(pc) =	sbr.rel @p0 .LBB2_12-.Ltmp5, $2  }
0x43: {  	_ =	sdelay $0x2  }
0x44: {  	s20 =	sadd.s32 $0x100, s20;
	s21 =	sadd.s32 s21, s17  }
0x45: {  	[tilespmem:s18], [sflag:$0x2] =	stream.linear.gather [hbm4b:s21+s4], $0x80, $0x38;
	[tilespmem:$0x18400] =	vst v63  }
0x46: {  	s17 =	sadd.s32 s2, s16;
	s18 =	simm.s32 $0x15280  }
0x47: {  	s19 =	simm.s32 $0x10;
	s20 =	simm.s32 $0x15380;
	s21 =	sadd.s32 $0x0, s17  }
.LBB2_14:
0x48: {  	[tilespmem:s18], [sflag:$0x2] =	stream.linear.gather [hbm4b:s21+s4], $0x80, $0x38;
	[tilespmem:$0x18400] =	vst v63  }
0x49: {  	s21 =	smov.u32 s19;
	s18 =	smov.u32 s20;
	p0 =	sne.s32 s19, $0x180  }
.Ltmp6:
0x4a: {  	s19 =	sadd.s32 $0x10, s19;
	(pc) =	sbr.rel @p0 .LBB2_14-.Ltmp6, $2  }
0x4b: {  	_ =	sdelay $0x2  }
0x4c: {  	s20 =	sadd.s32 $0x100, s20;
	s21 =	sadd.s32 s21, s17  }
0x4d: {  	[tilespmem:s18], [sflag:$0x2] =	stream.linear.gather [hbm4b:s21+s4], $0x80, $0x38;
	[tilespmem:$0x18400] =	vst v63  }
0x4e: {  	s16 =	sadd.s32 s3, s16;
	s17 =	simm.s32 $0x16B80  }
0x4f: {  	s18 =	simm.s32 $0x10;
	s19 =	simm.s32 $0x16C80;
	s20 =	sadd.s32 $0x0, s16  }
.LBB2_16:
0x50: {  	[tilespmem:s17], [sflag:$0x2] =	stream.linear.gather [hbm4b:s20+s4], $0x80, $0x38;
	[tilespmem:$0x18400] =	vst v63  }
0x51: {  	s20 =	smov.u32 s18;
	s17 =	smov.u32 s19;
	p0 =	sne.s32 s18, $0x180  }
.Ltmp7:
0x52: {  	s18 =	sadd.s32 $0x10, s18;
	(pc) =	sbr.rel @p0 .LBB2_16-.Ltmp7, $2  }
0x53: {  	_ =	sdelay $0x2  }
0x54: {  	s19 =	sadd.s32 $0x100, s19;
	s20 =	sadd.s32 s20, s16  }
0x55: {  	[tilespmem:s17], [sflag:$0x2] =	stream.linear.gather [hbm4b:s20+s4], $0x80, $0x38;
	[tilespmem:$0x18400] =	vst v63  }
0x56: {  	_ =	swait.ge [sflag:s10], $0xC80  }
0x57: {  	[sflag:s10] =	ssyncset.done $0x0  }
0x58: {  	[sflag:s10] =	ssyncadd.s32 $0xFFFFF380  }
0x59: {  	_ =	swait.ge [sflag:s10], $0xC80  }
0x5a: {  	[sflag:s10] =	ssyncset.done $0x0  }
0x5b: {  	[sflag:s10] =	ssyncadd.s32 $0xFFFFF380  }
0x5c: {  	s16 =	simm.s32 $0x0;
	_ =	swait.ge [sflag:s10], $0xC80  }
0x5d: {  	s26 =	sand.u32 $0x40, s16;
	s16 =	sand.u32 $0x1F00, s16;
	[sflag:s10] =	ssyncset.done $0x0  }
0x5e: {  	s16 =	sor.u32 s26, s16;
	[sflag:s10] =	ssyncadd.s32 $0xFFFFF380  }
0x5f: {  	v5 =	vld [tilespmem:s16+$0x15230]  }
0x60: {  	v6 =	vld [tilespmem:s16+$0x15200]  }
0x61: {  	v7 =	vld [tilespmem:s16+$0x15210]  }
0x62: {  	v8 =	vld [tilespmem:s16+$0x15220]  }
0x63: {  	v20 =	vld [tilespmem:s16+$0x16B00]  }
0x64: {  	v1 =	vld [tilespmem:s16+$0x16B10]  }
0x65: {  	v9 =	vld [tilespmem:s16+$0x13930]  }
0x66: {  	v10 =	vld [tilespmem:s16+$0x16B30]  }
0x67: {  	v14 =	vld [tilespmem:s16+$0x13910]  }
0x68: {  	v2 =	vld.idx.msk [tilespmem:v5+s4+$0x0], $0xffff  }
0x69: {  	v4 =	vld.idx.msk [tilespmem:v7+s4+$0x0], $0xffff  }
0x6a: {  	v13 =	vld [tilespmem:s16+$0x13900]  }
0x6b: {  	v16 =	vld [tilespmem:s16+$0x13920]  }
0x6c: {  	s28 =	simm.s32 $0x80;
	s29 =	simm.s32 $0x40;
	v3 =	vld.idx.msk [tilespmem:v6+s4+$0x0], $0xffff  }
0x6d: {  	s17 =	sand.u32 $0x40, s29;
	v15 =	vmul.f32 v2, v10;
	v2 =	vld [tilespmem:s16+$0x16B20];
	s16 =	sand.u32 $0x1F00, s28  }
0x6e: {  	v11 =	vld.idx.msk [tilespmem:v8+s4+$0x0], $0xffff;
	v4 =	vmul.f32 v4, v1;
	s16 =	sor.u32 s17, s16  }
0x6f: {  	v12 =	vadd.s32 $0x2710, v5;
	v22 =	vld [tilespmem:s16+$0x15220]  }
0x70: {  	[tilespmem:v14+s11+$0x0] =	vst.idx.msk $0xffff, v4;
	v4 =	vld [tilespmem:s16+$0x16B00]  }
0x71: {  	v24 =	vld [tilespmem:s16+$0x13930]  }
0x72: {  	v29 =	vld [tilespmem:s16+$0x16B30]  }
0x73: {  	v17 =	vadd.s32 $0x2710, v6;
	[tilespmem:v9+s11+$0x0] =	vst.idx.msk $0xffff, v15;
	v33 =	vld [tilespmem:s16+$0x13900]  }
0x74: {  	v15 =	vadd.s32 $0x2710, v7;
	v12 =	vld.idx.msk [tilespmem:v12+s4+$0x0], $0xffff  }
0x75: {  	v18 =	vadd.s32 $0x2710, v8;
	v3 =	vmul.f32 v3, v20;
	v36 =	vld [tilespmem:s16+$0x13910]  }
0x76: {  	v19 =	vadd.s32 $0x2710, v9;
	v39 =	vld [tilespmem:s16+$0x13920]  }
0x77: {  	v21 =	vadd.s32 $0x4E20, v5;
	v35 =	vadd.s32 $0x7530, v5;
	[tilespmem:v13+s11+$0x0] =	vst.idx.msk $0xffff, v3;
	v5 =	vld [tilespmem:s16+$0x16B20];
	v11 =	vmul.f32 v11, v2  }
0x78: {  	v17 =	vld.idx.msk [tilespmem:v17+s4+$0x0], $0xffff  }
0x79: {  	[tilespmem:v16+s11+$0x0] =	vst.idx.msk $0xffff, v11;
	v3 =	vmul.f32 v12, v10;
	v12 =	vld.idx.msk [tilespmem:v15+s4+$0x0], $0xffff  }
0x7a: {  	v11 =	vld.idx.msk [tilespmem:v18+s4+$0x0], $0xffff  }
0x7b: {  	v27 =	vadd.s32 $0x2710, v13;
	v15 =	vld [tilespmem:s16+$0x15230]  }
0x7c: {  	v31 =	vadd.s32 $0x4E20, v6;
	[tilespmem:v19+s11+$0x0] =	vst.idx.msk $0xffff, v3;
	v19 =	vld [tilespmem:s16+$0x15200]  }
0x7d: {  	v3 =	vld [tilespmem:s16+$0x16B10]  }
0x7e: {  	v17 =	vmul.f32 v17, v20;
	v28 =	vld.idx.msk [tilespmem:v22+s4+$0x0], $0xffff  }
0x7f: {  	s30 =	simm.s32 $0x100;
	s31 =	simm.s32 $0x80;
	v18 =	vld.idx.msk [tilespmem:v21+s4+$0x0], $0xffff  }
0x80: {  	s17 =	sand.u32 $0x40, s31;
	[tilespmem:v27+s11+$0x0] =	vst.idx.msk $0xffff, v17;
	v21 =	vld [tilespmem:s16+$0x15210];
	s16 =	sand.u32 $0x1F00, s30  }
0x81: {  	v27 =	vld.idx.msk [tilespmem:v31+s4+$0x0], $0xffff;
	s16 =	sor.u32 s17, s16  }
0x82: {  	v34 =	vadd.s32 $0x2710, v14;
	v56 =	vld [tilespmem:s16+$0x15200]  }
0x83: {  	v61 =	vld [tilespmem:s16+$0x15210]  }
0x84: {  	v38 =	vadd.s32 $0x2710, v16;
	v62 =	vld [tilespmem:s16+$0x15220]  }
0x85: {  	v40 =	vadd.s32 $0x4E20, v8;
	v12 =	vmul.f32 v12, v1;
	v23 =	vld.idx.msk [tilespmem:v15+s4+$0x0], $0xffff  }
0x86: {  	v37 =	vadd.s32 $0x4E20, v7;
	v63 =	vadd.s32 $0x7530, v7;
	v7 =	vld [tilespmem:s16+$0x13930]  }
0x87: {  	v11 =	vmul.f32 v11, v2;
	[tilespmem:v34+s11+$0x0] =	vst.idx.msk $0xffff, v12;
	v12 =	vadd.s32 $0x2710, v22;
	v25 =	vld.idx.msk [tilespmem:v19+s4+$0x0], $0xffff  }
0x88: {  	v30 =	vadd.s32 $0x2710, v15;
	v58 =	vld [tilespmem:s16+$0x13900]  }
0x89: {  	v60 =	vld [tilespmem:s16+$0x13910];
	[tilespmem:v38+s11+$0x0] =	vst.idx.msk $0xffff, v11;
	v28 =	vmul.f32 v28, v5  }
0x8a: {  	v32 =	vadd.s32 $0x4E20, v9;
	v17 =	vadd.s32 $0x2710, v19;
	v54 =	vld.idx.msk [tilespmem:v40+s4+$0x0], $0xffff;
	v23 =	vmul.f32 v23, v29  }
0x8b: {  	[tilespmem:v39+s11+$0x0] =	vst.idx.msk $0xffff, v28;
	v26 =	vld.idx.msk [tilespmem:v21+s4+$0x0], $0xffff  }
0x8c: {  	v52 =	vadd.s32 $0x4E20, v13;
	v28 =	vld.idx.msk [tilespmem:v12+s4+$0x0], $0xffff;
	[tilespmem:v24+s11+$0x0] =	vst.idx.msk $0xffff, v23;
	v25 =	vmul.f32 v25, v4  }
0x8d: {  	v18 =	vmul.f32 v18, v10;
	v23 =	vld.idx.msk [tilespmem:v30+s4+$0x0], $0xffff  }
0x8e: {  	v57 =	vld.idx.msk [tilespmem:v61+s4+$0x0], $0xffff;
	[tilespmem:v33+s11+$0x0] =	vst.idx.msk $0xffff, v25  }
0x8f: {  	v31 =	vadd.s32 $0x2710, v24;
	[tilespmem:v32+s11+$0x0] =	vst.idx.msk $0xffff, v18;
	v18 =	vadd.s32 $0x2710, v21;
	v25 =	vld.idx.msk [tilespmem:v17+s4+$0x0], $0xffff;
	v17 =	vmul.f32 v27, v20  }
0x90: {  	v43 =	vadd.s32 $0x4E20, v16;
	v53 =	vadd.s32 $0x4E20, v15;
	v48 =	vld.idx.msk [tilespmem:v62+s4+$0x0], $0xffff;
	v11 =	vmul.f32 v26, v3  }
0x91: {  	v41 =	vadd.s32 $0x7530, v8;
	[tilespmem:v52+s11+$0x0] =	vst.idx.msk $0xffff, v17;
	v17 =	vld [tilespmem:s16+$0x15230]  }
0x92: {  	v30 =	vld.idx.msk [tilespmem:v35+s4+$0x0], $0xffff;
	[tilespmem:v36+s11+$0x0] =	vst.idx.msk $0xffff, v11;
	v11 =	vmul.f32 v23, v29  }
0x93: {  	v6 =	vadd.s32 $0x7530, v6;
	v26 =	vld.idx.msk [tilespmem:v37+s4+$0x0], $0xffff;
	v35 =	vmul.f32 v54, v2  }
0x94: {  	v55 =	vld.idx.msk [tilespmem:v18+s4+$0x0], $0xffff;
	[tilespmem:v31+s11+$0x0] =	vst.idx.msk $0xffff, v11  }
0x95: {  	v42 =	vadd.s32 $0x7530, v13;
	v8 =	vadd.s32 $0x7530, v16;
	v47 =	vadd.s32 $0x4E20, v22;
	[tilespmem:v43+s11+$0x0] =	vst.idx.msk $0xffff, v35;
	v11 =	vld.idx.msk [tilespmem:v53+s4+$0x0], $0xffff  }
0x96: {  	v46 =	vadd.s32 $0x4E20, v21;
	v13 =	vadd.s32 $0x7530, v21;
	v21 =	vadd.s32 $0x2710, v33;
	v38 =	vld.idx.msk [tilespmem:v41+s4+$0x0], $0xffff  }
0x97: {  	v45 =	vadd.s32 $0x4E20, v19;
	v12 =	vadd.s32 $0x4E20, v24;
	v23 =	vadd.s32 $0x7530, v9;
	v9 =	vld [tilespmem:s16+$0x16B30]  }
0x98: {  	v50 =	vadd.s32 $0x2710, v39;
	v15 =	vadd.s32 $0x7530, v15;
	v51 =	vadd.s32 $0x2710, v56;
	v31 =	vld.idx.msk [tilespmem:v6+s4+$0x0], $0xffff  }
0x99: {  	v34 =	vadd.s32 $0x2710, v60;
	v32 =	vadd.s32 $0x4E20, v60;
	v25 =	vmul.f32 v25, v4;
	v16 =	vld.idx.msk [tilespmem:v17+s4+$0x0], $0xffff  }
0x9a: {  	v54 =	vadd.s32 $0x2710, v61;
	v27 =	vadd.s32 $0x4E20, v14;
	v6 =	vld [tilespmem:s16+$0x16B00];
	v18 =	vmul.f32 v11, v29  }
0x9b: {  	v52 =	vadd.s32 $0x7530, v24;
	v24 =	vadd.s32 $0x4E20, v56;
	v37 =	vmul.f32 v55, v3;
	v53 =	vld [tilespmem:s16+$0x13920];
	[tilespmem:v21+s11+$0x0] =	vst.idx.msk $0xffff, v25  }
0x9c: {  	v49 =	vadd.s32 $0x2710, v17;
	v21 =	vmul.f32 v28, v5;
	v45 =	vld.idx.msk [tilespmem:v45+s4+$0x0], $0xffff;
	[tilespmem:v12+s11+$0x0] =	vst.idx.msk $0xffff, v18;
	v12 =	vadd.s32 $0x7530, v14  }
0x9d: {  	v11 =	vld [tilespmem:s16+$0x16B10];
	v14 =	vadd.s32 $0x7530, v22;
	v22 =	vmul.f32 v26, v1;
	v26 =	vadd.s32 $0x2710, v36  }
0x9e: {  	v55 =	vadd.s32 $0x2710, v7;
	v28 =	vadd.s32 $0x7530, v56;
	[tilespmem:v50+s11+$0x0] =	vst.idx.msk $0xffff, v21;
	v44 =	vld.idx.msk [tilespmem:v15+s4+$0x0], $0xffff;
	v59 =	vmul.f32 v16, v9  }
0x9f: {  	v31 =	vmul.f32 v31, v20;
	v15 =	vmul.f32 v30, v10;
	v30 =	vld.idx.msk [tilespmem:v56+s4+$0x0], $0xffff;
	[tilespmem:v27+s11+$0x0] =	vst.idx.msk $0xffff, v22  }
0xa0: {  	v25 =	vadd.s32 $0x4E20, v61;
	v21 =	vadd.s32 $0x7530, v62;
	v20 =	vadd.s32 $0x7530, v61;
	v27 =	vld [tilespmem:s16+$0x16B20];
	[tilespmem:v7+s11+$0x0] =	vst.idx.msk $0xffff, v59  }
0xa1: {  	v61 =	vadd.s32 $0x2710, v62;
	v35 =	vadd.s32 $0x4E20, v53;
	[tilespmem:v42+s11+$0x0] =	vst.idx.msk $0xffff, v31;
	v18 =	vadd.s32 $0x7530, v19;
	v49 =	vld.idx.msk [tilespmem:v49+s4+$0x0], $0xffff  }
0xa2: {  	v19 =	vadd.s32 $0x4E20, v33;
	v45 =	vmul.f32 v45, v4;
	v31 =	vmul.f32 v57, v11;
	[tilespmem:v26+s11+$0x0] =	vst.idx.msk $0xffff, v37  }
0xa3: {  	v10 =	vadd.s32 $0x7530, v33;
	v22 =	vadd.s32 $0x4E20, v39;
	[tilespmem:v23+s11+$0x0] =	vst.idx.msk $0xffff, v15;
	v29 =	vmul.f32 v44, v29;
	v46 =	vld.idx.msk [tilespmem:v46+s4+$0x0], $0xffff  }
0xa4: {  	v16 =	vadd.s32 $0x7530, v39;
	v39 =	vld.idx.msk [tilespmem:v47+s4+$0x0], $0xffff;
	[tilespmem:v60+s11+$0x0] =	vst.idx.msk $0xffff, v31;
	v30 =	vmul.f32 v30, v6;
	v44 =	vadd.s32 $0x4E20, v17  }
0xa5: {  	v23 =	vadd.s32 $0x4E20, v36;
	v40 =	vld.idx.msk [tilespmem:v63+s4+$0x0], $0xffff;
	v26 =	vadd.s32 $0x4E20, v62;
	v62 =	vmul.f32 v48, v27;
	[tilespmem:v52+s11+$0x0] =	vst.idx.msk $0xffff, v29  }
0xa6: {  	v33 =	vadd.s32 $0x2710, v58;
	v15 =	vadd.s32 $0x7530, v36;
	v43 =	vld.idx.msk [tilespmem:v54+s4+$0x0], $0xffff;
	[tilespmem:v58+s11+$0x0] =	vst.idx.msk $0xffff, v30;
	v63 =	vmul.f32 v49, v9  }
0xa7: {  	v36 =	vadd.s32 $0x2710, v53;
	v37 =	vadd.s32 $0x4E20, v58;
	v31 =	vadd.s32 $0x7530, v60;
	v42 =	vld.idx.msk [tilespmem:v51+s4+$0x0], $0xffff;
	[tilespmem:v53+s11+$0x0] =	vst.idx.msk $0xffff, v62  }
0xa8: {  	s18 =	simm.s32 $0xC0;
	s17 =	simm.s32 $0x180;
	s16 =	simm.s32 $0x8;
	v29 =	vadd.s32 $0x7530, v58;
	v30 =	vadd.s32 $0x7530, v53;
	v41 =	vld.idx.msk [tilespmem:v61+s4+$0x0], $0xffff;
	v46 =	vmul.f32 v46, v3;
	[tilespmem:v55+s11+$0x0] =	vst.idx.msk $0xffff, v63  }
.LBB2_18:
0xa9: {  	s19 =	sand.u32 $0x40, s18;
	s20 =	sand.u32 $0x1F00, s17;
	s16 =	sadd.s32 $0x4, s16;
	v44 =	vld.idx.msk [tilespmem:v44+s4+$0x0], $0xffff;
	[tilespmem:v19+s11+$0x0] =	vst.idx.msk $0xffff, v45;
	v39 =	vmul.f32 v39, v5;
	v19 =	vmov v37  }
0xaa: {  	v45 =	vmul.f32 v40, v1;
	v1 =	vmov v3;
	v3 =	vmov v11;
	s19 =	sor.u32 s19, s20;
	p0 =	slt.u32 s16, $0xC4;
	v37 =	vld.idx.msk [tilespmem:v18+s4+$0x0], $0xffff;
	[tilespmem:v23+s11+$0x0] =	vst.idx.msk $0xffff, v46  }
0xab: {  	v11 =	vmul.f32 v38, v2;
	v18 =	vmovc v28;
	v2 =	vmov v5;
	v5 =	vmov v27;
	v40 =	vld [tilespmem:s19+$0x15230];
	[tilespmem:v22+s11+$0x0] =	vst.idx.msk $0xffff, v39  }
0xac: {  	v38 =	vadd.s32 $0x4E20, v7;
	v23 =	vmovc v32;
	v28 =	vmul.f32 v42, v6;
	v22 =	vmov v35;
	v27 =	vld [tilespmem:s19+$0x15200];
	[tilespmem:v12+s11+$0x0] =	vst.idx.msk $0xffff, v45  }
0xad: {  	v39 =	vadd.s32 $0x7530, v17;
	v35 =	vmul.f32 v43, v3;
	v12 =	vmovc v15;
	v15 =	vmov v31;
	v32 =	vld [tilespmem:s19+$0x15210];
	[tilespmem:v8+s11+$0x0] =	vst.idx.msk $0xffff, v11  }
0xae: {  	v8 =	vmov v16;
	v16 =	vmov v30;
	v31 =	vld [tilespmem:s19+$0x15220];
	[tilespmem:v33+s11+$0x0] =	vst.idx.msk $0xffff, v28;
	v28 =	vmul.f32 v41, v5  }
0xaf: {  	v33 =	vmul.f32 v44, v9;
	v30 =	vld [tilespmem:s19+$0x16B00];
	[tilespmem:v34+s11+$0x0] =	vst.idx.msk $0xffff, v35  }
0xb0: {  	v34 =	vmul.f32 v37, v4;
	v4 =	vmov v6;
	v11 =	vld [tilespmem:s19+$0x16B10];
	[tilespmem:v36+s11+$0x0] =	vst.idx.msk $0xffff, v28;
	v17 =	vmov v40  }
0xb1: {  	v41 =	vadd.s32 $0x2710, v27;
	v35 =	vadd.s32 $0x4E20, v27;
	v28 =	vadd.s32 $0x7530, v27;
	v36 =	vld [tilespmem:s19+$0x13930];
	[tilespmem:v38+s11+$0x0] =	vst.idx.msk $0xffff, v33  }
0xb2: {  	v43 =	vadd.s32 $0x2710, v32;
	v38 =	vadd.s32 $0x4E20, v32;
	v42 =	vadd.s32 $0x7530, v32;
	v33 =	vld.idx.msk [tilespmem:v39+s4+$0x0], $0xffff;
	[tilespmem:v10+s11+$0x0] =	vst.idx.msk $0xffff, v34;
	v10 =	vmovc v29  }
0xb3: {  	v46 =	vadd.s32 $0x2710, v31;
	v44 =	vadd.s32 $0x4E20, v31;
	v45 =	vadd.s32 $0x7530, v31;
	v29 =	vld.idx.msk [tilespmem:v40+s4+$0x0], $0xffff  }
0xb4: {  	v34 =	vld [tilespmem:s19+$0x16B30];
	v6 =	vmov v30  }
0xb5: {  	v37 =	vadd.s32 $0x7530, v7;
	v30 =	vld.idx.msk [tilespmem:v27+s4+$0x0], $0xffff  }
0xb6: {  	v32 =	vld.idx.msk [tilespmem:v32+s4+$0x0], $0xffff;
	v7 =	vmov v36  }
0xb7: {  	v36 =	vadd.s32 $0x2710, v17;
	v31 =	vld.idx.msk [tilespmem:v31+s4+$0x0], $0xffff  }
0xb8: {  	v33 =	vmul.f32 v33, v9;
	v27 =	vld [tilespmem:s19+$0x16B20]  }
0xb9: {  	v47 =	vld [tilespmem:s19+$0x13900];
	v29 =	vmul.f32 v29, v34;
	v9 =	vmov v34  }
0xba: {  	v48 =	vld [tilespmem:s19+$0x13910];
	[tilespmem:v37+s11+$0x0] =	vst.idx.msk $0xffff, v33  }
0xbb: {  	v30 =	vmul.f32 v30, v6;
	v49 =	vld [tilespmem:s19+$0x13920];
	[tilespmem:v7+s11+$0x0] =	vst.idx.msk $0xffff, v29  }
0xbc: {  	v50 =	vmul.f32 v32, v11;
	v51 =	vld.idx.msk [tilespmem:v36+s4+$0x0], $0xffff  }
0xbd: {  	v52 =	vmul.f32 v31, v27;
	v53 =	vld.idx.msk [tilespmem:v24+s4+$0x0], $0xffff;
	v24 =	vmov v35  }
0xbe: {  	v33 =	vadd.s32 $0x2710, v47;
	v37 =	vadd.s32 $0x4E20, v47;
	v29 =	vadd.s32 $0x7530, v47;
	v54 =	vld.idx.msk [tilespmem:v25+s4+$0x0], $0xffff;
	v25 =	vmovc v38  }
0xbf: {  	v55 =	vadd.s32 $0x2710, v7;
	v34 =	vadd.s32 $0x2710, v48;
	v32 =	vadd.s32 $0x4E20, v48;
	v39 =	vld.idx.msk [tilespmem:v26+s4+$0x0], $0xffff;
	v26 =	vmovc v44  }
.Ltmp8:
0xc0: {  	v44 =	vadd.s32 $0x4E20, v17;
	v36 =	vadd.s32 $0x2710, v49;
	v35 =	vadd.s32 $0x4E20, v49;
	v40 =	vld.idx.msk [tilespmem:v13+s4+$0x0], $0xffff;
	v13 =	vmovc v20;
	v20 =	vmovc v42;
	(pc) =	sbr.rel @p0 .LBB2_18-.Ltmp8, $4  }
0xc1: {  	v31 =	vadd.s32 $0x7530, v48;
	[tilespmem:v47+s11+$0x0] =	vst.idx.msk $0xffff, v30;
	v30 =	vadd.s32 $0x7530, v49;
	v38 =	vld.idx.msk [tilespmem:v14+s4+$0x0], $0xffff;
	v14 =	vmovc v21;
	v21 =	vmov v45  }
0xc2: {  	v47 =	vmul.f32 v51, v9;
	v42 =	vld.idx.msk [tilespmem:v41+s4+$0x0], $0xffff;
	[tilespmem:v48+s11+$0x0] =	vst.idx.msk $0xffff, v50  }
0xc3: {  	v45 =	vmul.f32 v53, v4;
	v43 =	vld.idx.msk [tilespmem:v43+s4+$0x0], $0xffff;
	[tilespmem:v49+s11+$0x0] =	vst.idx.msk $0xffff, v52  }
0xc4: {  	s17 =	sadd.s32 $0x80, s17;
	s18 =	sadd.s32 $0x40, s18;
	v41 =	vld.idx.msk [tilespmem:v46+s4+$0x0], $0xffff;
	[tilespmem:v55+s11+$0x0] =	vst.idx.msk $0xffff, v47;
	v46 =	vmul.f32 v54, v3  }
0xc5: {  	_ =	sdelay $0x3  }
0xc6: {  	v44 =	vld.idx.msk [tilespmem:v44+s4+$0x0], $0xffff;
	v42 =	vmul.f32 v42, v6  }
0xc7: {  	v43 =	vmul.f32 v43, v11  }
0xc8: {  	v55 =	vadd.s32 $0x4E20, v7;
	[tilespmem:v33+s11+$0x0] =	vst.idx.msk $0xffff, v42;
	v41 =	vmul.f32 v41, v27  }
0xc9: {  	v17 =	vadd.s32 $0x7530, v17;
	[tilespmem:v34+s11+$0x0] =	vst.idx.msk $0xffff, v43;
	v24 =	vld.idx.msk [tilespmem:v24+s4+$0x0], $0xffff  }
0xca: {  	[tilespmem:v36+s11+$0x0] =	vst.idx.msk $0xffff, v41;
	v25 =	vld.idx.msk [tilespmem:v25+s4+$0x0], $0xffff  }
0xcb: {  	[tilespmem:v19+s11+$0x0] =	vst.idx.msk $0xffff, v45;
	v56 =	vmul.f32 v44, v9;
	v26 =	vld.idx.msk [tilespmem:v26+s4+$0x0], $0xffff  }
0xcc: {  	v57 =	vmul.f32 v39, v5;
	[tilespmem:v23+s11+$0x0] =	vst.idx.msk $0xffff, v46  }
0xcd: {  	v1 =	vmul.f32 v40, v1;
	v18 =	vld.idx.msk [tilespmem:v18+s4+$0x0], $0xffff;
	[tilespmem:v55+s11+$0x0] =	vst.idx.msk $0xffff, v56  }
0xce: {  	[tilespmem:v22+s11+$0x0] =	vst.idx.msk $0xffff, v57;
	v17 =	vld.idx.msk [tilespmem:v17+s4+$0x0], $0xffff;
	v58 =	vmul.f32 v24, v6  }
0xcf: {  	[tilespmem:v12+s11+$0x0] =	vst.idx.msk $0xffff, v1;
	v1 =	vld.idx.msk [tilespmem:v13+s4+$0x0], $0xffff;
	v59 =	vmul.f32 v25, v11  }
0xd0: {  	v60 =	vadd.s32 $0x7530, v7;
	v61 =	vld.idx.msk [tilespmem:v14+s4+$0x0], $0xffff;
	[tilespmem:v37+s11+$0x0] =	vst.idx.msk $0xffff, v58;
	v62 =	vmul.f32 v26, v27  }
0xd1: {  	v2 =	vmul.f32 v38, v2;
	v19 =	vld.idx.msk [tilespmem:v28+s4+$0x0], $0xffff;
	[tilespmem:v32+s11+$0x0] =	vst.idx.msk $0xffff, v59  }
0xd2: {  	v4 =	vmul.f32 v18, v4;
	[tilespmem:v35+s11+$0x0] =	vst.idx.msk $0xffff, v62;
	v12 =	vld.idx.msk [tilespmem:v20+s4+$0x0], $0xffff  }
0xd3: {  	[tilespmem:v8+s11+$0x0] =	vst.idx.msk $0xffff, v2;
	v2 =	vmul.f32 v17, v9;
	v63 =	vld.idx.msk [tilespmem:v21+s4+$0x0], $0xffff  }
0xd4: {  	v1 =	vmul.f32 v1, v3;
	[tilespmem:v10+s11+$0x0] =	vst.idx.msk $0xffff, v4  }
0xd5: {  	p0 =	seq.s32 s14, $0x31;
	[tilespmem:v60+s11+$0x0] =	vst.idx.msk $0xffff, v2;
	v2 =	vmul.f32 v61, v5  }
.Ltmp9:
0xd6: {  	[tilespmem:v15+s11+$0x0] =	vst.idx.msk $0xffff, v1;
	v1 =	vmul.f32 v19, v6;
	(pc) =	sbr.rel @p0 .LBB2_27-.Ltmp9, $4  }
0xd7: {  	[tilespmem:v16+s11+$0x0] =	vst.idx.msk $0xffff, v2;
	v2 =	vmul.f32 v12, v11  }
0xd8: {  	[tilespmem:v29+s11+$0x0] =	vst.idx.msk $0xffff, v1;
	v1 =	vmul.f32 v63, v27  }
0xd9: {  	[tilespmem:v31+s11+$0x0] =	vst.idx.msk $0xffff, v2  }
0xda: {  	[tilespmem:v30+s11+$0x0] =	vst.idx.msk $0xffff, v1  }
0xdb: {  	s15 =	sadd.s32 $0x320, s15  }
0xdc: {  	s17 =	simm.s32 $0x13900;
	s16 =	sadd.s32 s5, s15  }
0xdd: {  	s18 =	simm.s32 $0x10;
	s19 =	simm.s32 $0x13A00;
	s20 =	sadd.s32 $0x0, s16  }
.LBB2_21:
0xde: {  	[tilespmem:s17], [sflag:$0x1] =	stream.linear.gather [hbm4b:s20+s4], $0x80, $0x38;
	[tilespmem:$0x18400] =	vst v63  }
0xdf: {  	s20 =	smov.u32 s18;
	s17 =	smov.u32 s19;
	p0 =	sne.s32 s18, $0x180  }
.Ltmp10:
0xe0: {  	s18 =	sadd.s32 $0x10, s18;
	(pc) =	sbr.rel @p0 .LBB2_21-.Ltmp10, $2  }
0xe1: {  	_ =	sdelay $0x2  }
0xe2: {  	s19 =	sadd.s32 $0x100, s19;
	s20 =	sadd.s32 s20, s16  }
0xe3: {  	[tilespmem:s17], [sflag:$0x1] =	stream.linear.gather [hbm4b:s20+s4], $0x80, $0x38;
	[tilespmem:$0x18400] =	vst v63  }
0xe4: {  	s16 =	sadd.s32 s2, s15;
	s17 =	simm.s32 $0x15200  }
0xe5: {  	s18 =	simm.s32 $0x10;
	s19 =	simm.s32 $0x15300;
	s20 =	sadd.s32 $0x0, s16  }
.LBB2_23:
0xe6: {  	[tilespmem:s17], [sflag:$0x1] =	stream.linear.gather [hbm4b:s20+s4], $0x80, $0x38;
	[tilespmem:$0x18400] =	vst v63  }
0xe7: {  	s20 =	smov.u32 s18;
	s17 =	smov.u32 s19;
	p0 =	sne.s32 s18, $0x180  }
.Ltmp11:
0xe8: {  	s18 =	sadd.s32 $0x10, s18;
	(pc) =	sbr.rel @p0 .LBB2_23-.Ltmp11, $2  }
0xe9: {  	_ =	sdelay $0x2  }
0xea: {  	s19 =	sadd.s32 $0x100, s19;
	s20 =	sadd.s32 s20, s16  }
0xeb: {  	[tilespmem:s17], [sflag:$0x1] =	stream.linear.gather [hbm4b:s20+s4], $0x80, $0x38;
	[tilespmem:$0x18400] =	vst v63  }
0xec: {  	s15 =	sadd.s32 s3, s15;
	s16 =	simm.s32 $0x16B00  }
0xed: {  	s17 =	simm.s32 $0x10;
	s18 =	simm.s32 $0x16C00;
	s19 =	sadd.s32 $0x0, s15  }
.LBB2_25:
0xee: {  	[tilespmem:s16], [sflag:$0x1] =	stream.linear.gather [hbm4b:s19+s4], $0x80, $0x38;
	[tilespmem:$0x18400] =	vst v63  }
0xef: {  	s19 =	smov.u32 s17;
	s16 =	smov.u32 s18;
	p0 =	sne.s32 s17, $0x180  }
.Ltmp12:
0xf0: {  	s17 =	sadd.s32 $0x10, s17;
	(pc) =	sbr.rel @p0 .LBB2_25-.Ltmp12, $2  }
0xf1: {  	_ =	sdelay $0x2  }
0xf2: {  	s18 =	sadd.s32 $0x100, s18;
	s19 =	sadd.s32 s19, s15  }
0xf3: {  	[tilespmem:s16], [sflag:$0x1] =	stream.linear.gather [hbm4b:s19+s4], $0x80, $0x38;
	[tilespmem:$0x18400] =	vst v63  }
.LBB2_27:
0xf4: {  	_ =	swait.ge [sflag:s12], $0xC80  }
0xf5: {  	[sflag:s12] =	ssyncset.done $0x0  }
0xf6: {  	[sflag:s12] =	ssyncadd.s32 $0xFFFFF380  }
0xf7: {  	_ =	swait.ge [sflag:s12], $0xC80  }
0xf8: {  	p0 =	por $0x0, $0x0;
	s15 =	simm.s32 $0x1;
	[sflag:s12] =	ssyncset.done $0x0  }
0xf9: {  	s15 =	simm.s32 @!p0 $0x0;
	[sflag:s12] =	ssyncadd.s32 $0xFFFFF380  }
0xfa: {  	s15 =	sshll.u32 s15, $0x6;
	_ =	swait.ge [sflag:s12], $0xC80  }
0xfb: {  	s15 =	sadd.s32 $0x0, s15;
	[sflag:s12] =	ssyncset.done $0x0  }
0xfc: {  	s16 =	sor.u32 $0xB0, s15;
	[sflag:s12] =	ssyncadd.s32 $0xFFFFF380  }
0xfd: {  	s17 =	sor.u32 $0x80, s15;
	v5 =	vld [tilespmem:s16+$0x15200]  }
0xfe: {  	s18 =	sor.u32 $0x90, s15;
	v6 =	vld [tilespmem:s17+$0x15200]  }
0xff: {  	s15 =	sor.u32 $0xA0, s15;
	v7 =	vld [tilespmem:s18+$0x15200]  }
0x100: {  	v8 =	vld [tilespmem:s15+$0x15200]  }
0x101: {  	v20 =	vld [tilespmem:s17+$0x16B00]  }
0x102: {  	v1 =	vld [tilespmem:s18+$0x16B00]  }
0x103: {  	v10 =	vld [tilespmem:s16+$0x13900]  }
0x104: {  	v9 =	vld [tilespmem:s16+$0x16B00]  }
0x105: {  	v13 =	vld [tilespmem:s17+$0x13900]  }
0x106: {  	v2 =	vld.idx.msk [tilespmem:v5+s4+$0x0], $0xffff  }
0x107: {  	v15 =	vld [tilespmem:s18+$0x13900]  }
0x108: {  	v3 =	vld.idx.msk [tilespmem:v6+s4+$0x0], $0xffff  }
0x109: {  	v16 =	vld [tilespmem:s15+$0x13900]  }
0x10a: {  	v12 =	vadd.s32 $0x2710, v5;
	v4 =	vld.idx.msk [tilespmem:v7+s4+$0x0], $0xffff  }
0x10b: {  	p0 =	por !p0, !p0;
	v17 =	vadd.s32 $0x2710, v6;
	v14 =	vmul.f32 v2, v9;
	v2 =	vld [tilespmem:s15+$0x16B00];
	s15 =	simm.s32 $0x1  }
0x10c: {  	s15 =	simm.s32 @!p0 $0x0  }
0x10d: {  	v3 =	vmul.f32 v3, v20;
	s15 =	sshll.u32 s15, $0x6  }
0x10e: {  	v11 =	vld.idx.msk [tilespmem:v8+s4+$0x0], $0xffff;
	[tilespmem:v10+s11+$0x0] =	vst.idx.msk $0xffff, v14;
	s15 =	sadd.s32 $0x80, s15  }
0x10f: {  	[tilespmem:v13+s11+$0x0] =	vst.idx.msk $0xffff, v3;
	v12 =	vld.idx.msk [tilespmem:v12+s4+$0x0], $0xffff;
	s25 =	sor.u32 $0xB0, s15  }
0x110: {  	v4 =	vmul.f32 v4, v1;
	v17 =	vld.idx.msk [tilespmem:v17+s4+$0x0], $0xffff;
	s26 =	sor.u32 $0x80, s15;
	s28 =	sor.u32 $0x90, s15;
	s15 =	sor.u32 $0xA0, s15  }
0x111: {  	v23 =	vld [tilespmem:s15+$0x15200]  }
0x112: {  	[tilespmem:v15+s11+$0x0] =	vst.idx.msk $0xffff, v4;
	v4 =	vld [tilespmem:s26+$0x16B00]  }
0x113: {  	v14 =	vadd.s32 $0x2710, v7;
	v25 =	vld [tilespmem:s25+$0x13900]  }
0x114: {  	v22 =	vld [tilespmem:s25+$0x16B00]  }
0x115: {  	v33 =	vld [tilespmem:s26+$0x13900]  }
0x116: {  	v18 =	vadd.s32 $0x2710, v8;
	v36 =	vld [tilespmem:s28+$0x13900]  }
0x117: {  	v19 =	vadd.s32 $0x2710, v10;
	v39 =	vld [tilespmem:s15+$0x13900]  }
0x118: {  	v11 =	vmul.f32 v11, v2;
	v3 =	vmul.f32 v12, v9;
	v12 =	vld.idx.msk [tilespmem:v14+s4+$0x0], $0xffff  }
0x119: {  	v21 =	vadd.s32 $0x4E20, v5;
	v14 =	vld [tilespmem:s25+$0x15200]  }
0x11a: {  	v35 =	vadd.s32 $0x7530, v5;
	v5 =	vld [tilespmem:s15+$0x16B00];
	[tilespmem:v16+s11+$0x0] =	vst.idx.msk $0xffff, v11  }
0x11b: {  	p0 =	por !p0, !p0;
	s15 =	simm.s32 $0x1;
	v11 =	vld.idx.msk [tilespmem:v18+s4+$0x0], $0xffff  }
0x11c: {  	s15 =	simm.s32 @!p0 $0x0;
	[tilespmem:v19+s11+$0x0] =	vst.idx.msk $0xffff, v3;
	v19 =	vld [tilespmem:s26+$0x15200]  }
0x11d: {  	s15 =	sshll.u32 s15, $0x6;
	v3 =	vld [tilespmem:s28+$0x16B00]  }
0x11e: {  	v28 =	vadd.s32 $0x2710, v13;
	s15 =	sadd.s32 $0x100, s15;
	v18 =	vld.idx.msk [tilespmem:v21+s4+$0x0], $0xffff  }
0x11f: {  	v31 =	vadd.s32 $0x4E20, v6;
	s31 =	sor.u32 $0x90, s15;
	v21 =	vld [tilespmem:s28+$0x15200]  }
0x120: {  	v63 =	vld [tilespmem:s31+$0x15200]  }
0x121: {  	v17 =	vmul.f32 v17, v20;
	s29 =	sor.u32 $0xB0, s15;
	v24 =	vld.idx.msk [tilespmem:v14+s4+$0x0], $0xffff  }
0x122: {  	v38 =	vadd.s32 $0x2710, v16;
	v40 =	vadd.s32 $0x4E20, v8;
	v58 =	vadd.s32 $0x7530, v8;
	v8 =	vld [tilespmem:s29+$0x13900]  }
0x123: {  	[tilespmem:v28+s11+$0x0] =	vst.idx.msk $0xffff, v17;
	v53 =	vld [tilespmem:s31+$0x13900]  }
0x124: {  	v28 =	vld.idx.msk [tilespmem:v31+s4+$0x0], $0xffff;
	v30 =	vadd.s32 $0x2710, v14  }
0x125: {  	v32 =	vadd.s32 $0x4E20, v10;
	v11 =	vmul.f32 v11, v2;
	v26 =	vld.idx.msk [tilespmem:v19+s4+$0x0], $0xffff  }
0x126: {  	v34 =	vadd.s32 $0x2710, v15;
	v29 =	vld.idx.msk [tilespmem:v23+s4+$0x0], $0xffff;
	v24 =	vmul.f32 v24, v22  }
0x127: {  	v37 =	vadd.s32 $0x4E20, v7;
	[tilespmem:v38+s11+$0x0] =	vst.idx.msk $0xffff, v11;
	v27 =	vld.idx.msk [tilespmem:v21+s4+$0x0], $0xffff  }
0x128: {  	v17 =	vadd.s32 $0x2710, v19;
	v18 =	vmul.f32 v18, v9;
	v62 =	vld.idx.msk [tilespmem:v40+s4+$0x0], $0xffff;
	[tilespmem:v25+s11+$0x0] =	vst.idx.msk $0xffff, v24  }
0x129: {  	v60 =	vadd.s32 $0x4E20, v13;
	v12 =	vmul.f32 v12, v1;
	v24 =	vld.idx.msk [tilespmem:v30+s4+$0x0], $0xffff  }
0x12a: {  	v61 =	vadd.s32 $0x4E20, v14;
	v56 =	vadd.s32 $0x7530, v14;
	v14 =	vld [tilespmem:s31+$0x16B00];
	[tilespmem:v32+s11+$0x0] =	vst.idx.msk $0xffff, v18;
	v26 =	vmul.f32 v26, v4  }
0x12b: {  	v31 =	vadd.s32 $0x2710, v25;
	[tilespmem:v34+s11+$0x0] =	vst.idx.msk $0xffff, v12;
	v18 =	vadd.s32 $0x2710, v21;
	v30 =	vld.idx.msk [tilespmem:v35+s4+$0x0], $0xffff  }
0x12c: {  	v11 =	vmul.f32 v27, v3;
	v27 =	vld.idx.msk [tilespmem:v37+s4+$0x0], $0xffff;
	[tilespmem:v33+s11+$0x0] =	vst.idx.msk $0xffff, v26  }
0x12d: {  	s30 =	sor.u32 $0x80, s15;
	s15 =	sor.u32 $0xA0, s15;
	v26 =	vld.idx.msk [tilespmem:v17+s4+$0x0], $0xffff;
	v17 =	vmul.f32 v28, v20  }
0x12e: {  	v12 =	vadd.s32 $0x2710, v23;
	v37 =	vld [tilespmem:s15+$0x15200];
	[tilespmem:v36+s11+$0x0] =	vst.idx.msk $0xffff, v11;
	v11 =	vmul.f32 v24, v22  }
0x12f: {  	[tilespmem:v60+s11+$0x0] =	vst.idx.msk $0xffff, v17;
	v17 =	vld [tilespmem:s29+$0x15200]  }
0x130: {  	v6 =	vadd.s32 $0x7530, v6;
	v29 =	vmul.f32 v29, v5;
	v24 =	vld.idx.msk [tilespmem:v18+s4+$0x0], $0xffff;
	[tilespmem:v31+s11+$0x0] =	vst.idx.msk $0xffff, v11  }
0x131: {  	v11 =	vld.idx.msk [tilespmem:v61+s4+$0x0], $0xffff  }
0x132: {  	v57 =	vadd.s32 $0x7530, v7;
	v43 =	vadd.s32 $0x7530, v13;
	v41 =	vadd.s32 $0x4E20, v15;
	[tilespmem:v39+s11+$0x0] =	vst.idx.msk $0xffff, v29;
	v31 =	vld [tilespmem:s30+$0x15200]  }
0x133: {  	v42 =	vadd.s32 $0x4E20, v16;
	v10 =	vadd.s32 $0x7530, v10;
	v48 =	vadd.s32 $0x4E20, v23;
	v28 =	vld.idx.msk [tilespmem:v12+s4+$0x0], $0xffff  }
0x134: {  	v13 =	vadd.s32 $0x7530, v23;
	v46 =	vadd.s32 $0x2710, v36;
	v44 =	vadd.s32 $0x4E20, v19;
	v60 =	vld.idx.msk [tilespmem:v63+s4+$0x0], $0xffff  }
0x135: {  	v23 =	vadd.s32 $0x4E20, v36;
	v47 =	vadd.s32 $0x4E20, v21;
	v12 =	vadd.s32 $0x4E20, v25;
	v29 =	vld.idx.msk [tilespmem:v6+s4+$0x0], $0xffff  }
0x136: {  	v32 =	vadd.s32 $0x2710, v63;
	v6 =	vld [tilespmem:s30+$0x16B00];
	v24 =	vmul.f32 v24, v3;
	v7 =	vmul.f32 v11, v22  }
0x137: {  	v59 =	vld.idx.msk [tilespmem:v17+s4+$0x0], $0xffff;
	v11 =	vadd.s32 $0x7530, v15;
	v15 =	vmul.f32 v30, v9;
	v30 =	vadd.s32 $0x2710, v33  }
0x138: {  	v18 =	vadd.s32 $0x7530, v19;
	v19 =	vadd.s32 $0x4E20, v33;
	v26 =	vmul.f32 v26, v4;
	v9 =	vld [tilespmem:s29+$0x16B00]  }
0x139: {  	v34 =	vadd.s32 $0x2710, v37;
	v61 =	vadd.s32 $0x2710, v39;
	v50 =	vld.idx.msk [tilespmem:v37+s4+$0x0], $0xffff;
	v55 =	vmul.f32 v60, v14;
	[tilespmem:v46+s11+$0x0] =	vst.idx.msk $0xffff, v24  }
0x13a: {  	v51 =	vadd.s32 $0x2710, v17;
	v29 =	vmul.f32 v29, v20;
	[tilespmem:v12+s11+$0x0] =	vst.idx.msk $0xffff, v7;
	v7 =	vadd.s32 $0x7530, v16;
	v49 =	vld.idx.msk [tilespmem:v31+s4+$0x0], $0xffff  }
0x13b: {  	v16 =	vmul.f32 v27, v1;
	[tilespmem:v10+s11+$0x0] =	vst.idx.msk $0xffff, v15;
	v27 =	vmul.f32 v62, v2;
	v45 =	vld.idx.msk [tilespmem:v56+s4+$0x0], $0xffff  }
0x13c: {  	v20 =	vadd.s32 $0x7530, v63;
	v52 =	vadd.s32 $0x2710, v31;
	v24 =	vadd.s32 $0x4E20, v31;
	[tilespmem:v30+s11+$0x0] =	vst.idx.msk $0xffff, v26;
	v30 =	vld [tilespmem:s30+$0x13900]  }
0x13d: {  	v12 =	vadd.s32 $0x7530, v21;
	v10 =	vadd.s32 $0x7530, v33;
	[tilespmem:v42+s11+$0x0] =	vst.idx.msk $0xffff, v27;
	v27 =	vld [tilespmem:s15+$0x16B00];
	v62 =	vmul.f32 v59, v9  }
0x13e: {  	v21 =	vadd.s32 $0x4E20, v39;
	v15 =	vadd.s32 $0x7530, v36;
	[tilespmem:v41+s11+$0x0] =	vst.idx.msk $0xffff, v16;
	v41 =	vld [tilespmem:s15+$0x13900];
	v26 =	vmul.f32 v28, v5  }
0x13f: {  	v36 =	vadd.s32 $0x2710, v53;
	v33 =	vadd.s32 $0x4E20, v53;
	v16 =	vadd.s32 $0x7530, v39;
	v42 =	vld.idx.msk [tilespmem:v47+s4+$0x0], $0xffff;
	[tilespmem:v8+s11+$0x0] =	vst.idx.msk $0xffff, v62  }
0x140: {  	v28 =	vadd.s32 $0x7530, v31;
	v31 =	vadd.s32 $0x7530, v25;
	v25 =	vadd.s32 $0x4E20, v63;
	[tilespmem:v61+s11+$0x0] =	vst.idx.msk $0xffff, v26;
	v51 =	vld.idx.msk [tilespmem:v51+s4+$0x0], $0xffff  }
0x141: {  	v26 =	vadd.s32 $0x4E20, v37;
	v54 =	vmul.f32 v49, v6;
	v63 =	vmul.f32 v45, v22;
	v45 =	vld.idx.msk [tilespmem:v44+s4+$0x0], $0xffff  }
0x142: {  	[tilespmem:v43+s11+$0x0] =	vst.idx.msk $0xffff, v29;
	v49 =	vadd.s32 $0x4E20, v17;
	v22 =	vadd.s32 $0x7530, v37;
	v43 =	vld.idx.msk [tilespmem:v48+s4+$0x0], $0xffff;
	v48 =	vadd.s32 $0x2710, v8  }
0x143: {  	[tilespmem:v53+s11+$0x0] =	vst.idx.msk $0xffff, v55;
	v40 =	vld.idx.msk [tilespmem:v58+s4+$0x0], $0xffff;
	v46 =	vmul.f32 v50, v27;
	v38 =	vadd.s32 $0x2710, v41;
	v37 =	vadd.s32 $0x4E20, v41  }
0x144: {  	v44 =	vld.idx.msk [tilespmem:v57+s4+$0x0], $0xffff;
	v35 =	vadd.s32 $0x2710, v30;
	v39 =	vadd.s32 $0x4E20, v30;
	v29 =	vadd.s32 $0x7530, v30;
	[tilespmem:v30+s11+$0x0] =	vst.idx.msk $0xffff, v54  }
0x145: {  	s16 =	simm.s32 $0x100;
	p0 =	por !p0, !p0;
	s15 =	simm.s32 $0x8;
	[tilespmem:v31+s11+$0x0] =	vst.idx.msk $0xffff, v63;
	v31 =	vadd.s32 $0x7530, v53;
	v30 =	vadd.s32 $0x7530, v41;
	v50 =	vmul.f32 v51, v9;
	v47 =	vld.idx.msk [tilespmem:v52+s4+$0x0], $0xffff  }
.LBB2_28:
0x146: {  	s17 =	simm.s32 $0x1  }
0x147: {  	s15 =	sadd.s32 $0x4, s15;
	v32 =	vld.idx.msk [tilespmem:v32+s4+$0x0], $0xffff;
	[tilespmem:v41+s11+$0x0] =	vst.idx.msk $0xffff, v46;
	v41 =	vmul.f32 v45, v4;
	s17 =	simm.s32 @!p0 $0x0  }
0x148: {  	s16 =	sadd.s32 $0x80, s16;
	v42 =	vmul.f32 v42, v3;
	p1 =	slt.u32 s15, $0xC4;
	s17 =	sshll.u32 s17, $0x6;
	v34 =	vld.idx.msk [tilespmem:v34+s4+$0x0], $0xffff;
	[tilespmem:v48+s11+$0x0] =	vst.idx.msk $0xffff, v50  }
0x149: {  	s19 =	sadd.s32 s17, s16;
	v45 =	vld.idx.msk [tilespmem:v49+s4+$0x0], $0xffff;
	[tilespmem:v19+s11+$0x0] =	vst.idx.msk $0xffff, v41;
	v41 =	vmul.f32 v43, v5;
	v19 =	vmov v39  }
0x14a: {  	v43 =	vmul.f32 v44, v1;
	v1 =	vmov v3;
	v3 =	vmov v14;
	s18 =	sor.u32 $0x80, s19;
	s17 =	sor.u32 $0x90, s19;
	s20 =	sor.u32 $0xB0, s19;
	v39 =	vld.idx.msk [tilespmem:v18+s4+$0x0], $0xffff;
	[tilespmem:v23+s11+$0x0] =	vst.idx.msk $0xffff, v42  }
0x14b: {  	v14 =	vmul.f32 v40, v2;
	v2 =	vmovc v5;
	v5 =	vmov v27;
	s19 =	sor.u32 $0xA0, s19;
	v18 =	vmov v28;
	v42 =	vld [tilespmem:s20+$0x15200];
	[tilespmem:v21+s11+$0x0] =	vst.idx.msk $0xffff, v41  }
0x14c: {  	v40 =	vadd.s32 $0x4E20, v8;
	v28 =	vmul.f32 v47, v6;
	v23 =	vmovc v33;
	v21 =	vmov v37;
	v27 =	vld [tilespmem:s18+$0x15200];
	[tilespmem:v11+s11+$0x0] =	vst.idx.msk $0xffff, v43  }
0x14d: {  	v32 =	vmul.f32 v32, v3;
	v37 =	vadd.s32 $0x7530, v17;
	v11 =	vmovc v15;
	v15 =	vmov v31;
	v33 =	vld [tilespmem:s17+$0x15200];
	[tilespmem:v7+s11+$0x0] =	vst.idx.msk $0xffff, v14  }
0x14e: {  	v7 =	vmov v16;
	v16 =	vmov v30;
	v31 =	vld [tilespmem:s19+$0x15200];
	[tilespmem:v35+s11+$0x0] =	vst.idx.msk $0xffff, v28;
	v28 =	vmul.f32 v34, v5  }
0x14f: {  	v30 =	vld [tilespmem:s18+$0x16B00];
	[tilespmem:v36+s11+$0x0] =	vst.idx.msk $0xffff, v32;
	v32 =	vmul.f32 v45, v9  }
0x150: {  	v34 =	vmul.f32 v39, v4;
	v4 =	vmov v6;
	v14 =	vld [tilespmem:s17+$0x16B00];
	[tilespmem:v38+s11+$0x0] =	vst.idx.msk $0xffff, v28;
	v17 =	vmov v42  }
0x151: {  	v47 =	vadd.s32 $0x2710, v27;
	v35 =	vadd.s32 $0x4E20, v27;
	v28 =	vadd.s32 $0x7530, v27;
	v36 =	vld [tilespmem:s20+$0x13900];
	[tilespmem:v40+s11+$0x0] =	vst.idx.msk $0xffff, v32  }
0x152: {  	v32 =	vadd.s32 $0x2710, v33;
	v38 =	vadd.s32 $0x4E20, v33;
	v40 =	vadd.s32 $0x7530, v33;
	v37 =	vld.idx.msk [tilespmem:v37+s4+$0x0], $0xffff;
	[tilespmem:v10+s11+$0x0] =	vst.idx.msk $0xffff, v34;
	v10 =	vmovc v29  }
0x153: {  	v34 =	vadd.s32 $0x2710, v31;
	v44 =	vadd.s32 $0x4E20, v31;
	v50 =	vadd.s32 $0x7530, v31;
	v29 =	vld.idx.msk [tilespmem:v42+s4+$0x0], $0xffff  }
0x154: {  	v39 =	vld [tilespmem:s20+$0x16B00];
	v6 =	vmov v30  }
0x155: {  	v41 =	vadd.s32 $0x7530, v8;
	v30 =	vld.idx.msk [tilespmem:v27+s4+$0x0], $0xffff  }
0x156: {  	v33 =	vld.idx.msk [tilespmem:v33+s4+$0x0], $0xffff;
	v8 =	vmov v36  }
0x157: {  	v36 =	vadd.s32 $0x2710, v17;
	v31 =	vld.idx.msk [tilespmem:v31+s4+$0x0], $0xffff  }
0x158: {  	v37 =	vmul.f32 v37, v9;
	v27 =	vld [tilespmem:s19+$0x16B00]  }
0x159: {  	v51 =	vld [tilespmem:s18+$0x13900];
	v29 =	vmul.f32 v29, v39;
	v9 =	vmov v39  }
0x15a: {  	v52 =	vld [tilespmem:s17+$0x13900];
	[tilespmem:v41+s11+$0x0] =	vst.idx.msk $0xffff, v37  }
0x15b: {  	v30 =	vmul.f32 v30, v6;
	v41 =	vld [tilespmem:s19+$0x13900];
	[tilespmem:v8+s11+$0x0] =	vst.idx.msk $0xffff, v29  }
0x15c: {  	v53 =	vmul.f32 v33, v14;
	v54 =	vld.idx.msk [tilespmem:v36+s4+$0x0], $0xffff  }
0x15d: {  	v46 =	vmul.f32 v31, v27;
	v45 =	vld.idx.msk [tilespmem:v24+s4+$0x0], $0xffff;
	v24 =	vmov v35  }
.Ltmp13:
0x15e: {  	v35 =	vadd.s32 $0x2710, v51;
	v39 =	vadd.s32 $0x4E20, v51;
	v29 =	vadd.s32 $0x7530, v51;
	v42 =	vld.idx.msk [tilespmem:v25+s4+$0x0], $0xffff;
	v25 =	vmovc v38;
	(pc) =	sbr.rel @p1 .LBB2_28-.Ltmp13, $4  }
0x15f: {  	v48 =	vadd.s32 $0x2710, v8;
	v36 =	vadd.s32 $0x2710, v52;
	v33 =	vadd.s32 $0x4E20, v52;
	v43 =	vld.idx.msk [tilespmem:v26+s4+$0x0], $0xffff;
	v26 =	vmovc v44  }
0x160: {  	v49 =	vadd.s32 $0x4E20, v17;
	v38 =	vadd.s32 $0x2710, v41;
	v37 =	vadd.s32 $0x4E20, v41;
	v44 =	vld.idx.msk [tilespmem:v12+s4+$0x0], $0xffff;
	v12 =	vmovc v20;
	v20 =	vmovc v40  }
0x161: {  	v31 =	vadd.s32 $0x7530, v52;
	[tilespmem:v51+s11+$0x0] =	vst.idx.msk $0xffff, v30;
	v30 =	vadd.s32 $0x7530, v41;
	v40 =	vld.idx.msk [tilespmem:v13+s4+$0x0], $0xffff;
	v13 =	vmovc v22;
	v22 =	vmov v50  }
0x162: {  	p0 =	por !p0, !p0;
	v50 =	vmul.f32 v54, v9;
	v47 =	vld.idx.msk [tilespmem:v47+s4+$0x0], $0xffff;
	[tilespmem:v52+s11+$0x0] =	vst.idx.msk $0xffff, v53  }
0x163: {  	_ =	sdelay $0x3  }
0x164: {  	v32 =	vld.idx.msk [tilespmem:v32+s4+$0x0], $0xffff;
	[tilespmem:v41+s11+$0x0] =	vst.idx.msk $0xffff, v46  }
0x165: {  	v34 =	vld.idx.msk [tilespmem:v34+s4+$0x0], $0xffff;
	_ =	sdelay $0x1  }
0x166: {  	[tilespmem:v48+s11+$0x0] =	vst.idx.msk $0xffff, v50  }
0x167: {  	v50 =	vld.idx.msk [tilespmem:v49+s4+$0x0], $0xffff;
	v51 =	vmul.f32 v47, v6  }
0x168: {  	v32 =	vmul.f32 v32, v14  }
0x169: {  	v52 =	vadd.s32 $0x4E20, v8;
	[tilespmem:v35+s11+$0x0] =	vst.idx.msk $0xffff, v51;
	v34 =	vmul.f32 v34, v27  }
0x16a: {  	v53 =	vmul.f32 v45, v4;
	v17 =	vadd.s32 $0x7530, v17;
	[tilespmem:v36+s11+$0x0] =	vst.idx.msk $0xffff, v32;
	v24 =	vld.idx.msk [tilespmem:v24+s4+$0x0], $0xffff  }
0x16b: {  	v54 =	vmul.f32 v42, v3;
	[tilespmem:v38+s11+$0x0] =	vst.idx.msk $0xffff, v34;
	v25 =	vld.idx.msk [tilespmem:v25+s4+$0x0], $0xffff  }
0x16c: {  	[tilespmem:v19+s11+$0x0] =	vst.idx.msk $0xffff, v53;
	v55 =	vmul.f32 v50, v9;
	v26 =	vld.idx.msk [tilespmem:v26+s4+$0x0], $0xffff  }
0x16d: {  	v56 =	vmul.f32 v43, v5;
	[tilespmem:v23+s11+$0x0] =	vst.idx.msk $0xffff, v54  }
0x16e: {  	v1 =	vmul.f32 v44, v1;
	v18 =	vld.idx.msk [tilespmem:v18+s4+$0x0], $0xffff;
	[tilespmem:v52+s11+$0x0] =	vst.idx.msk $0xffff, v55  }
0x16f: {  	[tilespmem:v21+s11+$0x0] =	vst.idx.msk $0xffff, v56;
	v17 =	vld.idx.msk [tilespmem:v17+s4+$0x0], $0xffff;
	v57 =	vmul.f32 v24, v6  }
0x170: {  	[tilespmem:v11+s11+$0x0] =	vst.idx.msk $0xffff, v1;
	v1 =	vld.idx.msk [tilespmem:v12+s4+$0x0], $0xffff;
	v58 =	vmul.f32 v25, v14  }
0x171: {  	v59 =	vadd.s32 $0x7530, v8;
	v60 =	vld.idx.msk [tilespmem:v13+s4+$0x0], $0xffff;
	[tilespmem:v39+s11+$0x0] =	vst.idx.msk $0xffff, v57;
	v61 =	vmul.f32 v26, v27  }
0x172: {  	v2 =	vmul.f32 v40, v2;
	v19 =	vld.idx.msk [tilespmem:v28+s4+$0x0], $0xffff;
	[tilespmem:v33+s11+$0x0] =	vst.idx.msk $0xffff, v58  }
0x173: {  	v62 =	vmul.f32 v18, v4;
	[tilespmem:v37+s11+$0x0] =	vst.idx.msk $0xffff, v61;
	v11 =	vld.idx.msk [tilespmem:v20+s4+$0x0], $0xffff  }
0x174: {  	[tilespmem:v7+s11+$0x0] =	vst.idx.msk $0xffff, v2;
	v2 =	vmul.f32 v17, v9;
	v63 =	vld.idx.msk [tilespmem:v22+s4+$0x0], $0xffff  }
0x175: {  	s14 =	sadd.s32 $0x1, s14;
	v1 =	vmul.f32 v1, v3;
	[tilespmem:v10+s11+$0x0] =	vst.idx.msk $0xffff, v62  }
0x176: {  	p0 =	sne.s32 s14, $0x32;
	[tilespmem:v59+s11+$0x0] =	vst.idx.msk $0xffff, v2;
	v2 =	vmul.f32 v60, v5  }
.Ltmp14:
0x177: {  	[tilespmem:v15+s11+$0x0] =	vst.idx.msk $0xffff, v1;
	v1 =	vmul.f32 v19, v6;
	(pc) =	sbr.rel @p0 .LBB2_11-.Ltmp14, $4  }
0x178: {  	[tilespmem:v16+s11+$0x0] =	vst.idx.msk $0xffff, v2;
	v2 =	vmul.f32 v11, v14  }
0x179: {  	[tilespmem:v29+s11+$0x0] =	vst.idx.msk $0xffff, v1;
	v1 =	vmul.f32 v63, v27  }
0x17a: {  	[tilespmem:v31+s11+$0x0] =	vst.idx.msk $0xffff, v2  }
0x17b: {  	[tilespmem:v30+s11+$0x0] =	vst.idx.msk $0xffff, v1  }
0x17c: {  	s13 =	sadd.s32 $0x1, s13  }
0x17d: {  	p0 =	sne.s32 s13, s8  }
.Ltmp15:
0x17e: {  	_ = 	snop;
	(pc) =	sbr.rel @p0 .LBB2_1-.Ltmp15, $4  }
0x17f: {  	[hbm4b:s7+s4] =	stream.linear.scatter [tilespmem:s11], [sflag:$0x3], $0x9C40, $0x38;
	[tilespmem:$0x18400] =	vst v63  }
0x180: {  	_ =	swait.ge [sflag:s9], $0x9C40  }
0x181: {  	[sflag:s9] =	ssyncset.done $0x0  }
0x182: {  	[sflag:s9] =	ssyncadd.s32 $0xFFFF63C0  }
0x183: {  	_ =	sfence.sel $0x180000  }
0x184: {  	[bflag:$0x0] =	sbarrier.arrive $0xFFFF  }
0x185: {  	p0 =	sne.s32 s0, $0x0;
	_ =	strace $0x90000047  }
0x186: {  	s0 =	sadd.s32 @!p0 $0x100000, s1;
	[bflag:$0x2] =	sbarrier.arrive $0xFFFF  }
0x187: {  	[sflag:s0] =	ssyncadd.tile.s32 @!p0 $0x1;
	_ =	shalt  }
.Lfunc_end2:
_tile_overlayer_lowered:
.L_overlay_start_2:
0x188: {  	(tag) =	ssettag $0x2  }
0x189: {  	s0 =	rddreg [dreg:$0x0];
	s2 =	stileid.u32  }
0x18a: {  	s1 =	rddreg [dreg:$0x1];
	p0 =	sne.s32 s2, $0x0  }
0x18b: {  	s3 =	rddreg [dreg:$0x2];
	[bflag:$0x3] =	sbarrier.arrive $0xFFFF;
	s2 =	simm.s32 @!p0 $0x1C03  }
0x18c: {  	[timem:s3], [sflag:s2] =	dma.local @!p0 [hbm:s0], s1  }
0x18d: {  	s0 =	simm.s32 @!p0 $0x3  }
0x18e: {  	_ =	swait.ge @!p0 [sflag:s0], s1  }
0x18f: {  	s1 =	ssub.s32 @!p0 $0x0, s1;
	[sflag:s0] =	ssyncset.done @!p0 $0x0  }
0x190: {  	[sflag:s0] =	ssyncadd.s32 @!p0 s1  }
0x191: {  	[bflag:$0x3] =	sbarrier.arrive $0xFFFF  }
0x192: {  	_ =	shalt  }

</sc_bundles>
